<compile_context>
chip_gen: v7x
topology: tpu7x:2x2x1
jax: 0.10.2.dev20260603
libtpu: 0.0.44.dev20260713+nightly
codegen_flags: <defaults>
</compile_context>

<pallas_src>
import functools

import jax
import jax.numpy as jnp
from jax import lax
from jax.experimental import pallas as pl
from jax.experimental.pallas import tpu as pltpu
from jax.experimental.pallas import tpu_sc as plsc

N = 100000
E = 3200000
D_IN = 16
H = 64

NC = 2
NS = 16
NW = NC * NS

N_ACC = 102400
RPT = N_ACC // NS
ZCH = 400
NPK = N_ACC // 8
NDG = N_ACC // 128

CH = 512
CHR = CH // 128
E_TOT = E + N
EW = 103424
E_PAD = EW * NW
WROWS = EW // 128
G = EW // CH
RROWS = E // 128
DTCH = RROWS // CHR

BP = 1600
GRID = NPK // BP

_mesh = plsc.VectorSubcoreMesh(core_axis_name="c", subcore_axis_name="s")



@functools.partial(
    pl.kernel,
    out_type=jax.ShapeDtypeStruct((NC, N_ACC), jnp.float32),
    mesh=_mesh,
    scratch_types=[
        pltpu.VMEM((CHR, 128), jnp.int32),
        pltpu.VMEM((128,), jnp.float32),
        pltpu.VMEM((3200,), jnp.float32),
        pltpu.VMEM_SHARED((N_ACC,), jnp.float32),
        pltpu.SemaphoreType.DMA,
    ],
    compiler_params=pltpu.CompilerParams(use_tc_tiling_on_sc=False),
)
def _deg_kernel(dst_hbm, ones_hbm, zeros_hbm, out_hbm,
                dst_v, ones_v, buf_v, acc_sh, sem):
    c = lax.axis_index("c")
    s = lax.axis_index("s")
    w = c * NS + s

    pltpu.sync_copy(ones_hbm, ones_v)
    pltpu.sync_copy(zeros_hbm, buf_v)

    def zero(k, _):
        pltpu.sync_copy(buf_v, acc_sh.at[pl.ds(s * RPT + k * 3200, 3200)])
        return 0
    lax.fori_loop(0, RPT // 3200, zero, 0)
    plsc.subcore_barrier()

    gbase = (DTCH // NW) * w + jnp.minimum(w, DTCH % NW)
    gcnt = DTCH // NW + jnp.where(w < DTCH % NW, 1, 0)

    def body(g, _):
        rb = (gbase + g) * CHR
        pltpu.sync_copy(dst_hbm.at[pl.ds(rb, CHR)], dst_v)
        cps = [
            pltpu.async_copy(ones_v, acc_sh.at[dst_v.at[j]], sem, add=True)
            for j in range(CHR)
        ]
        for cp in cps:
            cp.wait()
        return 0
    lax.fori_loop(0, gcnt, body, 0)
    plsc.subcore_barrier()

    def wout(k, _):
        base = s * RPT + k * 3200
        pltpu.sync_copy(acc_sh.at[pl.ds(base, 3200)], buf_v)
        pltpu.sync_copy(buf_v, out_hbm.at[c].at[pl.ds(base, 3200)])
        return 0
    lax.fori_loop(0, RPT // 3200, wout, 0)


def _make_agg(width):

    @functools.partial(
        pl.kernel,
        out_type=jax.ShapeDtypeStruct((NC, N_ACC, width), jnp.float32),
        mesh=_mesh,
        scratch_types=[
            pltpu.VMEM((2, CHR, 128), jnp.int32),
            pltpu.VMEM((2, CHR, 128), jnp.int32),
            pltpu.VMEM((2, CH, width), jnp.float32),
            pltpu.VMEM_SHARED((N_ACC, width), jnp.float32),
            pltpu.SemaphoreType.DMA((2,)),
        ],
        compiler_params=pltpu.CompilerParams(use_tc_tiling_on_sc=False),
    )
    def _agg(src_hbm, dst_hbm, val_hbm, zeros_hbm, out_hbm,
             src_v, dst_v, rows_v, acc_sh, sems):
        c = lax.axis_index("c")
        s = lax.axis_index("s")
        w = c * NS + s
        buf_v = rows_v.at[0].at[pl.ds(0, ZCH)]

        pltpu.sync_copy(zeros_hbm, buf_v)

        def zero(k, _):
            pltpu.sync_copy(buf_v, acc_sh.at[pl.ds(s * RPT + k * ZCH, ZCH)])
            return 0
        lax.fori_loop(0, RPT // ZCH, zero, 0)
        plsc.subcore_barrier()

        def load_and_fire(g, bank):
            rb = w * WROWS + g * CHR
            pltpu.sync_copy(src_hbm.at[pl.ds(rb, CHR)], src_v.at[bank])
            pltpu.sync_copy(dst_hbm.at[pl.ds(rb, CHR)], dst_v.at[bank])
            for j in range(CHR):
                pltpu.async_copy(val_hbm.at[src_v.at[bank].at[j]],
                                 rows_v.at[bank].at[pl.ds(j * 128, 128)],
                                 sems.at[bank])

        load_and_fire(0, 0)

        def body(g, _):
            b = lax.rem(g, 2)

            @pl.when(g + 1 < G)
            def _prefetch():
                load_and_fire(g + 1, 1 - b)

            pltpu.make_async_copy(val_hbm.at[pl.ds(0, CH)],
                                  rows_v.at[b], sems.at[b]).wait()
            for j in range(CHR):
                pltpu.sync_copy(rows_v.at[b].at[pl.ds(j * 128, 128)],
                                acc_sh.at[dst_v.at[b].at[j]], add=True)
            return 0
        lax.fori_loop(0, G, body, 0)
        plsc.subcore_barrier()

        def wout(k, _):
            base = s * RPT + k * ZCH
            pltpu.sync_copy(acc_sh.at[pl.ds(base, ZCH)], buf_v)
            pltpu.sync_copy(buf_v, out_hbm.at[c].at[pl.ds(base, ZCH)])
            return 0
        lax.fori_loop(0, RPT // ZCH, wout, 0)

    return _agg


_agg_x = _make_agg(D_IN)
_agg_p = _make_agg(8)



def _dinv_body(deg_ref, dinv_ref):
    dd = deg_ref[...]
    deg = dd[0] + dd[1] + 1.0
    node = (lax.broadcasted_iota(jnp.int32, (NDG, 128), 0) * 128
            + lax.broadcasted_iota(jnp.int32, (NDG, 128), 1))
    dinv_ref[...] = jnp.where(node < N, lax.rsqrt(deg), 0.0)


def _dinv_call(degp):
    return pl.pallas_call(
        _dinv_body,
        out_shape=jax.ShapeDtypeStruct((NDG, 128), jnp.float32),
    )(degp)


def _prep_body(dinv8_ref, x_ref, k_ref, dinv16_ref, xp_ref):
    d16 = lax.dot_general(dinv8_ref[...], k_ref[...], (((1,), (0,)), ((), ())),
                          preferred_element_type=jnp.float32)
    dinv16_ref[...] = d16
    xp_ref[...] = d16 * x_ref[...]


def _prep_call(dinv8, x_packed, kmat):
    return pl.pallas_call(
        _prep_body,
        grid=(GRID,),
        in_specs=[
            pl.BlockSpec((BP, 8), lambda i: (i, 0)),
            pl.BlockSpec((BP, 128), lambda i: (i, 0)),
            pl.BlockSpec((8, 128), lambda i: (0, 0)),
        ],
        out_specs=[
            pl.BlockSpec((BP, 128), lambda i: (i, 0)),
            pl.BlockSpec((BP, 128), lambda i: (i, 0)),
        ],
        out_shape=[
            jax.ShapeDtypeStruct((NPK, 128), jnp.float32),
            jax.ShapeDtypeStruct((NPK, 128), jnp.float32),
        ],
    )(dinv8, x_packed, kmat)


def _mid_body(agg_ref, dinv_ref, m_ref, w2_ref, b1_ref, out_ref):
    a = agg_ref[...]
    s = dinv_ref[...] * (a[0] + a[1])
    hs = []
    for q in range(4):
        z = lax.dot_general(s, m_ref[q], (((1,), (0,)), ((), ())),
                            preferred_element_type=jnp.float32) + b1_ref[...]
        hs.append(jnp.maximum(z, 0.0))
    hcat = jnp.concatenate(hs, axis=1)
    p = lax.dot_general(hcat, w2_ref[...], (((1,), (0,)), ((), ())),
                        preferred_element_type=jnp.float32)
    out_ref[...] = dinv_ref[...] * p


def _mid_call(agg1, dinv16, mstack, w2pp, b1row):
    return pl.pallas_call(
        _mid_body,
        grid=(GRID,),
        in_specs=[
            pl.BlockSpec((NC, BP, 128), lambda i: (0, i, 0)),
            pl.BlockSpec((BP, 128), lambda i: (i, 0)),
            pl.BlockSpec((4, 128, 128), lambda i: (0, 0, 0)),
            pl.BlockSpec((512, 128), lambda i: (0, 0)),
            pl.BlockSpec((1, 128), lambda i: (0, 0)),
        ],
        out_specs=pl.BlockSpec((BP, 128), lambda i: (i, 0)),
        out_shape=jax.ShapeDtypeStruct((NPK, 128), jnp.float32),
    )(agg1, dinv16, mstack, w2pp, b1row)


def _final_body(agg_ref, dinv_ref, k8_ref, sel_ref, b2_ref, out_ref):
    a = agg_ref[...]
    d8 = lax.dot_general(dinv_ref[...], k8_ref[...], (((1,), (0,)), ((), ())),
                         preferred_element_type=jnp.float32)
    y = lax.dot_general(d8 * (a[0] + a[1]), sel_ref[...],
                        (((1,), (0,)), ((), ())),
                        preferred_element_type=jnp.float32)
    out_ref[...] = y + b2_ref[...]


def _final_call(agg2, dinv16c, k8, sel, b2row32):
    npf = N_ACC // 16
    bpf = npf // GRID
    return pl.pallas_call(
        _final_body,
        grid=(GRID,),
        in_specs=[
            pl.BlockSpec((NC, bpf, 128), lambda i: (0, i, 0)),
            pl.BlockSpec((bpf, 16), lambda i: (i, 0)),
            pl.BlockSpec((16, 128), lambda i: (0, 0)),
            pl.BlockSpec((128, 32), lambda i: (0, 0)),
            pl.BlockSpec((1, 32), lambda i: (0, 0)),
        ],
        out_specs=pl.BlockSpec((bpf, 32), lambda i: (i, 0)),
        out_shape=jax.ShapeDtypeStruct((npf, 32), jnp.float32),
    )(agg2, dinv16c, k8, sel, b2row32)



def kernel(x, edge_index, W1, b1, W2, b2):
    loop = jnp.arange(N, dtype=jnp.int32)
    srcA = jnp.full((E_PAD,), N, jnp.int32).at[:E].set(edge_index[0]) \
        .at[E:E + N].set(loop)
    dstA = jnp.full((E_PAD,), N, jnp.int32).at[:E].set(edge_index[1]) \
        .at[E:E + N].set(loop)
    src1_2d = srcA.reshape(-1, 128)
    src2_2d = (srcA * 2).reshape(-1, 128)
    dst2d = dstA.reshape(-1, 128)

    x_packed = jnp.pad(x.reshape(N // 8, 128), ((0, NPK - N // 8), (0, 0)))

    kmat = jnp.kron(jnp.eye(8, dtype=jnp.float32),
                    jnp.ones((1, 16), jnp.float32))
    mstack = jnp.zeros((4, 128, 128), jnp.float32)
    for q in range(4):
        mstack = mstack.at[q, 32 * q:32 * q + 16, 0:64].set(W1)
        mstack = mstack.at[q, 32 * q + 16:32 * q + 32, 64:128].set(W1)
    w2pp = jnp.zeros((512, 128), jnp.float32)
    for q in range(4):
        for c in range(2):
            a_ = 2 * q + c
            w2pp = w2pp.at[128 * q + 64 * c:128 * q + 64 * c + 64,
                           16 * a_:16 * a_ + 2].set(W2)
    k8 = jnp.kron(jnp.eye(16, dtype=jnp.float32),
                  jnp.ones((1, 8), jnp.float32))
    sel = jnp.zeros((128, 32), jnp.float32)
    for a_ in range(16):
        for b_ in range(2):
            sel = sel.at[8 * a_ + b_, 2 * a_ + b_].set(1.0)
    b1row = jnp.tile(b1, 2).reshape(1, 128)
    b2row32 = jnp.tile(b2, 16).reshape(1, 32)

    ones128 = jnp.ones((128,), jnp.float32)
    zeros3200 = jnp.zeros((3200,), jnp.float32)
    zrows16 = jnp.zeros((ZCH, D_IN), jnp.float32)
    zrows8 = jnp.zeros((ZCH, 8), jnp.float32)

    dst_raw = edge_index[1].reshape(RROWS, 128)
    degp = _deg_kernel(dst_raw, ones128, zeros3200)
    dinvf = _dinv_call(degp.reshape(NC, NDG, 128))
    dinv16, xp = _prep_call(dinvf.reshape(NPK, 8), x_packed, kmat)

    agg1 = _agg_x(src1_2d, dst2d, xp.reshape(N_ACC, D_IN), zrows16)
    P2 = _mid_call(agg1.reshape(NC, NPK, 128), dinv16, mstack, w2pp, b1row)

    agg2 = _agg_p(src2_2d, dst2d, P2.reshape(2 * N_ACC, 8), zrows8)
    out = _final_call(agg2.reshape(NC, N_ACC // 16, 128),
                      dinvf.reshape(N_ACC // 16, 16), k8, sel, b2row32)
    return out[:N // 16].reshape(N, 2)

# --- scband reference (transcript-rebuilt; emitter-appended) ---
"""Pipeline reference for scband-bot-gcn-6957847019951 (READ-ONLY COPY).

The authoritative reference and input builder live on the scoring server;
editing this copy changes nothing except your own understanding.
"""

import jax, jax.numpy as jnp
import numpy as np

N = 100000
E = 3200000
D_IN = 16
H = 64
C = 2


def gcn_conv(x, src, dst, norm, W, b, n):
    h = x @ W
    msgs = h[src] * norm[:, None]
    out = jax.ops.segment_sum(msgs, dst, num_segments=n)
    return out + b


def setup_inputs(seed: int = 0) -> dict:
    key = jax.random.key(seed)
    k1, k2, k3, k4 = jax.random.split(key, 4)
    x = jax.random.normal(k1, (N, D_IN), dtype=jnp.float32)
    edge_index = jax.random.randint(k2, (2, E), 0, N, dtype=jnp.int32)
    W1 = jax.random.normal(k3, (D_IN, H), dtype=jnp.float32) / jnp.sqrt(float(D_IN))
    b1 = jnp.zeros((H,), dtype=jnp.float32)
    W2 = jax.random.normal(k4, (H, C), dtype=jnp.float32) / jnp.sqrt(float(H))
    b2 = jnp.zeros((C,), dtype=jnp.float32)
    return {"x": x, "edge_index": edge_index, "W1": W1, "b1": b1, "W2": W2, "b2": b2}


def reference(x, edge_index, W1, b1, W2, b2):
    n = x.shape[0]
    loop = jnp.arange(n, dtype=edge_index.dtype)
    # GCNConv adds self-loops and applies symmetric normalization D^{-1/2} A D^{-1/2}
    src = jnp.concatenate([edge_index[0], loop])
    dst = jnp.concatenate([edge_index[1], loop])
    deg = jax.ops.segment_sum(jnp.ones(src.shape, dtype=x.dtype), dst, num_segments=n)
    dinv = jnp.where(deg > 0, 1.0 / jnp.sqrt(deg), 0.0)
    norm = dinv[src] * dinv[dst]
    h = gcn_conv(x, src, dst, norm, W1, b1, n)
    h = jax.nn.relu(h)
    # F.dropout with training=False is the identity (eval-mode forward)
    out = gcn_conv(h, src, dst, norm, W2, b2, n)
    return out

if __name__ == "__main__":
    import jax
    _d = setup_inputs()
    print(jax.jit(kernel)(*tuple(_d.values())))

</pallas_src>

<mosaic_0001>
#map = affine_map<(d0, d1) -> (0, 0)>
#map1 = affine_map<(d0, d1) -> (0)>
module attributes {stable_mosaic.version = 14 : i64} {
  func.func @_deg_kernel(%arg0: i32, %arg1: i32, %arg2: memref<25000x128xi32, #tpu.memory_space<hbm>>, %arg3: memref<128xf32, #tpu.memory_space<hbm>>, %arg4: memref<3200xf32, #tpu.memory_space<hbm>>, %arg5: memref<2x102400xf32, #tpu.memory_space<hbm>>, %arg6: memref<4x128xi32, #tpu.memory_space<vmem>>, %arg7: memref<128xf32, #tpu.memory_space<vmem>>, %arg8: memref<3200xf32, #tpu.memory_space<vmem>>, %arg9: memref<102400xf32, #tpu.memory_space<vmem_shared>>, %arg10: memref<!tpu.dma_semaphore, #tpu.memory_space<semaphore_mem>>) attributes {dimension_semantics = [#tpu.dimension_semantics<core_parallel>, #tpu.dimension_semantics<subcore_parallel>], iteration_bounds = array<i64: 2, 16>, scalar_prefetch = 0 : i64, scratch_operands = 5 : i64, tpu.core_type = #tpu.core_type<sc_vector_subcore>, window_params = [{transform_indices = #map}, {transform_indices = #map1}, {transform_indices = #map1}, {transform_indices = #map}]} {
    %mul3A = arith.constant 16 : i32
    %mul3A_0 = arith.muli %arg0, %mul3A : i32
    %add3A = arith.addi %mul3A_0, %arg1 : i32
    "tpu.region"() ({
      %run_scoped3A = tpu.sem_alloc : memref<!tpu.dma_semaphore, #tpu.memory_space<semaphore_mem>>
      tpu.enqueue_dma source(%arg3 : memref<128xf32, #tpu.memory_space<hbm>>) target(%arg7 : memref<128xf32, #tpu.memory_space<vmem>>) target_semaphore(%run_scoped3A : memref<!tpu.dma_semaphore, #tpu.memory_space<semaphore_mem>>)
      tpu.wait_dma2 semaphore(%run_scoped3A : memref<!tpu.dma_semaphore, #tpu.memory_space<semaphore_mem>>) src(%arg3 : memref<128xf32, #tpu.memory_space<hbm>>) dst(%arg7 : memref<128xf32, #tpu.memory_space<vmem>>)
      tpu.yield
    }) : () -> ()
    "tpu.region"() ({
      %run_scoped3A = tpu.sem_alloc : memref<!tpu.dma_semaphore, #tpu.memory_space<semaphore_mem>>
      tpu.enqueue_dma source(%arg4 : memref<3200xf32, #tpu.memory_space<hbm>>) target(%arg8 : memref<3200xf32, #tpu.memory_space<vmem>>) target_semaphore(%run_scoped3A : memref<!tpu.dma_semaphore, #tpu.memory_space<semaphore_mem>>)
      tpu.wait_dma2 semaphore(%run_scoped3A : memref<!tpu.dma_semaphore, #tpu.memory_space<semaphore_mem>>) src(%arg4 : memref<3200xf32, #tpu.memory_space<hbm>>) dst(%arg8 : memref<3200xf32, #tpu.memory_space<vmem>>)
      tpu.yield
    }) : () -> ()
    %scan3A = arith.constant 0 : i32
    %scan3A_1 = arith.constant 0 : i32
    %scan3A_2 = arith.constant 2 : i32
    %scan3A_3 = arith.addi %scan3A_1, %scan3A_2 : i32
    %scan3A_4 = arith.constant 1 : i32
    %scan3A_5 = scf.for %scan3A_34 = %scan3A_1 to %scan3A_3 step %scan3A_4 iter_args(%scan3A_35 = %scan3A) -> (i32)  : i32 {
      %mul3A_36 = arith.constant 6400 : i32
      %mul3A_37 = arith.muli %arg1, %mul3A_36 : i32
      %mul3A_38 = arith.constant 3200 : i32
      %mul3A_39 = arith.muli %scan3A_34, %mul3A_38 : i32
      %add3A_40 = arith.addi %mul3A_37, %mul3A_39 : i32
      "tpu.region"() ({
        %run_scoped3A = tpu.sem_alloc : memref<!tpu.dma_semaphore, #tpu.memory_space<semaphore_mem>>
        %dma_start3A = tpu.memref_slice %arg9[%add3A_40] : memref<102400xf32, #tpu.memory_space<vmem_shared>> -> memref<3200xf32, #tpu.memory_space<vmem_shared>>
        %dma_start3A_42 = tpu.memref_slice %arg9[%add3A_40] : memref<102400xf32, #tpu.memory_space<vmem_shared>> -> memref<3200xf32, #tpu.memory_space<vmem_shared>>
        tpu.enqueue_dma source(%arg8 : memref<3200xf32, #tpu.memory_space<vmem>>) target(%dma_start3A_42 : memref<3200xf32, #tpu.memory_space<vmem_shared>>) target_semaphore(%run_scoped3A : memref<!tpu.dma_semaphore, #tpu.memory_space<semaphore_mem>>)
        %dma_wait3A = tpu.memref_slice %arg9[%add3A_40] : memref<102400xf32, #tpu.memory_space<vmem_shared>> -> memref<3200xf32, #tpu.memory_space<vmem_shared>>
        %dma_wait3A_43 = tpu.memref_slice %arg9[%add3A_40] : memref<102400xf32, #tpu.memory_space<vmem_shared>> -> memref<3200xf32, #tpu.memory_space<vmem_shared>>
        tpu.wait_dma2 semaphore(%run_scoped3A : memref<!tpu.dma_semaphore, #tpu.memory_space<semaphore_mem>>) src(%arg8 : memref<3200xf32, #tpu.memory_space<vmem>>) dst(%dma_wait3A_43 : memref<3200xf32, #tpu.memory_space<vmem_shared>>)
        tpu.yield
      }) : () -> ()
      %scan3A_41 = arith.constant 0 : i32
      scf.yield %scan3A_41 : i32
    }
    %scan3A_6 = arith.constant 2 : i32
    %barrier3A = arith.constant 0 : index
    tpu.barrier barrier_id(%barrier3A)
    %mul3A_7 = arith.constant 195 : i32
    %mul3A_8 = arith.muli %mul3A_7, %add3A : i32
    %min3A = arith.constant 10 : i32
    %min3A_9 = arith.minsi %add3A, %min3A : i32
    %add3A_10 = arith.addi %mul3A_8, %min3A_9 : i32
    %lt3A = arith.constant 10 : i32
    %lt3A_11 = arith.cmpi slt, %add3A, %lt3A : i32
    %jit3A = arith.constant 1 : i32
    %jit3A_12 = arith.constant 0 : i32
    %select_n3A = arith.select %lt3A_11, %jit3A, %jit3A_12 : i32
    %add3A_13 = arith.constant 195 : i32
    %add3A_14 = arith.addi %add3A_13, %select_n3A : i32
    %while3A = arith.constant 0 : i32
    %while3A_15 = arith.constant 0 : i32
    %while3A_16 = arith.subi %add3A_14, %while3A : i32
    %while3A_17 = arith.addi %while3A, %while3A_16 : i32
    %while3A_18 = arith.constant 1 : i32
    %while3A_19 = arith.divsi %while3A_16, %while3A_18 : i32
    %while3A_20 = arith.muli %while3A_19, %while3A_18 : i32
    %while3A_21 = arith.addi %while3A, %while3A_20 : i32
    %while3A_22 = arith.constant 1 : i32
    %while3A_23 = scf.for %while3A_34 = %while3A to %while3A_21 step %while3A_22 iter_args(%while3A_35 = %while3A_15) -> (i32)  : i32 {
      %add3A_36 = arith.addi %add3A_10, %while3A_34 : i32
      %mul3A_37 = arith.constant 4 : i32
      %mul3A_38 = arith.muli %add3A_36, %mul3A_37 : i32
      "tpu.region"() ({
        %run_scoped3A = tpu.sem_alloc : memref<!tpu.dma_semaphore, #tpu.memory_space<semaphore_mem>>
        %dma_start3A_86 = arith.constant 0 : i32
        %dma_start3A_87 = tpu.memref_slice %arg2[%mul3A_38, %dma_start3A_86] : memref<25000x128xi32, #tpu.memory_space<hbm>> -> memref<4x128xi32, #tpu.memory_space<hbm>>
        %dma_start3A_88 = arith.constant 0 : i32
        %dma_start3A_89 = tpu.memref_slice %arg2[%mul3A_38, %dma_start3A_88] : memref<25000x128xi32, #tpu.memory_space<hbm>> -> memref<4x128xi32, #tpu.memory_space<hbm>>
        tpu.enqueue_dma source(%dma_start3A_89 : memref<4x128xi32, #tpu.memory_space<hbm>>) target(%arg6 : memref<4x128xi32, #tpu.memory_space<vmem>>) target_semaphore(%run_scoped3A : memref<!tpu.dma_semaphore, #tpu.memory_space<semaphore_mem>>)
        %dma_wait3A_90 = arith.constant 0 : i32
        %dma_wait3A_91 = tpu.memref_slice %arg2[%mul3A_38, %dma_wait3A_90] : memref<25000x128xi32, #tpu.memory_space<hbm>> -> memref<4x128xi32, #tpu.memory_space<hbm>>
        %dma_wait3A_92 = arith.constant 0 : i32
        %dma_wait3A_93 = tpu.memref_slice %arg2[%mul3A_38, %dma_wait3A_92] : memref<25000x128xi32, #tpu.memory_space<hbm>> -> memref<4x128xi32, #tpu.memory_space<hbm>>
        tpu.wait_dma2 semaphore(%run_scoped3A : memref<!tpu.dma_semaphore, #tpu.memory_space<semaphore_mem>>) src(%dma_wait3A_93 : memref<4x128xi32, #tpu.memory_space<hbm>>) dst(%arg6 : memref<4x128xi32, #tpu.memory_space<vmem>>)
        tpu.yield
      }) : () -> ()
      %dma_start3A = arith.constant 0 : i32
      %dma_start3A_39 = arith.constant 0 : i32
      %dma_start3A_40 = tpu.memref_slice %arg6[%dma_start3A, %dma_start3A_39] : memref<4x128xi32, #tpu.memory_space<vmem>> -> memref<1x128xi32, #tpu.memory_space<vmem>>
      %dma_start3A_41 = tpu.memref_squeeze %dma_start3A_40 : memref<1x128xi32, #tpu.memory_space<vmem>> -> memref<128xi32, #tpu.memory_space<vmem>>
      %dma_start3A_42 = arith.constant 0 : i32
      %dma_start3A_43 = tpu.memref_slice %arg9[%dma_start3A_42] : memref<102400xf32, #tpu.memory_space<vmem_shared>> -> memref<102400xf32, #tpu.memory_space<vmem_shared>>
      tpu.enqueue_indirect_dma source(%arg7 : memref<128xf32, #tpu.memory_space<vmem>>) target(%dma_start3A_43 : memref<102400xf32, #tpu.memory_space<vmem_shared>>) offsets(%dma_start3A_41 : memref<128xi32, #tpu.memory_space<vmem>>) semaphore(%arg10 : memref<!tpu.dma_semaphore, #tpu.memory_space<semaphore_mem>>) {add = true}
      %dma_start3A_44 = arith.constant 1 : i32
      %dma_start3A_45 = arith.constant 0 : i32
      %dma_start3A_46 = tpu.memref_slice %arg6[%dma_start3A_44, %dma_start3A_45] : memref<4x128xi32, #tpu.memory_space<vmem>> -> memref<1x128xi32, #tpu.memory_space<vmem>>
      %dma_start3A_47 = tpu.memref_squeeze %dma_start3A_46 : memref<1x128xi32, #tpu.memory_space<vmem>> -> memref<128xi32, #tpu.memory_space<vmem>>
      %dma_start3A_48 = arith.constant 0 : i32
      %dma_start3A_49 = tpu.memref_slice %arg9[%dma_start3A_48] : memref<102400xf32, #tpu.memory_space<vmem_shared>> -> memref<102400xf32, #tpu.memory_space<vmem_shared>>
      tpu.enqueue_indirect_dma source(%arg7 : memref<128xf32, #tpu.memory_space<vmem>>) target(%dma_start3A_49 : memref<102400xf32, #tpu.memory_space<vmem_shared>>) offsets(%dma_start3A_47 : memref<128xi32, #tpu.memory_space<vmem>>) semaphore(%arg10 : memref<!tpu.dma_semaphore, #tpu.memory_space<semaphore_mem>>) {add = true}
      %dma_start3A_50 = arith.constant 2 : i32
      %dma_start3A_51 = arith.constant 0 : i32
      %dma_start3A_52 = tpu.memref_slice %arg6[%dma_start3A_50, %dma_start3A_51] : memref<4x128xi32, #tpu.memory_space<vmem>> -> memref<1x128xi32, #tpu.memory_space<vmem>>
      %dma_start3A_53 = tpu.memref_squeeze %dma_start3A_52 : memref<1x128xi32, #tpu.memory_space<vmem>> -> memref<128xi32, #tpu.memory_space<vmem>>
      %dma_start3A_54 = arith.constant 0 : i32
      %dma_start3A_55 = tpu.memref_slice %arg9[%dma_start3A_54] : memref<102400xf32, #tpu.memory_space<vmem_shared>> -> memref<102400xf32, #tpu.memory_space<vmem_shared>>
      tpu.enqueue_indirect_dma source(%arg7 : memref<128xf32, #tpu.memory_space<vmem>>) target(%dma_start3A_55 : memref<102400xf32, #tpu.memory_space<vmem_shared>>) offsets(%dma_start3A_53 : memref<128xi32, #tpu.memory_space<vmem>>) semaphore(%arg10 : memref<!tpu.dma_semaphore, #tpu.memory_space<semaphore_mem>>) {add = true}
      %dma_start3A_56 = arith.constant 3 : i32
      %dma_start3A_57 = arith.constant 0 : i32
      %dma_start3A_58 = tpu.memref_slice %arg6[%dma_start3A_56, %dma_start3A_57] : memref<4x128xi32, #tpu.memory_space<vmem>> -> memref<1x128xi32, #tpu.memory_space<vmem>>
      %dma_start3A_59 = tpu.memref_squeeze %dma_start3A_58 : memref<1x128xi32, #tpu.memory_space<vmem>> -> memref<128xi32, #tpu.memory_space<vmem>>
      %dma_start3A_60 = arith.constant 0 : i32
      %dma_start3A_61 = tpu.memref_slice %arg9[%dma_start3A_60] : memref<102400xf32, #tpu.memory_space<vmem_shared>> -> memref<102400xf32, #tpu.memory_space<vmem_shared>>
      tpu.enqueue_indirect_dma source(%arg7 : memref<128xf32, #tpu.memory_space<vmem>>) target(%dma_start3A_61 : memref<102400xf32, #tpu.memory_space<vmem_shared>>) offsets(%dma_start3A_59 : memref<128xi32, #tpu.memory_space<vmem>>) semaphore(%arg10 : memref<!tpu.dma_semaphore, #tpu.memory_space<semaphore_mem>>) {add = true}
      %dma_wait3A = arith.constant 0 : i32
      %dma_wait3A_62 = arith.constant 0 : i32
      %dma_wait3A_63 = tpu.memref_slice %arg6[%dma_wait3A, %dma_wait3A_62] : memref<4x128xi32, #tpu.memory_space<vmem>> -> memref<1x128xi32, #tpu.memory_space<vmem>>
      %dma_wait3A_64 = tpu.memref_squeeze %dma_wait3A_63 : memref<1x128xi32, #tpu.memory_space<vmem>> -> memref<128xi32, #tpu.memory_space<vmem>>
      %dma_wait3A_65 = arith.constant 0 : i32
      %dma_wait3A_66 = tpu.memref_slice %arg9[%dma_wait3A_65] : memref<102400xf32, #tpu.memory_space<vmem_shared>> -> memref<102400xf32, #tpu.memory_space<vmem_shared>>
      tpu.wait_indirect_dma semaphore(%arg10 : memref<!tpu.dma_semaphore, #tpu.memory_space<semaphore_mem>>) src(%arg7 : memref<128xf32, #tpu.memory_space<vmem>>) dst(%dma_wait3A_66 : memref<102400xf32, #tpu.memory_space<vmem_shared>>)
      %dma_wait3A_67 = arith.constant 1 : i32
      %dma_wait3A_68 = arith.constant 0 : i32
      %dma_wait3A_69 = tpu.memref_slice %arg6[%dma_wait3A_67, %dma_wait3A_68] : memref<4x128xi32, #tpu.memory_space<vmem>> -> memref<1x128xi32, #tpu.memory_space<vmem>>
      %dma_wait3A_70 = tpu.memref_squeeze %dma_wait3A_69 : memref<1x128xi32, #tpu.memory_space<vmem>> -> memref<128xi32, #tpu.memory_space<vmem>>
      %dma_wait3A_71 = arith.constant 0 : i32
      %dma_wait3A_72 = tpu.memref_slice %arg9[%dma_wait3A_71] : memref<102400xf32, #tpu.memory_space<vmem_shared>> -> memref<102400xf32, #tpu.memory_space<vmem_shared>>
      tpu.wait_indirect_dma semaphore(%arg10 : memref<!tpu.dma_semaphore, #tpu.memory_space<semaphore_mem>>) src(%arg7 : memref<128xf32, #tpu.memory_space<vmem>>) dst(%dma_wait3A_72 : memref<102400xf32, #tpu.memory_space<vmem_shared>>)
      %dma_wait3A_73 = arith.constant 2 : i32
      %dma_wait3A_74 = arith.constant 0 : i32
      %dma_wait3A_75 = tpu.memref_slice %arg6[%dma_wait3A_73, %dma_wait3A_74] : memref<4x128xi32, #tpu.memory_space<vmem>> -> memref<1x128xi32, #tpu.memory_space<vmem>>
      %dma_wait3A_76 = tpu.memref_squeeze %dma_wait3A_75 : memref<1x128xi32, #tpu.memory_space<vmem>> -> memref<128xi32, #tpu.memory_space<vmem>>
      %dma_wait3A_77 = arith.constant 0 : i32
      %dma_wait3A_78 = tpu.memref_slice %arg9[%dma_wait3A_77] : memref<102400xf32, #tpu.memory_space<vmem_shared>> -> memref<102400xf32, #tpu.memory_space<vmem_shared>>
      tpu.wait_indirect_dma semaphore(%arg10 : memref<!tpu.dma_semaphore, #tpu.memory_space<semaphore_mem>>) src(%arg7 : memref<128xf32, #tpu.memory_space<vmem>>) dst(%dma_wait3A_78 : memref<102400xf32, #tpu.memory_space<vmem_shared>>)
      %dma_wait3A_79 = arith.constant 3 : i32
      %dma_wait3A_80 = arith.constant 0 : i32
      %dma_wait3A_81 = tpu.memref_slice %arg6[%dma_wait3A_79, %dma_wait3A_80] : memref<4x128xi32, #tpu.memory_space<vmem>> -> memref<1x128xi32, #tpu.memory_space<vmem>>
      %dma_wait3A_82 = tpu.memref_squeeze %dma_wait3A_81 : memref<1x128xi32, #tpu.memory_space<vmem>> -> memref<128xi32, #tpu.memory_space<vmem>>
      %dma_wait3A_83 = arith.constant 0 : i32
      %dma_wait3A_84 = tpu.memref_slice %arg9[%dma_wait3A_83] : memref<102400xf32, #tpu.memory_space<vmem_shared>> -> memref<102400xf32, #tpu.memory_space<vmem_shared>>
      tpu.wait_indirect_dma semaphore(%arg10 : memref<!tpu.dma_semaphore, #tpu.memory_space<semaphore_mem>>) src(%arg7 : memref<128xf32, #tpu.memory_space<vmem>>) dst(%dma_wait3A_84 : memref<102400xf32, #tpu.memory_space<vmem_shared>>)
      %while3A_85 = arith.constant 0 : i32
      scf.yield %while3A_85 : i32
    }
    %while3A_24 = arith.constant 1 : i32
    %while3A_25 = scf.for %while3A_34 = %while3A_21 to %while3A_17 step %while3A_24 iter_args(%while3A_35 = %while3A_23) -> (i32)  : i32 {
      %add3A_36 = arith.addi %add3A_10, %while3A_34 : i32
      %mul3A_37 = arith.constant 4 : i32
      %mul3A_38 = arith.muli %add3A_36, %mul3A_37 : i32
      "tpu.region"() ({
        %run_scoped3A = tpu.sem_alloc : memref<!tpu.dma_semaphore, #tpu.memory_space<semaphore_mem>>
        %dma_start3A_86 = arith.constant 0 : i32
        %dma_start3A_87 = tpu.memref_slice %arg2[%mul3A_38, %dma_start3A_86] : memref<25000x128xi32, #tpu.memory_space<hbm>> -> memref<4x128xi32, #tpu.memory_space<hbm>>
        %dma_start3A_88 = arith.constant 0 : i32
        %dma_start3A_89 = tpu.memref_slice %arg2[%mul3A_38, %dma_start3A_88] : memref<25000x128xi32, #tpu.memory_space<hbm>> -> memref<4x128xi32, #tpu.memory_space<hbm>>
        tpu.enqueue_dma source(%dma_start3A_89 : memref<4x128xi32, #tpu.memory_space<hbm>>) target(%arg6 : memref<4x128xi32, #tpu.memory_space<vmem>>) target_semaphore(%run_scoped3A : memref<!tpu.dma_semaphore, #tpu.memory_space<semaphore_mem>>)
        %dma_wait3A_90 = arith.constant 0 : i32
        %dma_wait3A_91 = tpu.memref_slice %arg2[%mul3A_38, %dma_wait3A_90] : memref<25000x128xi32, #tpu.memory_space<hbm>> -> memref<4x128xi32, #tpu.memory_space<hbm>>
        %dma_wait3A_92 = arith.constant 0 : i32
        %dma_wait3A_93 = tpu.memref_slice %arg2[%mul3A_38, %dma_wait3A_92] : memref<25000x128xi32, #tpu.memory_space<hbm>> -> memref<4x128xi32, #tpu.memory_space<hbm>>
        tpu.wait_dma2 semaphore(%run_scoped3A : memref<!tpu.dma_semaphore, #tpu.memory_space<semaphore_mem>>) src(%dma_wait3A_93 : memref<4x128xi32, #tpu.memory_space<hbm>>) dst(%arg6 : memref<4x128xi32, #tpu.memory_space<vmem>>)
        tpu.yield
      }) : () -> ()
      %dma_start3A = arith.constant 0 : i32
      %dma_start3A_39 = arith.constant 0 : i32
      %dma_start3A_40 = tpu.memref_slice %arg6[%dma_start3A, %dma_start3A_39] : memref<4x128xi32, #tpu.memory_space<vmem>> -> memref<1x128xi32, #tpu.memory_space<vmem>>
      %dma_start3A_41 = tpu.memref_squeeze %dma_start3A_40 : memref<1x128xi32, #tpu.memory_space<vmem>> -> memref<128xi32, #tpu.memory_space<vmem>>
      %dma_start3A_42 = arith.constant 0 : i32
      %dma_start3A_43 = tpu.memref_slice %arg9[%dma_start3A_42] : memref<102400xf32, #tpu.memory_space<vmem_shared>> -> memref<102400xf32, #tpu.memory_space<vmem_shared>>
      tpu.enqueue_indirect_dma source(%arg7 : memref<128xf32, #tpu.memory_space<vmem>>) target(%dma_start3A_43 : memref<102400xf32, #tpu.memory_space<vmem_shared>>) offsets(%dma_start3A_41 : memref<128xi32, #tpu.memory_space<vmem>>) semaphore(%arg10 : memref<!tpu.dma_semaphore, #tpu.memory_space<semaphore_mem>>) {add = true}
      %dma_start3A_44 = arith.constant 1 : i32
      %dma_start3A_45 = arith.constant 0 : i32
      %dma_start3A_46 = tpu.memref_slice %arg6[%dma_start3A_44, %dma_start3A_45] : memref<4x128xi32, #tpu.memory_space<vmem>> -> memref<1x128xi32, #tpu.memory_space<vmem>>
      %dma_start3A_47 = tpu.memref_squeeze %dma_start3A_46 : memref<1x128xi32, #tpu.memory_space<vmem>> -> memref<128xi32, #tpu.memory_space<vmem>>
      %dma_start3A_48 = arith.constant 0 : i32
      %dma_start3A_49 = tpu.memref_slice %arg9[%dma_start3A_48] : memref<102400xf32, #tpu.memory_space<vmem_shared>> -> memref<102400xf32, #tpu.memory_space<vmem_shared>>
      tpu.enqueue_indirect_dma source(%arg7 : memref<128xf32, #tpu.memory_space<vmem>>) target(%dma_start3A_49 : memref<102400xf32, #tpu.memory_space<vmem_shared>>) offsets(%dma_start3A_47 : memref<128xi32, #tpu.memory_space<vmem>>) semaphore(%arg10 : memref<!tpu.dma_semaphore, #tpu.memory_space<semaphore_mem>>) {add = true}
      %dma_start3A_50 = arith.constant 2 : i32
      %dma_start3A_51 = arith.constant 0 : i32
      %dma_start3A_52 = tpu.memref_slice %arg6[%dma_start3A_50, %dma_start3A_51] : memref<4x128xi32, #tpu.memory_space<vmem>> -> memref<1x128xi32, #tpu.memory_space<vmem>>
      %dma_start3A_53 = tpu.memref_squeeze %dma_start3A_52 : memref<1x128xi32, #tpu.memory_space<vmem>> -> memref<128xi32, #tpu.memory_space<vmem>>
      %dma_start3A_54 = arith.constant 0 : i32
      %dma_start3A_55 = tpu.memref_slice %arg9[%dma_start3A_54] : memref<102400xf32, #tpu.memory_space<vmem_shared>> -> memref<102400xf32, #tpu.memory_space<vmem_shared>>
      tpu.enqueue_indirect_dma source(%arg7 : memref<128xf32, #tpu.memory_space<vmem>>) target(%dma_start3A_55 : memref<102400xf32, #tpu.memory_space<vmem_shared>>) offsets(%dma_start3A_53 : memref<128xi32, #tpu.memory_space<vmem>>) semaphore(%arg10 : memref<!tpu.dma_semaphore, #tpu.memory_space<semaphore_mem>>) {add = true}
      %dma_start3A_56 = arith.constant 3 : i32
      %dma_start3A_57 = arith.constant 0 : i32
      %dma_start3A_58 = tpu.memref_slice %arg6[%dma_start3A_56, %dma_start3A_57] : memref<4x128xi32, #tpu.memory_space<vmem>> -> memref<1x128xi32, #tpu.memory_space<vmem>>
      %dma_start3A_59 = tpu.memref_squeeze %dma_start3A_58 : memref<1x128xi32, #tpu.memory_space<vmem>> -> memref<128xi32, #tpu.memory_space<vmem>>
      %dma_start3A_60 = arith.constant 0 : i32
      %dma_start3A_61 = tpu.memref_slice %arg9[%dma_start3A_60] : memref<102400xf32, #tpu.memory_space<vmem_shared>> -> memref<102400xf32, #tpu.memory_space<vmem_shared>>
      tpu.enqueue_indirect_dma source(%arg7 : memref<128xf32, #tpu.memory_space<vmem>>) target(%dma_start3A_61 : memref<102400xf32, #tpu.memory_space<vmem_shared>>) offsets(%dma_start3A_59 : memref<128xi32, #tpu.memory_space<vmem>>) semaphore(%arg10 : memref<!tpu.dma_semaphore, #tpu.memory_space<semaphore_mem>>) {add = true}
      %dma_wait3A = arith.constant 0 : i32
      %dma_wait3A_62 = arith.constant 0 : i32
      %dma_wait3A_63 = tpu.memref_slice %arg6[%dma_wait3A, %dma_wait3A_62] : memref<4x128xi32, #tpu.memory_space<vmem>> -> memref<1x128xi32, #tpu.memory_space<vmem>>
      %dma_wait3A_64 = tpu.memref_squeeze %dma_wait3A_63 : memref<1x128xi32, #tpu.memory_space<vmem>> -> memref<128xi32, #tpu.memory_space<vmem>>
      %dma_wait3A_65 = arith.constant 0 : i32
      %dma_wait3A_66 = tpu.memref_slice %arg9[%dma_wait3A_65] : memref<102400xf32, #tpu.memory_space<vmem_shared>> -> memref<102400xf32, #tpu.memory_space<vmem_shared>>
      tpu.wait_indirect_dma semaphore(%arg10 : memref<!tpu.dma_semaphore, #tpu.memory_space<semaphore_mem>>) src(%arg7 : memref<128xf32, #tpu.memory_space<vmem>>) dst(%dma_wait3A_66 : memref<102400xf32, #tpu.memory_space<vmem_shared>>)
      %dma_wait3A_67 = arith.constant 1 : i32
      %dma_wait3A_68 = arith.constant 0 : i32
      %dma_wait3A_69 = tpu.memref_slice %arg6[%dma_wait3A_67, %dma_wait3A_68] : memref<4x128xi32, #tpu.memory_space<vmem>> -> memref<1x128xi32, #tpu.memory_space<vmem>>
      %dma_wait3A_70 = tpu.memref_squeeze %dma_wait3A_69 : memref<1x128xi32, #tpu.memory_space<vmem>> -> memref<128xi32, #tpu.memory_space<vmem>>
      %dma_wait3A_71 = arith.constant 0 : i32
      %dma_wait3A_72 = tpu.memref_slice %arg9[%dma_wait3A_71] : memref<102400xf32, #tpu.memory_space<vmem_shared>> -> memref<102400xf32, #tpu.memory_space<vmem_shared>>
      tpu.wait_indirect_dma semaphore(%arg10 : memref<!tpu.dma_semaphore, #tpu.memory_space<semaphore_mem>>) src(%arg7 : memref<128xf32, #tpu.memory_space<vmem>>) dst(%dma_wait3A_72 : memref<102400xf32, #tpu.memory_space<vmem_shared>>)
      %dma_wait3A_73 = arith.constant 2 : i32
      %dma_wait3A_74 = arith.constant 0 : i32
      %dma_wait3A_75 = tpu.memref_slice %arg6[%dma_wait3A_73, %dma_wait3A_74] : memref<4x128xi32, #tpu.memory_space<vmem>> -> memref<1x128xi32, #tpu.memory_space<vmem>>
      %dma_wait3A_76 = tpu.memref_squeeze %dma_wait3A_75 : memref<1x128xi32, #tpu.memory_space<vmem>> -> memref<128xi32, #tpu.memory_space<vmem>>
      %dma_wait3A_77 = arith.constant 0 : i32
      %dma_wait3A_78 = tpu.memref_slice %arg9[%dma_wait3A_77] : memref<102400xf32, #tpu.memory_space<vmem_shared>> -> memref<102400xf32, #tpu.memory_space<vmem_shared>>
      tpu.wait_indirect_dma semaphore(%arg10 : memref<!tpu.dma_semaphore, #tpu.memory_space<semaphore_mem>>) src(%arg7 : memref<128xf32, #tpu.memory_space<vmem>>) dst(%dma_wait3A_78 : memref<102400xf32, #tpu.memory_space<vmem_shared>>)
      %dma_wait3A_79 = arith.constant 3 : i32
      %dma_wait3A_80 = arith.constant 0 : i32
      %dma_wait3A_81 = tpu.memref_slice %arg6[%dma_wait3A_79, %dma_wait3A_80] : memref<4x128xi32, #tpu.memory_space<vmem>> -> memref<1x128xi32, #tpu.memory_space<vmem>>
      %dma_wait3A_82 = tpu.memref_squeeze %dma_wait3A_81 : memref<1x128xi32, #tpu.memory_space<vmem>> -> memref<128xi32, #tpu.memory_space<vmem>>
      %dma_wait3A_83 = arith.constant 0 : i32
      %dma_wait3A_84 = tpu.memref_slice %arg9[%dma_wait3A_83] : memref<102400xf32, #tpu.memory_space<vmem_shared>> -> memref<102400xf32, #tpu.memory_space<vmem_shared>>
      tpu.wait_indirect_dma semaphore(%arg10 : memref<!tpu.dma_semaphore, #tpu.memory_space<semaphore_mem>>) src(%arg7 : memref<128xf32, #tpu.memory_space<vmem>>) dst(%dma_wait3A_84 : memref<102400xf32, #tpu.memory_space<vmem_shared>>)
      %while3A_85 = arith.constant 0 : i32
      scf.yield %while3A_85 : i32
    }
    %barrier3A_26 = arith.constant 0 : index
    tpu.barrier barrier_id(%barrier3A_26)
    %scan3A_27 = arith.constant 0 : i32
    %scan3A_28 = arith.constant 0 : i32
    %scan3A_29 = arith.constant 2 : i32
    %scan3A_30 = arith.addi %scan3A_28, %scan3A_29 : i32
    %scan3A_31 = arith.constant 1 : i32
    %scan3A_32 = scf.for %scan3A_34 = %scan3A_28 to %scan3A_30 step %scan3A_31 iter_args(%scan3A_35 = %scan3A_27) -> (i32)  : i32 {
      %mul3A_36 = arith.constant 6400 : i32
      %mul3A_37 = arith.muli %arg1, %mul3A_36 : i32
      %mul3A_38 = arith.constant 3200 : i32
      %mul3A_39 = arith.muli %scan3A_34, %mul3A_38 : i32
      %add3A_40 = arith.addi %mul3A_37, %mul3A_39 : i32
      "tpu.region"() ({
        %run_scoped3A = tpu.sem_alloc : memref<!tpu.dma_semaphore, #tpu.memory_space<semaphore_mem>>
        %dma_start3A = tpu.memref_slice %arg9[%add3A_40] : memref<102400xf32, #tpu.memory_space<vmem_shared>> -> memref<3200xf32, #tpu.memory_space<vmem_shared>>
        %dma_start3A_42 = tpu.memref_slice %arg9[%add3A_40] : memref<102400xf32, #tpu.memory_space<vmem_shared>> -> memref<3200xf32, #tpu.memory_space<vmem_shared>>
        tpu.enqueue_dma source(%dma_start3A_42 : memref<3200xf32, #tpu.memory_space<vmem_shared>>) target(%arg8 : memref<3200xf32, #tpu.memory_space<vmem>>) target_semaphore(%run_scoped3A : memref<!tpu.dma_semaphore, #tpu.memory_space<semaphore_mem>>)
        %dma_wait3A = tpu.memref_slice %arg9[%add3A_40] : memref<102400xf32, #tpu.memory_space<vmem_shared>> -> memref<3200xf32, #tpu.memory_space<vmem_shared>>
        %dma_wait3A_43 = tpu.memref_slice %arg9[%add3A_40] : memref<102400xf32, #tpu.memory_space<vmem_shared>> -> memref<3200xf32, #tpu.memory_space<vmem_shared>>
        tpu.wait_dma2 semaphore(%run_scoped3A : memref<!tpu.dma_semaphore, #tpu.memory_space<semaphore_mem>>) src(%dma_wait3A_43 : memref<3200xf32, #tpu.memory_space<vmem_shared>>) dst(%arg8 : memref<3200xf32, #tpu.memory_space<vmem>>)
        tpu.yield
      }) : () -> ()
      "tpu.region"() ({
        %run_scoped3A = tpu.sem_alloc : memref<!tpu.dma_semaphore, #tpu.memory_space<semaphore_mem>>
        %dma_start3A = arith.constant 0 : i32
        %dma_start3A_42 = tpu.memref_slice %arg5[%arg0, %dma_start3A] : memref<2x102400xf32, #tpu.memory_space<hbm>> -> memref<1x102400xf32, #tpu.memory_space<hbm>>
        %dma_start3A_43 = tpu.memref_squeeze %dma_start3A_42 : memref<1x102400xf32, #tpu.memory_space<hbm>> -> memref<102400xf32, #tpu.memory_space<hbm>>
        %dma_start3A_44 = tpu.memref_slice %dma_start3A_43[%add3A_40] : memref<102400xf32, #tpu.memory_space<hbm>> -> memref<3200xf32, #tpu.memory_space<hbm>>
        %dma_start3A_45 = arith.constant 0 : i32
        %dma_start3A_46 = tpu.memref_slice %arg5[%arg0, %dma_start3A_45] : memref<2x102400xf32, #tpu.memory_space<hbm>> -> memref<1x102400xf32, #tpu.memory_space<hbm>>
        %dma_start3A_47 = tpu.memref_squeeze %dma_start3A_46 : memref<1x102400xf32, #tpu.memory_space<hbm>> -> memref<102400xf32, #tpu.memory_space<hbm>>
        %dma_start3A_48 = tpu.memref_slice %dma_start3A_47[%add3A_40] : memref<102400xf32, #tpu.memory_space<hbm>> -> memref<3200xf32, #tpu.memory_space<hbm>>
        tpu.enqueue_dma source(%arg8 : memref<3200xf32, #tpu.memory_space<vmem>>) target(%dma_start3A_48 : memref<3200xf32, #tpu.memory_space<hbm>>) target_semaphore(%run_scoped3A : memref<!tpu.dma_semaphore, #tpu.memory_space<semaphore_mem>>)
        %dma_wait3A = arith.constant 0 : i32
        %dma_wait3A_49 = tpu.memref_slice %arg5[%arg0, %dma_wait3A] : memref<2x102400xf32, #tpu.memory_space<hbm>> -> memref<1x102400xf32, #tpu.memory_space<hbm>>
        %dma_wait3A_50 = tpu.memref_squeeze %dma_wait3A_49 : memref<1x102400xf32, #tpu.memory_space<hbm>> -> memref<102400xf32, #tpu.memory_space<hbm>>
        %dma_wait3A_51 = tpu.memref_slice %dma_wait3A_50[%add3A_40] : memref<102400xf32, #tpu.memory_space<hbm>> -> memref<3200xf32, #tpu.memory_space<hbm>>
        %dma_wait3A_52 = arith.constant 0 : i32
        %dma_wait3A_53 = tpu.memref_slice %arg5[%arg0, %dma_wait3A_52] : memref<2x102400xf32, #tpu.memory_space<hbm>> -> memref<1x102400xf32, #tpu.memory_space<hbm>>
        %dma_wait3A_54 = tpu.memref_squeeze %dma_wait3A_53 : memref<1x102400xf32, #tpu.memory_space<hbm>> -> memref<102400xf32, #tpu.memory_space<hbm>>
        %dma_wait3A_55 = tpu.memref_slice %dma_wait3A_54[%add3A_40] : memref<102400xf32, #tpu.memory_space<hbm>> -> memref<3200xf32, #tpu.memory_space<hbm>>
        tpu.wait_dma2 semaphore(%run_scoped3A : memref<!tpu.dma_semaphore, #tpu.memory_space<semaphore_mem>>) src(%arg8 : memref<3200xf32, #tpu.memory_space<vmem>>) dst(%dma_wait3A_55 : memref<3200xf32, #tpu.memory_space<hbm>>)
        tpu.yield
      }) : () -> ()
      %scan3A_41 = arith.constant 0 : i32
      scf.yield %scan3A_41 : i32
    }
    %scan3A_33 = arith.constant 2 : i32
    return
  }
}

#map = affine_map<(d0, d1) -> (0, 0)>
#map1 = affine_map<(d0, d1) -> (0, 0, 0)>
module attributes {stable_mosaic.version = 14 : i64} {
  func.func @_agg(%arg0: i32, %arg1: i32, %arg2: memref<25856x128xi32, #tpu.memory_space<hbm>>, %arg3: memref<25856x128xi32, #tpu.memory_space<hbm>>, %arg4: memref<102400x16xf32, #tpu.memory_space<hbm>>, %arg5: memref<400x16xf32, #tpu.memory_space<hbm>>, %arg6: memref<2x102400x16xf32, #tpu.memory_space<hbm>>, %arg7: memref<2x4x128xi32, #tpu.memory_space<vmem>>, %arg8: memref<2x4x128xi32, #tpu.memory_space<vmem>>, %arg9: memref<2x512x16xf32, #tpu.memory_space<vmem>>, %arg10: memref<102400x16xf32, #tpu.memory_space<vmem_shared>>, %arg11: memref<2x!tpu.dma_semaphore, #tpu.memory_space<semaphore_mem>>) attributes {dimension_semantics = [#tpu.dimension_semantics<core_parallel>, #tpu.dimension_semantics<subcore_parallel>], iteration_bounds = array<i64: 2, 16>, scalar_prefetch = 0 : i64, scratch_operands = 5 : i64, tpu.core_type = #tpu.core_type<sc_vector_subcore>, window_params = [{transform_indices = #map}, {transform_indices = #map}, {transform_indices = #map}, {transform_indices = #map}, {transform_indices = #map1}]} {
    %mul3A = arith.constant 16 : i32
    %mul3A_0 = arith.muli %arg0, %mul3A : i32
    %add3A = arith.addi %mul3A_0, %arg1 : i32
    %run_scoped3A = arith.constant 0 : i32
    "tpu.region"() ({
      %run_scoped3A_121 = tpu.sem_alloc : memref<!tpu.dma_semaphore, #tpu.memory_space<semaphore_mem>>
      %dma_start3A_122 = arith.constant 0 : i32
      %dma_start3A_123 = arith.constant 0 : i32
      %dma_start3A_124 = tpu.memref_slice %arg9[%run_scoped3A, %dma_start3A_122, %dma_start3A_123] : memref<2x512x16xf32, #tpu.memory_space<vmem>> -> memref<1x512x16xf32, #tpu.memory_space<vmem>>
      %dma_start3A_125 = tpu.memref_squeeze %dma_start3A_124 : memref<1x512x16xf32, #tpu.memory_space<vmem>> -> memref<512x16xf32, #tpu.memory_space<vmem>>
      %dma_start3A_126 = arith.constant 0 : i32
      %dma_start3A_127 = arith.constant 0 : i32
      %dma_start3A_128 = tpu.memref_slice %dma_start3A_125[%dma_start3A_126, %dma_start3A_127] : memref<512x16xf32, #tpu.memory_space<vmem>> -> memref<400x16xf32, #tpu.memory_space<vmem>>
      %dma_start3A_129 = arith.constant 0 : i32
      %dma_start3A_130 = arith.constant 0 : i32
      %dma_start3A_131 = tpu.memref_slice %arg9[%run_scoped3A, %dma_start3A_129, %dma_start3A_130] : memref<2x512x16xf32, #tpu.memory_space<vmem>> -> memref<1x512x16xf32, #tpu.memory_space<vmem>>
      %dma_start3A_132 = tpu.memref_squeeze %dma_start3A_131 : memref<1x512x16xf32, #tpu.memory_space<vmem>> -> memref<512x16xf32, #tpu.memory_space<vmem>>
      %dma_start3A_133 = arith.constant 0 : i32
      %dma_start3A_134 = arith.constant 0 : i32
      %dma_start3A_135 = tpu.memref_slice %dma_start3A_132[%dma_start3A_133, %dma_start3A_134] : memref<512x16xf32, #tpu.memory_space<vmem>> -> memref<400x16xf32, #tpu.memory_space<vmem>>
      tpu.enqueue_dma source(%arg5 : memref<400x16xf32, #tpu.memory_space<hbm>>) target(%dma_start3A_135 : memref<400x16xf32, #tpu.memory_space<vmem>>) target_semaphore(%run_scoped3A_121 : memref<!tpu.dma_semaphore, #tpu.memory_space<semaphore_mem>>)
      %dma_wait3A = arith.constant 0 : i32
      %dma_wait3A_136 = arith.constant 0 : i32
      %dma_wait3A_137 = tpu.memref_slice %arg9[%run_scoped3A, %dma_wait3A, %dma_wait3A_136] : memref<2x512x16xf32, #tpu.memory_space<vmem>> -> memref<1x512x16xf32, #tpu.memory_space<vmem>>
      %dma_wait3A_138 = tpu.memref_squeeze %dma_wait3A_137 : memref<1x512x16xf32, #tpu.memory_space<vmem>> -> memref<512x16xf32, #tpu.memory_space<vmem>>
      %dma_wait3A_139 = arith.constant 0 : i32
      %dma_wait3A_140 = arith.constant 0 : i32
      %dma_wait3A_141 = tpu.memref_slice %dma_wait3A_138[%dma_wait3A_139, %dma_wait3A_140] : memref<512x16xf32, #tpu.memory_space<vmem>> -> memref<400x16xf32, #tpu.memory_space<vmem>>
      %dma_wait3A_142 = arith.constant 0 : i32
      %dma_wait3A_143 = arith.constant 0 : i32
      %dma_wait3A_144 = tpu.memref_slice %arg9[%run_scoped3A, %dma_wait3A_142, %dma_wait3A_143] : memref<2x512x16xf32, #tpu.memory_space<vmem>> -> memref<1x512x16xf32, #tpu.memory_space<vmem>>
      %dma_wait3A_145 = tpu.memref_squeeze %dma_wait3A_144 : memref<1x512x16xf32, #tpu.memory_space<vmem>> -> memref<512x16xf32, #tpu.memory_space<vmem>>
      %dma_wait3A_146 = arith.constant 0 : i32
      %dma_wait3A_147 = arith.constant 0 : i32
      %dma_wait3A_148 = tpu.memref_slice %dma_wait3A_145[%dma_wait3A_146, %dma_wait3A_147] : memref<512x16xf32, #tpu.memory_space<vmem>> -> memref<400x16xf32, #tpu.memory_space<vmem>>
      tpu.wait_dma2 semaphore(%run_scoped3A_121 : memref<!tpu.dma_semaphore, #tpu.memory_space<semaphore_mem>>) src(%arg5 : memref<400x16xf32, #tpu.memory_space<hbm>>) dst(%dma_wait3A_148 : memref<400x16xf32, #tpu.memory_space<vmem>>)
      tpu.yield
    }) : () -> ()
    %scan3A = arith.constant 0 : i32
    %scan3A_1 = arith.constant 0 : i32
    %scan3A_2 = arith.constant 0 : i32
    %scan3A_3 = arith.constant 16 : i32
    %scan3A_4 = arith.addi %scan3A_2, %scan3A_3 : i32
    %scan3A_5 = arith.constant 1 : i32
    %scan3A_6 = scf.for %scan3A_121 = %scan3A_2 to %scan3A_4 step %scan3A_5 iter_args(%scan3A_122 = %scan3A_1) -> (i32)  : i32 {
      %mul3A_123 = arith.constant 6400 : i32
      %mul3A_124 = arith.muli %arg1, %mul3A_123 : i32
      %mul3A_125 = arith.constant 400 : i32
      %mul3A_126 = arith.muli %scan3A_121, %mul3A_125 : i32
      %add3A_127 = arith.addi %mul3A_124, %mul3A_126 : i32
      "tpu.region"() ({
        %run_scoped3A_129 = tpu.sem_alloc : memref<!tpu.dma_semaphore, #tpu.memory_space<semaphore_mem>>
        %dma_start3A_130 = arith.constant 0 : i32
        %dma_start3A_131 = arith.constant 0 : i32
        %dma_start3A_132 = tpu.memref_slice %arg9[%scan3A, %dma_start3A_130, %dma_start3A_131] : memref<2x512x16xf32, #tpu.memory_space<vmem>> -> memref<1x512x16xf32, #tpu.memory_space<vmem>>
        %dma_start3A_133 = tpu.memref_squeeze %dma_start3A_132 : memref<1x512x16xf32, #tpu.memory_space<vmem>> -> memref<512x16xf32, #tpu.memory_space<vmem>>
        %dma_start3A_134 = arith.constant 0 : i32
        %dma_start3A_135 = arith.constant 0 : i32
        %dma_start3A_136 = tpu.memref_slice %dma_start3A_133[%dma_start3A_134, %dma_start3A_135] : memref<512x16xf32, #tpu.memory_space<vmem>> -> memref<400x16xf32, #tpu.memory_space<vmem>>
        %dma_start3A_137 = arith.constant 0 : i32
        %dma_start3A_138 = tpu.memref_slice %arg10[%add3A_127, %dma_start3A_137] : memref<102400x16xf32, #tpu.memory_space<vmem_shared>> -> memref<400x16xf32, #tpu.memory_space<vmem_shared>>
        %dma_start3A_139 = arith.constant 0 : i32
        %dma_start3A_140 = tpu.memref_slice %arg10[%add3A_127, %dma_start3A_139] : memref<102400x16xf32, #tpu.memory_space<vmem_shared>> -> memref<400x16xf32, #tpu.memory_space<vmem_shared>>
        %dma_start3A_141 = arith.constant 0 : i32
        %dma_start3A_142 = arith.constant 0 : i32
        %dma_start3A_143 = tpu.memref_slice %arg9[%scan3A, %dma_start3A_141, %dma_start3A_142] : memref<2x512x16xf32, #tpu.memory_space<vmem>> -> memref<1x512x16xf32, #tpu.memory_space<vmem>>
        %dma_start3A_144 = tpu.memref_squeeze %dma_start3A_143 : memref<1x512x16xf32, #tpu.memory_space<vmem>> -> memref<512x16xf32, #tpu.memory_space<vmem>>
        %dma_start3A_145 = arith.constant 0 : i32
        %dma_start3A_146 = arith.constant 0 : i32
        %dma_start3A_147 = tpu.memref_slice %dma_start3A_144[%dma_start3A_145, %dma_start3A_146] : memref<512x16xf32, #tpu.memory_space<vmem>> -> memref<400x16xf32, #tpu.memory_space<vmem>>
        tpu.enqueue_dma source(%dma_start3A_147 : memref<400x16xf32, #tpu.memory_space<vmem>>) target(%dma_start3A_140 : memref<400x16xf32, #tpu.memory_space<vmem_shared>>) target_semaphore(%run_scoped3A_129 : memref<!tpu.dma_semaphore, #tpu.memory_space<semaphore_mem>>)
        %dma_wait3A = arith.constant 0 : i32
        %dma_wait3A_148 = arith.constant 0 : i32
        %dma_wait3A_149 = tpu.memref_slice %arg9[%scan3A, %dma_wait3A, %dma_wait3A_148] : memref<2x512x16xf32, #tpu.memory_space<vmem>> -> memref<1x512x16xf32, #tpu.memory_space<vmem>>
        %dma_wait3A_150 = tpu.memref_squeeze %dma_wait3A_149 : memref<1x512x16xf32, #tpu.memory_space<vmem>> -> memref<512x16xf32, #tpu.memory_space<vmem>>
        %dma_wait3A_151 = arith.constant 0 : i32
        %dma_wait3A_152 = arith.constant 0 : i32
        %dma_wait3A_153 = tpu.memref_slice %dma_wait3A_150[%dma_wait3A_151, %dma_wait3A_152] : memref<512x16xf32, #tpu.memory_space<vmem>> -> memref<400x16xf32, #tpu.memory_space<vmem>>
        %dma_wait3A_154 = arith.constant 0 : i32
        %dma_wait3A_155 = tpu.memref_slice %arg10[%add3A_127, %dma_wait3A_154] : memref<102400x16xf32, #tpu.memory_space<vmem_shared>> -> memref<400x16xf32, #tpu.memory_space<vmem_shared>>
        %dma_wait3A_156 = arith.constant 0 : i32
        %dma_wait3A_157 = tpu.memref_slice %arg10[%add3A_127, %dma_wait3A_156] : memref<102400x16xf32, #tpu.memory_space<vmem_shared>> -> memref<400x16xf32, #tpu.memory_space<vmem_shared>>
        %dma_wait3A_158 = arith.constant 0 : i32
        %dma_wait3A_159 = arith.constant 0 : i32
        %dma_wait3A_160 = tpu.memref_slice %arg9[%scan3A, %dma_wait3A_158, %dma_wait3A_159] : memref<2x512x16xf32, #tpu.memory_space<vmem>> -> memref<1x512x16xf32, #tpu.memory_space<vmem>>
        %dma_wait3A_161 = tpu.memref_squeeze %dma_wait3A_160 : memref<1x512x16xf32, #tpu.memory_space<vmem>> -> memref<512x16xf32, #tpu.memory_space<vmem>>
        %dma_wait3A_162 = arith.constant 0 : i32
        %dma_wait3A_163 = arith.constant 0 : i32
        %dma_wait3A_164 = tpu.memref_slice %dma_wait3A_161[%dma_wait3A_162, %dma_wait3A_163] : memref<512x16xf32, #tpu.memory_space<vmem>> -> memref<400x16xf32, #tpu.memory_space<vmem>>
        tpu.wait_dma2 semaphore(%run_scoped3A_129 : memref<!tpu.dma_semaphore, #tpu.memory_space<semaphore_mem>>) src(%dma_wait3A_164 : memref<400x16xf32, #tpu.memory_space<vmem>>) dst(%dma_wait3A_157 : memref<400x16xf32, #tpu.memory_space<vmem_shared>>)
        tpu.yield
      }) : () -> ()
      %scan3A_128 = arith.constant 0 : i32
      scf.yield %scan3A_128 : i32
    }
    %scan3A_7 = arith.constant 16 : i32
    %barrier3A = arith.constant 0 : index
    tpu.barrier barrier_id(%barrier3A)
    %mul3A_8 = arith.constant 808 : i32
    %mul3A_9 = arith.muli %add3A, %mul3A_8 : i32
    %add3A_10 = arith.constant 0 : i32
    %add3A_11 = arith.addi %mul3A_9, %add3A_10 : i32
    %run_scoped3A_12 = arith.constant 0 : i32
    "tpu.region"() ({
      %run_scoped3A_121 = tpu.sem_alloc : memref<!tpu.dma_semaphore, #tpu.memory_space<semaphore_mem>>
      %dma_start3A_122 = arith.constant 0 : i32
      %dma_start3A_123 = arith.constant 0 : i32
      %dma_start3A_124 = tpu.memref_slice %arg7[%run_scoped3A_12, %dma_start3A_122, %dma_start3A_123] : memref<2x4x128xi32, #tpu.memory_space<vmem>> -> memref<1x4x128xi32, #tpu.memory_space<vmem>>
      %dma_start3A_125 = tpu.memref_squeeze %dma_start3A_124 : memref<1x4x128xi32, #tpu.memory_space<vmem>> -> memref<4x128xi32, #tpu.memory_space<vmem>>
      %dma_start3A_126 = arith.constant 0 : i32
      %dma_start3A_127 = tpu.memref_slice %arg2[%add3A_11, %dma_start3A_126] : memref<25856x128xi32, #tpu.memory_space<hbm>> -> memref<4x128xi32, #tpu.memory_space<hbm>>
      %dma_start3A_128 = arith.constant 0 : i32
      %dma_start3A_129 = arith.constant 0 : i32
      %dma_start3A_130 = tpu.memref_slice %arg7[%run_scoped3A_12, %dma_start3A_128, %dma_start3A_129] : memref<2x4x128xi32, #tpu.memory_space<vmem>> -> memref<1x4x128xi32, #tpu.memory_space<vmem>>
      %dma_start3A_131 = tpu.memref_squeeze %dma_start3A_130 : memref<1x4x128xi32, #tpu.memory_space<vmem>> -> memref<4x128xi32, #tpu.memory_space<vmem>>
      %dma_start3A_132 = arith.constant 0 : i32
      %dma_start3A_133 = tpu.memref_slice %arg2[%add3A_11, %dma_start3A_132] : memref<25856x128xi32, #tpu.memory_space<hbm>> -> memref<4x128xi32, #tpu.memory_space<hbm>>
      tpu.enqueue_dma source(%dma_start3A_133 : memref<4x128xi32, #tpu.memory_space<hbm>>) target(%dma_start3A_131 : memref<4x128xi32, #tpu.memory_space<vmem>>) target_semaphore(%run_scoped3A_121 : memref<!tpu.dma_semaphore, #tpu.memory_space<semaphore_mem>>)
      %dma_wait3A = arith.constant 0 : i32
      %dma_wait3A_134 = arith.constant 0 : i32
      %dma_wait3A_135 = tpu.memref_slice %arg7[%run_scoped3A_12, %dma_wait3A, %dma_wait3A_134] : memref<2x4x128xi32, #tpu.memory_space<vmem>> -> memref<1x4x128xi32, #tpu.memory_space<vmem>>
      %dma_wait3A_136 = tpu.memref_squeeze %dma_wait3A_135 : memref<1x4x128xi32, #tpu.memory_space<vmem>> -> memref<4x128xi32, #tpu.memory_space<vmem>>
      %dma_wait3A_137 = arith.constant 0 : i32
      %dma_wait3A_138 = tpu.memref_slice %arg2[%add3A_11, %dma_wait3A_137] : memref<25856x128xi32, #tpu.memory_space<hbm>> -> memref<4x128xi32, #tpu.memory_space<hbm>>
      %dma_wait3A_139 = arith.constant 0 : i32
      %dma_wait3A_140 = arith.constant 0 : i32
      %dma_wait3A_141 = tpu.memref_slice %arg7[%run_scoped3A_12, %dma_wait3A_139, %dma_wait3A_140] : memref<2x4x128xi32, #tpu.memory_space<vmem>> -> memref<1x4x128xi32, #tpu.memory_space<vmem>>
      %dma_wait3A_142 = tpu.memref_squeeze %dma_wait3A_141 : memref<1x4x128xi32, #tpu.memory_space<vmem>> -> memref<4x128xi32, #tpu.memory_space<vmem>>
      %dma_wait3A_143 = arith.constant 0 : i32
      %dma_wait3A_144 = tpu.memref_slice %arg2[%add3A_11, %dma_wait3A_143] : memref<25856x128xi32, #tpu.memory_space<hbm>> -> memref<4x128xi32, #tpu.memory_space<hbm>>
      tpu.wait_dma2 semaphore(%run_scoped3A_121 : memref<!tpu.dma_semaphore, #tpu.memory_space<semaphore_mem>>) src(%dma_wait3A_144 : memref<4x128xi32, #tpu.memory_space<hbm>>) dst(%dma_wait3A_142 : memref<4x128xi32, #tpu.memory_space<vmem>>)
      tpu.yield
    }) : () -> ()
    %run_scoped3A_13 = arith.constant 0 : i32
    "tpu.region"() ({
      %run_scoped3A_121 = tpu.sem_alloc : memref<!tpu.dma_semaphore, #tpu.memory_space<semaphore_mem>>
      %dma_start3A_122 = arith.constant 0 : i32
      %dma_start3A_123 = arith.constant 0 : i32
      %dma_start3A_124 = tpu.memref_slice %arg8[%run_scoped3A_13, %dma_start3A_122, %dma_start3A_123] : memref<2x4x128xi32, #tpu.memory_space<vmem>> -> memref<1x4x128xi32, #tpu.memory_space<vmem>>
      %dma_start3A_125 = tpu.memref_squeeze %dma_start3A_124 : memref<1x4x128xi32, #tpu.memory_space<vmem>> -> memref<4x128xi32, #tpu.memory_space<vmem>>
      %dma_start3A_126 = arith.constant 0 : i32
      %dma_start3A_127 = tpu.memref_slice %arg3[%add3A_11, %dma_start3A_126] : memref<25856x128xi32, #tpu.memory_space<hbm>> -> memref<4x128xi32, #tpu.memory_space<hbm>>
      %dma_start3A_128 = arith.constant 0 : i32
      %dma_start3A_129 = arith.constant 0 : i32
      %dma_start3A_130 = tpu.memref_slice %arg8[%run_scoped3A_13, %dma_start3A_128, %dma_start3A_129] : memref<2x4x128xi32, #tpu.memory_space<vmem>> -> memref<1x4x128xi32, #tpu.memory_space<vmem>>
      %dma_start3A_131 = tpu.memref_squeeze %dma_start3A_130 : memref<1x4x128xi32, #tpu.memory_space<vmem>> -> memref<4x128xi32, #tpu.memory_space<vmem>>
      %dma_start3A_132 = arith.constant 0 : i32
      %dma_start3A_133 = tpu.memref_slice %arg3[%add3A_11, %dma_start3A_132] : memref<25856x128xi32, #tpu.memory_space<hbm>> -> memref<4x128xi32, #tpu.memory_space<hbm>>
      tpu.enqueue_dma source(%dma_start3A_133 : memref<4x128xi32, #tpu.memory_space<hbm>>) target(%dma_start3A_131 : memref<4x128xi32, #tpu.memory_space<vmem>>) target_semaphore(%run_scoped3A_121 : memref<!tpu.dma_semaphore, #tpu.memory_space<semaphore_mem>>)
      %dma_wait3A = arith.constant 0 : i32
      %dma_wait3A_134 = arith.constant 0 : i32
      %dma_wait3A_135 = tpu.memref_slice %arg8[%run_scoped3A_13, %dma_wait3A, %dma_wait3A_134] : memref<2x4x128xi32, #tpu.memory_space<vmem>> -> memref<1x4x128xi32, #tpu.memory_space<vmem>>
      %dma_wait3A_136 = tpu.memref_squeeze %dma_wait3A_135 : memref<1x4x128xi32, #tpu.memory_space<vmem>> -> memref<4x128xi32, #tpu.memory_space<vmem>>
      %dma_wait3A_137 = arith.constant 0 : i32
      %dma_wait3A_138 = tpu.memref_slice %arg3[%add3A_11, %dma_wait3A_137] : memref<25856x128xi32, #tpu.memory_space<hbm>> -> memref<4x128xi32, #tpu.memory_space<hbm>>
      %dma_wait3A_139 = arith.constant 0 : i32
      %dma_wait3A_140 = arith.constant 0 : i32
      %dma_wait3A_141 = tpu.memref_slice %arg8[%run_scoped3A_13, %dma_wait3A_139, %dma_wait3A_140] : memref<2x4x128xi32, #tpu.memory_space<vmem>> -> memref<1x4x128xi32, #tpu.memory_space<vmem>>
      %dma_wait3A_142 = tpu.memref_squeeze %dma_wait3A_141 : memref<1x4x128xi32, #tpu.memory_space<vmem>> -> memref<4x128xi32, #tpu.memory_space<vmem>>
      %dma_wait3A_143 = arith.constant 0 : i32
      %dma_wait3A_144 = tpu.memref_slice %arg3[%add3A_11, %dma_wait3A_143] : memref<25856x128xi32, #tpu.memory_space<hbm>> -> memref<4x128xi32, #tpu.memory_space<hbm>>
      tpu.wait_dma2 semaphore(%run_scoped3A_121 : memref<!tpu.dma_semaphore, #tpu.memory_space<semaphore_mem>>) src(%dma_wait3A_144 : memref<4x128xi32, #tpu.memory_space<hbm>>) dst(%dma_wait3A_142 : memref<4x128xi32, #tpu.memory_space<vmem>>)
      tpu.yield
    }) : () -> ()
    %dma_start3A = arith.constant 0 : i32
    %dma_start3A_14 = arith.constant 0 : i32
    %dma_start3A_15 = arith.constant 0 : i32
    %dma_start3A_16 = arith.constant 0 : i32
    %dma_start3A_17 = arith.constant 0 : i32
    %dma_start3A_18 = arith.constant 0 : i32
    %dma_start3A_19 = tpu.memref_slice %arg9[%dma_start3A_15, %dma_start3A_17, %dma_start3A_18] : memref<2x512x16xf32, #tpu.memory_space<vmem>> -> memref<1x512x16xf32, #tpu.memory_space<vmem>>
    %dma_start3A_20 = tpu.memref_squeeze %dma_start3A_19 : memref<1x512x16xf32, #tpu.memory_space<vmem>> -> memref<512x16xf32, #tpu.memory_space<vmem>>
    %dma_start3A_21 = arith.constant 0 : i32
    %dma_start3A_22 = arith.constant 0 : i32
    %dma_start3A_23 = tpu.memref_slice %dma_start3A_20[%dma_start3A_21, %dma_start3A_22] : memref<512x16xf32, #tpu.memory_space<vmem>> -> memref<128x16xf32, #tpu.memory_space<vmem>>
    %dma_start3A_24 = arith.constant 0 : i32
    %dma_start3A_25 = arith.constant 0 : i32
    %dma_start3A_26 = tpu.memref_slice %arg7[%dma_start3A, %dma_start3A_24, %dma_start3A_25] : memref<2x4x128xi32, #tpu.memory_space<vmem>> -> memref<1x4x128xi32, #tpu.memory_space<vmem>>
    %dma_start3A_27 = tpu.memref_squeeze %dma_start3A_26 : memref<1x4x128xi32, #tpu.memory_space<vmem>> -> memref<4x128xi32, #tpu.memory_space<vmem>>
    %dma_start3A_28 = arith.constant 0 : i32
    %dma_start3A_29 = tpu.memref_slice %dma_start3A_27[%dma_start3A_14, %dma_start3A_28] : memref<4x128xi32, #tpu.memory_space<vmem>> -> memref<1x128xi32, #tpu.memory_space<vmem>>
    %dma_start3A_30 = tpu.memref_squeeze %dma_start3A_29 : memref<1x128xi32, #tpu.memory_space<vmem>> -> memref<128xi32, #tpu.memory_space<vmem>>
    %dma_start3A_31 = arith.constant 0 : i32
    %dma_start3A_32 = arith.constant 0 : i32
    %dma_start3A_33 = tpu.memref_slice %arg4[%dma_start3A_31, %dma_start3A_32] : memref<102400x16xf32, #tpu.memory_space<hbm>> -> memref<102400x16xf32, #tpu.memory_space<hbm>>
    %dma_start3A_34 = tpu.memref_slice %arg11[%dma_start3A_16] : memref<2x!tpu.dma_semaphore, #tpu.memory_space<semaphore_mem>> -> memref<1x!tpu.dma_semaphore, #tpu.memory_space<semaphore_mem>>
    %dma_start3A_35 = tpu.memref_squeeze %dma_start3A_34 : memref<1x!tpu.dma_semaphore, #tpu.memory_space<semaphore_mem>> -> memref<!tpu.dma_semaphore, #tpu.memory_space<semaphore_mem>>
    tpu.enqueue_indirect_dma source(%dma_start3A_33 : memref<102400x16xf32, #tpu.memory_space<hbm>>) target(%dma_start3A_23 : memref<128x16xf32, #tpu.memory_space<vmem>>) offsets(%dma_start3A_30 : memref<128xi32, #tpu.memory_space<vmem>>) semaphore(%dma_start3A_35 : memref<!tpu.dma_semaphore, #tpu.memory_space<semaphore_mem>>)
    %dma_start3A_36 = arith.constant 0 : i32
    %dma_start3A_37 = arith.constant 1 : i32
    %dma_start3A_38 = arith.constant 0 : i32
    %dma_start3A_39 = arith.constant 0 : i32
    %dma_start3A_40 = arith.constant 0 : i32
    %dma_start3A_41 = arith.constant 0 : i32
    %dma_start3A_42 = tpu.memref_slice %arg9[%dma_start3A_38, %dma_start3A_40, %dma_start3A_41] : memref<2x512x16xf32, #tpu.memory_space<vmem>> -> memref<1x512x16xf32, #tpu.memory_space<vmem>>
    %dma_start3A_43 = tpu.memref_squeeze %dma_start3A_42 : memref<1x512x16xf32, #tpu.memory_space<vmem>> -> memref<512x16xf32, #tpu.memory_space<vmem>>
    %dma_start3A_44 = arith.constant 128 : i32
    %dma_start3A_45 = arith.constant 0 : i32
    %dma_start3A_46 = tpu.memref_slice %dma_start3A_43[%dma_start3A_44, %dma_start3A_45] : memref<512x16xf32, #tpu.memory_space<vmem>> -> memref<128x16xf32, #tpu.memory_space<vmem>>
    %dma_start3A_47 = arith.constant 0 : i32
    %dma_start3A_48 = arith.constant 0 : i32
    %dma_start3A_49 = tpu.memref_slice %arg7[%dma_start3A_36, %dma_start3A_47, %dma_start3A_48] : memref<2x4x128xi32, #tpu.memory_space<vmem>> -> memref<1x4x128xi32, #tpu.memory_space<vmem>>
    %dma_start3A_50 = tpu.memref_squeeze %dma_start3A_49 : memref<1x4x128xi32, #tpu.memory_space<vmem>> -> memref<4x128xi32, #tpu.memory_space<vmem>>
    %dma_start3A_51 = arith.constant 0 : i32
    %dma_start3A_52 = tpu.memref_slice %dma_start3A_50[%dma_start3A_37, %dma_start3A_51] : memref<4x128xi32, #tpu.memory_space<vmem>> -> memref<1x128xi32, #tpu.memory_space<vmem>>
    %dma_start3A_53 = tpu.memref_squeeze %dma_start3A_52 : memref<1x128xi32, #tpu.memory_space<vmem>> -> memref<128xi32, #tpu.memory_space<vmem>>
    %dma_start3A_54 = arith.constant 0 : i32
    %dma_start3A_55 = arith.constant 0 : i32
    %dma_start3A_56 = tpu.memref_slice %arg4[%dma_start3A_54, %dma_start3A_55] : memref<102400x16xf32, #tpu.memory_space<hbm>> -> memref<102400x16xf32, #tpu.memory_space<hbm>>
    %dma_start3A_57 = tpu.memref_slice %arg11[%dma_start3A_39] : memref<2x!tpu.dma_semaphore, #tpu.memory_space<semaphore_mem>> -> memref<1x!tpu.dma_semaphore, #tpu.memory_space<semaphore_mem>>
    %dma_start3A_58 = tpu.memref_squeeze %dma_start3A_57 : memref<1x!tpu.dma_semaphore, #tpu.memory_space<semaphore_mem>> -> memref<!tpu.dma_semaphore, #tpu.memory_space<semaphore_mem>>
    tpu.enqueue_indirect_dma source(%dma_start3A_56 : memref<102400x16xf32, #tpu.memory_space<hbm>>) target(%dma_start3A_46 : memref<128x16xf32, #tpu.memory_space<vmem>>) offsets(%dma_start3A_53 : memref<128xi32, #tpu.memory_space<vmem>>) semaphore(%dma_start3A_58 : memref<!tpu.dma_semaphore, #tpu.memory_space<semaphore_mem>>)
    %dma_start3A_59 = arith.constant 0 : i32
    %dma_start3A_60 = arith.constant 2 : i32
    %dma_start3A_61 = arith.constant 0 : i32
    %dma_start3A_62 = arith.constant 0 : i32
    %dma_start3A_63 = arith.constant 0 : i32
    %dma_start3A_64 = arith.constant 0 : i32
    %dma_start3A_65 = tpu.memref_slice %arg9[%dma_start3A_61, %dma_start3A_63, %dma_start3A_64] : memref<2x512x16xf32, #tpu.memory_space<vmem>> -> memref<1x512x16xf32, #tpu.memory_space<vmem>>
    %dma_start3A_66 = tpu.memref_squeeze %dma_start3A_65 : memref<1x512x16xf32, #tpu.memory_space<vmem>> -> memref<512x16xf32, #tpu.memory_space<vmem>>
    %dma_start3A_67 = arith.constant 256 : i32
    %dma_start3A_68 = arith.constant 0 : i32
    %dma_start3A_69 = tpu.memref_slice %dma_start3A_66[%dma_start3A_67, %dma_start3A_68] : memref<512x16xf32, #tpu.memory_space<vmem>> -> memref<128x16xf32, #tpu.memory_space<vmem>>
    %dma_start3A_70 = arith.constant 0 : i32
    %dma_start3A_71 = arith.constant 0 : i32
    %dma_start3A_72 = tpu.memref_slice %arg7[%dma_start3A_59, %dma_start3A_70, %dma_start3A_71] : memref<2x4x128xi32, #tpu.memory_space<vmem>> -> memref<1x4x128xi32, #tpu.memory_space<vmem>>
    %dma_start3A_73 = tpu.memref_squeeze %dma_start3A_72 : memref<1x4x128xi32, #tpu.memory_space<vmem>> -> memref<4x128xi32, #tpu.memory_space<vmem>>
    %dma_start3A_74 = arith.constant 0 : i32
    %dma_start3A_75 = tpu.memref_slice %dma_start3A_73[%dma_start3A_60, %dma_start3A_74] : memref<4x128xi32, #tpu.memory_space<vmem>> -> memref<1x128xi32, #tpu.memory_space<vmem>>
    %dma_start3A_76 = tpu.memref_squeeze %dma_start3A_75 : memref<1x128xi32, #tpu.memory_space<vmem>> -> memref<128xi32, #tpu.memory_space<vmem>>
    %dma_start3A_77 = arith.constant 0 : i32
    %dma_start3A_78 = arith.constant 0 : i32
    %dma_start3A_79 = tpu.memref_slice %arg4[%dma_start3A_77, %dma_start3A_78] : memref<102400x16xf32, #tpu.memory_space<hbm>> -> memref<102400x16xf32, #tpu.memory_space<hbm>>
    %dma_start3A_80 = tpu.memref_slice %arg11[%dma_start3A_62] : memref<2x!tpu.dma_semaphore, #tpu.memory_space<semaphore_mem>> -> memref<1x!tpu.dma_semaphore, #tpu.memory_space<semaphore_mem>>
    %dma_start3A_81 = tpu.memref_squeeze %dma_start3A_80 : memref<1x!tpu.dma_semaphore, #tpu.memory_space<semaphore_mem>> -> memref<!tpu.dma_semaphore, #tpu.memory_space<semaphore_mem>>
    tpu.enqueue_indirect_dma source(%dma_start3A_79 : memref<102400x16xf32, #tpu.memory_space<hbm>>) target(%dma_start3A_69 : memref<128x16xf32, #tpu.memory_space<vmem>>) offsets(%dma_start3A_76 : memref<128xi32, #tpu.memory_space<vmem>>) semaphore(%dma_start3A_81 : memref<!tpu.dma_semaphore, #tpu.memory_space<semaphore_mem>>)
    %dma_start3A_82 = arith.constant 0 : i32
    %dma_start3A_83 = arith.constant 3 : i32
    %dma_start3A_84 = arith.constant 0 : i32
    %dma_start3A_85 = arith.constant 0 : i32
    %dma_start3A_86 = arith.constant 0 : i32
    %dma_start3A_87 = arith.constant 0 : i32
    %dma_start3A_88 = tpu.memref_slice %arg9[%dma_start3A_84, %dma_start3A_86, %dma_start3A_87] : memref<2x512x16xf32, #tpu.memory_space<vmem>> -> memref<1x512x16xf32, #tpu.memory_space<vmem>>
    %dma_start3A_89 = tpu.memref_squeeze %dma_start3A_88 : memref<1x512x16xf32, #tpu.memory_space<vmem>> -> memref<512x16xf32, #tpu.memory_space<vmem>>
    %dma_start3A_90 = arith.constant 384 : i32
    %dma_start3A_91 = arith.constant 0 : i32
    %dma_start3A_92 = tpu.memref_slice %dma_start3A_89[%dma_start3A_90, %dma_start3A_91] : memref<512x16xf32, #tpu.memory_space<vmem>> -> memref<128x16xf32, #tpu.memory_space<vmem>>
    %dma_start3A_93 = arith.constant 0 : i32
    %dma_start3A_94 = arith.constant 0 : i32
    %dma_start3A_95 = tpu.memref_slice %arg7[%dma_start3A_82, %dma_start3A_93, %dma_start3A_94] : memref<2x4x128xi32, #tpu.memory_space<vmem>> -> memref<1x4x128xi32, #tpu.memory_space<vmem>>
    %dma_start3A_96 = tpu.memref_squeeze %dma_start3A_95 : memref<1x4x128xi32, #tpu.memory_space<vmem>> -> memref<4x128xi32, #tpu.memory_space<vmem>>
    %dma_start3A_97 = arith.constant 0 : i32
    %dma_start3A_98 = tpu.memref_slice %dma_start3A_96[%dma_start3A_83, %dma_start3A_97] : memref<4x128xi32, #tpu.memory_space<vmem>> -> memref<1x128xi32, #tpu.memory_space<vmem>>
    %dma_start3A_99 = tpu.memref_squeeze %dma_start3A_98 : memref<1x128xi32, #tpu.memory_space<vmem>> -> memref<128xi32, #tpu.memory_space<vmem>>
    %dma_start3A_100 = arith.constant 0 : i32
    %dma_start3A_101 = arith.constant 0 : i32
    %dma_start3A_102 = tpu.memref_slice %arg4[%dma_start3A_100, %dma_start3A_101] : memref<102400x16xf32, #tpu.memory_space<hbm>> -> memref<102400x16xf32, #tpu.memory_space<hbm>>
    %dma_start3A_103 = tpu.memref_slice %arg11[%dma_start3A_85] : memref<2x!tpu.dma_semaphore, #tpu.memory_space<semaphore_mem>> -> memref<1x!tpu.dma_semaphore, #tpu.memory_space<semaphore_mem>>
    %dma_start3A_104 = tpu.memref_squeeze %dma_start3A_103 : memref<1x!tpu.dma_semaphore, #tpu.memory_space<semaphore_mem>> -> memref<!tpu.dma_semaphore, #tpu.memory_space<semaphore_mem>>
    tpu.enqueue_indirect_dma source(%dma_start3A_102 : memref<102400x16xf32, #tpu.memory_space<hbm>>) target(%dma_start3A_92 : memref<128x16xf32, #tpu.memory_space<vmem>>) offsets(%dma_start3A_99 : memref<128xi32, #tpu.memory_space<vmem>>) semaphore(%dma_start3A_104 : memref<!tpu.dma_semaphore, #tpu.memory_space<semaphore_mem>>)
    %scan3A_105 = arith.constant 0 : i32
    %scan3A_106 = arith.constant 0 : i32
    %scan3A_107 = arith.constant 202 : i32
    %scan3A_108 = arith.addi %scan3A_106, %scan3A_107 : i32
    %scan3A_109 = arith.constant 1 : i32
    %scan3A_110 = scf.for %scan3A_121 = %scan3A_106 to %scan3A_108 step %scan3A_109 iter_args(%scan3A_122 = %scan3A_105) -> (i32)  : i32 {
      %rem3A = arith.constant 2 : i32
      %rem3A_123 = arith.remsi %scan3A_121, %rem3A : i32
      %add3A_124 = arith.constant 1 : i32
      %add3A_125 = arith.addi %scan3A_121, %add3A_124 : i32
      %lt3A = arith.constant 202 : i32
      %lt3A_126 = arith.cmpi slt, %add3A_125, %lt3A : i32
      %convert_element_type3A = arith.extui %lt3A_126 : i1 to i32
      %cond3A = arith.constant 0 : i32
      %cond3A_127 = arith.cmpi ne, %convert_element_type3A, %cond3A : i32
      scf.if %cond3A_127 {
        %add3A_148 = arith.constant 1 : i32
        %add3A_149 = arith.addi %scan3A_121, %add3A_148 : i32
        %sub3A = arith.constant 1 : i32
        %sub3A_150 = arith.subi %sub3A, %rem3A_123 : i32
        %mul3A_151 = arith.constant 808 : i32
        %mul3A_152 = arith.muli %add3A, %mul3A_151 : i32
        %mul3A_153 = arith.constant 4 : i32
        %mul3A_154 = arith.muli %add3A_149, %mul3A_153 : i32
        %add3A_155 = arith.addi %mul3A_152, %mul3A_154 : i32
        "tpu.region"() ({
          %run_scoped3A_236 = tpu.sem_alloc : memref<!tpu.dma_semaphore, #tpu.memory_space<semaphore_mem>>
          %dma_start3A_237 = arith.constant 0 : i32
          %dma_start3A_238 = arith.constant 0 : i32
          %dma_start3A_239 = tpu.memref_slice %arg7[%sub3A_150, %dma_start3A_237, %dma_start3A_238] : memref<2x4x128xi32, #tpu.memory_space<vmem>> -> memref<1x4x128xi32, #tpu.memory_space<vmem>>
          %dma_start3A_240 = tpu.memref_squeeze %dma_start3A_239 : memref<1x4x128xi32, #tpu.memory_space<vmem>> -> memref<4x128xi32, #tpu.memory_space<vmem>>
          %dma_start3A_241 = arith.constant 0 : i32
          %dma_start3A_242 = tpu.memref_slice %arg2[%add3A_155, %dma_start3A_241] : memref<25856x128xi32, #tpu.memory_space<hbm>> -> memref<4x128xi32, #tpu.memory_space<hbm>>
          %dma_start3A_243 = arith.constant 0 : i32
          %dma_start3A_244 = arith.constant 0 : i32
          %dma_start3A_245 = tpu.memref_slice %arg7[%sub3A_150, %dma_start3A_243, %dma_start3A_244] : memref<2x4x128xi32, #tpu.memory_space<vmem>> -> memref<1x4x128xi32, #tpu.memory_space<vmem>>
          %dma_start3A_246 = tpu.memref_squeeze %dma_start3A_245 : memref<1x4x128xi32, #tpu.memory_space<vmem>> -> memref<4x128xi32, #tpu.memory_space<vmem>>
          %dma_start3A_247 = arith.constant 0 : i32
          %dma_start3A_248 = tpu.memref_slice %arg2[%add3A_155, %dma_start3A_247] : memref<25856x128xi32, #tpu.memory_space<hbm>> -> memref<4x128xi32, #tpu.memory_space<hbm>>
          tpu.enqueue_dma source(%dma_start3A_248 : memref<4x128xi32, #tpu.memory_space<hbm>>) target(%dma_start3A_246 : memref<4x128xi32, #tpu.memory_space<vmem>>) target_semaphore(%run_scoped3A_236 : memref<!tpu.dma_semaphore, #tpu.memory_space<semaphore_mem>>)
          %dma_wait3A_249 = arith.constant 0 : i32
          %dma_wait3A_250 = arith.constant 0 : i32
          %dma_wait3A_251 = tpu.memref_slice %arg7[%sub3A_150, %dma_wait3A_249, %dma_wait3A_250] : memref<2x4x128xi32, #tpu.memory_space<vmem>> -> memref<1x4x128xi32, #tpu.memory_space<vmem>>
          %dma_wait3A_252 = tpu.memref_squeeze %dma_wait3A_251 : memref<1x4x128xi32, #tpu.memory_space<vmem>> -> memref<4x128xi32, #tpu.memory_space<vmem>>
          %dma_wait3A_253 = arith.constant 0 : i32
          %dma_wait3A_254 = tpu.memref_slice %arg2[%add3A_155, %dma_wait3A_253] : memref<25856x128xi32, #tpu.memory_space<hbm>> -> memref<4x128xi32, #tpu.memory_space<hbm>>
          %dma_wait3A_255 = arith.constant 0 : i32
          %dma_wait3A_256 = arith.constant 0 : i32
          %dma_wait3A_257 = tpu.memref_slice %arg7[%sub3A_150, %dma_wait3A_255, %dma_wait3A_256] : memref<2x4x128xi32, #tpu.memory_space<vmem>> -> memref<1x4x128xi32, #tpu.memory_space<vmem>>
          %dma_wait3A_258 = tpu.memref_squeeze %dma_wait3A_257 : memref<1x4x128xi32, #tpu.memory_space<vmem>> -> memref<4x128xi32, #tpu.memory_space<vmem>>
          %dma_wait3A_259 = arith.constant 0 : i32
          %dma_wait3A_260 = tpu.memref_slice %arg2[%add3A_155, %dma_wait3A_259] : memref<25856x128xi32, #tpu.memory_space<hbm>> -> memref<4x128xi32, #tpu.memory_space<hbm>>
          tpu.wait_dma2 semaphore(%run_scoped3A_236 : memref<!tpu.dma_semaphore, #tpu.memory_space<semaphore_mem>>) src(%dma_wait3A_260 : memref<4x128xi32, #tpu.memory_space<hbm>>) dst(%dma_wait3A_258 : memref<4x128xi32, #tpu.memory_space<vmem>>)
          tpu.yield
        }) : () -> ()
        "tpu.region"() ({
          %run_scoped3A_236 = tpu.sem_alloc : memref<!tpu.dma_semaphore, #tpu.memory_space<semaphore_mem>>
          %dma_start3A_237 = arith.constant 0 : i32
          %dma_start3A_238 = arith.constant 0 : i32
          %dma_start3A_239 = tpu.memref_slice %arg8[%sub3A_150, %dma_start3A_237, %dma_start3A_238] : memref<2x4x128xi32, #tpu.memory_space<vmem>> -> memref<1x4x128xi32, #tpu.memory_space<vmem>>
          %dma_start3A_240 = tpu.memref_squeeze %dma_start3A_239 : memref<1x4x128xi32, #tpu.memory_space<vmem>> -> memref<4x128xi32, #tpu.memory_space<vmem>>
          %dma_start3A_241 = arith.constant 0 : i32
          %dma_start3A_242 = tpu.memref_slice %arg3[%add3A_155, %dma_start3A_241] : memref<25856x128xi32, #tpu.memory_space<hbm>> -> memref<4x128xi32, #tpu.memory_space<hbm>>
          %dma_start3A_243 = arith.constant 0 : i32
          %dma_start3A_244 = arith.constant 0 : i32
          %dma_start3A_245 = tpu.memref_slice %arg8[%sub3A_150, %dma_start3A_243, %dma_start3A_244] : memref<2x4x128xi32, #tpu.memory_space<vmem>> -> memref<1x4x128xi32, #tpu.memory_space<vmem>>
          %dma_start3A_246 = tpu.memref_squeeze %dma_start3A_245 : memref<1x4x128xi32, #tpu.memory_space<vmem>> -> memref<4x128xi32, #tpu.memory_space<vmem>>
          %dma_start3A_247 = arith.constant 0 : i32
          %dma_start3A_248 = tpu.memref_slice %arg3[%add3A_155, %dma_start3A_247] : memref<25856x128xi32, #tpu.memory_space<hbm>> -> memref<4x128xi32, #tpu.memory_space<hbm>>
          tpu.enqueue_dma source(%dma_start3A_248 : memref<4x128xi32, #tpu.memory_space<hbm>>) target(%dma_start3A_246 : memref<4x128xi32, #tpu.memory_space<vmem>>) target_semaphore(%run_scoped3A_236 : memref<!tpu.dma_semaphore, #tpu.memory_space<semaphore_mem>>)
          %dma_wait3A_249 = arith.constant 0 : i32
          %dma_wait3A_250 = arith.constant 0 : i32
          %dma_wait3A_251 = tpu.memref_slice %arg8[%sub3A_150, %dma_wait3A_249, %dma_wait3A_250] : memref<2x4x128xi32, #tpu.memory_space<vmem>> -> memref<1x4x128xi32, #tpu.memory_space<vmem>>
          %dma_wait3A_252 = tpu.memref_squeeze %dma_wait3A_251 : memref<1x4x128xi32, #tpu.memory_space<vmem>> -> memref<4x128xi32, #tpu.memory_space<vmem>>
          %dma_wait3A_253 = arith.constant 0 : i32
          %dma_wait3A_254 = tpu.memref_slice %arg3[%add3A_155, %dma_wait3A_253] : memref<25856x128xi32, #tpu.memory_space<hbm>> -> memref<4x128xi32, #tpu.memory_space<hbm>>
          %dma_wait3A_255 = arith.constant 0 : i32
          %dma_wait3A_256 = arith.constant 0 : i32
          %dma_wait3A_257 = tpu.memref_slice %arg8[%sub3A_150, %dma_wait3A_255, %dma_wait3A_256] : memref<2x4x128xi32, #tpu.memory_space<vmem>> -> memref<1x4x128xi32, #tpu.memory_space<vmem>>
          %dma_wait3A_258 = tpu.memref_squeeze %dma_wait3A_257 : memref<1x4x128xi32, #tpu.memory_space<vmem>> -> memref<4x128xi32, #tpu.memory_space<vmem>>
          %dma_wait3A_259 = arith.constant 0 : i32
          %dma_wait3A_260 = tpu.memref_slice %arg3[%add3A_155, %dma_wait3A_259] : memref<25856x128xi32, #tpu.memory_space<hbm>> -> memref<4x128xi32, #tpu.memory_space<hbm>>
          tpu.wait_dma2 semaphore(%run_scoped3A_236 : memref<!tpu.dma_semaphore, #tpu.memory_space<semaphore_mem>>) src(%dma_wait3A_260 : memref<4x128xi32, #tpu.memory_space<hbm>>) dst(%dma_wait3A_258 : memref<4x128xi32, #tpu.memory_space<vmem>>)
          tpu.yield
        }) : () -> ()
        %dma_start3A_156 = arith.constant 0 : i32
        %dma_start3A_157 = arith.constant 0 : i32
        %dma_start3A_158 = arith.constant 0 : i32
        %dma_start3A_159 = tpu.memref_slice %arg9[%sub3A_150, %dma_start3A_157, %dma_start3A_158] : memref<2x512x16xf32, #tpu.memory_space<vmem>> -> memref<1x512x16xf32, #tpu.memory_space<vmem>>
        %dma_start3A_160 = tpu.memref_squeeze %dma_start3A_159 : memref<1x512x16xf32, #tpu.memory_space<vmem>> -> memref<512x16xf32, #tpu.memory_space<vmem>>
        %dma_start3A_161 = arith.constant 0 : i32
        %dma_start3A_162 = arith.constant 0 : i32
        %dma_start3A_163 = tpu.memref_slice %dma_start3A_160[%dma_start3A_161, %dma_start3A_162] : memref<512x16xf32, #tpu.memory_space<vmem>> -> memref<128x16xf32, #tpu.memory_space<vmem>>
        %dma_start3A_164 = arith.constant 0 : i32
        %dma_start3A_165 = arith.constant 0 : i32
        %dma_start3A_166 = tpu.memref_slice %arg7[%sub3A_150, %dma_start3A_164, %dma_start3A_165] : memref<2x4x128xi32, #tpu.memory_space<vmem>> -> memref<1x4x128xi32, #tpu.memory_space<vmem>>
        %dma_start3A_167 = tpu.memref_squeeze %dma_start3A_166 : memref<1x4x128xi32, #tpu.memory_space<vmem>> -> memref<4x128xi32, #tpu.memory_space<vmem>>
        %dma_start3A_168 = arith.constant 0 : i32
        %dma_start3A_169 = tpu.memref_slice %dma_start3A_167[%dma_start3A_156, %dma_start3A_168] : memref<4x128xi32, #tpu.memory_space<vmem>> -> memref<1x128xi32, #tpu.memory_space<vmem>>
        %dma_start3A_170 = tpu.memref_squeeze %dma_start3A_169 : memref<1x128xi32, #tpu.memory_space<vmem>> -> memref<128xi32, #tpu.memory_space<vmem>>
        %dma_start3A_171 = arith.constant 0 : i32
        %dma_start3A_172 = arith.constant 0 : i32
        %dma_start3A_173 = tpu.memref_slice %arg4[%dma_start3A_171, %dma_start3A_172] : memref<102400x16xf32, #tpu.memory_space<hbm>> -> memref<102400x16xf32, #tpu.memory_space<hbm>>
        %dma_start3A_174 = tpu.memref_slice %arg11[%sub3A_150] : memref<2x!tpu.dma_semaphore, #tpu.memory_space<semaphore_mem>> -> memref<1x!tpu.dma_semaphore, #tpu.memory_space<semaphore_mem>>
        %dma_start3A_175 = tpu.memref_squeeze %dma_start3A_174 : memref<1x!tpu.dma_semaphore, #tpu.memory_space<semaphore_mem>> -> memref<!tpu.dma_semaphore, #tpu.memory_space<semaphore_mem>>
        tpu.enqueue_indirect_dma source(%dma_start3A_173 : memref<102400x16xf32, #tpu.memory_space<hbm>>) target(%dma_start3A_163 : memref<128x16xf32, #tpu.memory_space<vmem>>) offsets(%dma_start3A_170 : memref<128xi32, #tpu.memory_space<vmem>>) semaphore(%dma_start3A_175 : memref<!tpu.dma_semaphore, #tpu.memory_space<semaphore_mem>>)
        %dma_start3A_176 = arith.constant 1 : i32
        %dma_start3A_177 = arith.constant 0 : i32
        %dma_start3A_178 = arith.constant 0 : i32
        %dma_start3A_179 = tpu.memref_slice %arg9[%sub3A_150, %dma_start3A_177, %dma_start3A_178] : memref<2x512x16xf32, #tpu.memory_space<vmem>> -> memref<1x512x16xf32, #tpu.memory_space<vmem>>
        %dma_start3A_180 = tpu.memref_squeeze %dma_start3A_179 : memref<1x512x16xf32, #tpu.memory_space<vmem>> -> memref<512x16xf32, #tpu.memory_space<vmem>>
        %dma_start3A_181 = arith.constant 128 : i32
        %dma_start3A_182 = arith.constant 0 : i32
        %dma_start3A_183 = tpu.memref_slice %dma_start3A_180[%dma_start3A_181, %dma_start3A_182] : memref<512x16xf32, #tpu.memory_space<vmem>> -> memref<128x16xf32, #tpu.memory_space<vmem>>
        %dma_start3A_184 = arith.constant 0 : i32
        %dma_start3A_185 = arith.constant 0 : i32
        %dma_start3A_186 = tpu.memref_slice %arg7[%sub3A_150, %dma_start3A_184, %dma_start3A_185] : memref<2x4x128xi32, #tpu.memory_space<vmem>> -> memref<1x4x128xi32, #tpu.memory_space<vmem>>
        %dma_start3A_187 = tpu.memref_squeeze %dma_start3A_186 : memref<1x4x128xi32, #tpu.memory_space<vmem>> -> memref<4x128xi32, #tpu.memory_space<vmem>>
        %dma_start3A_188 = arith.constant 0 : i32
        %dma_start3A_189 = tpu.memref_slice %dma_start3A_187[%dma_start3A_176, %dma_start3A_188] : memref<4x128xi32, #tpu.memory_space<vmem>> -> memref<1x128xi32, #tpu.memory_space<vmem>>
        %dma_start3A_190 = tpu.memref_squeeze %dma_start3A_189 : memref<1x128xi32, #tpu.memory_space<vmem>> -> memref<128xi32, #tpu.memory_space<vmem>>
        %dma_start3A_191 = arith.constant 0 : i32
        %dma_start3A_192 = arith.constant 0 : i32
        %dma_start3A_193 = tpu.memref_slice %arg4[%dma_start3A_191, %dma_start3A_192] : memref<102400x16xf32, #tpu.memory_space<hbm>> -> memref<102400x16xf32, #tpu.memory_space<hbm>>
        %dma_start3A_194 = tpu.memref_slice %arg11[%sub3A_150] : memref<2x!tpu.dma_semaphore, #tpu.memory_space<semaphore_mem>> -> memref<1x!tpu.dma_semaphore, #tpu.memory_space<semaphore_mem>>
        %dma_start3A_195 = tpu.memref_squeeze %dma_start3A_194 : memref<1x!tpu.dma_semaphore, #tpu.memory_space<semaphore_mem>> -> memref<!tpu.dma_semaphore, #tpu.memory_space<semaphore_mem>>
        tpu.enqueue_indirect_dma source(%dma_start3A_193 : memref<102400x16xf32, #tpu.memory_space<hbm>>) target(%dma_start3A_183 : memref<128x16xf32, #tpu.memory_space<vmem>>) offsets(%dma_start3A_190 : memref<128xi32, #tpu.memory_space<vmem>>) semaphore(%dma_start3A_195 : memref<!tpu.dma_semaphore, #tpu.memory_space<semaphore_mem>>)
        %dma_start3A_196 = arith.constant 2 : i32
        %dma_start3A_197 = arith.constant 0 : i32
        %dma_start3A_198 = arith.constant 0 : i32
        %dma_start3A_199 = tpu.memref_slice %arg9[%sub3A_150, %dma_start3A_197, %dma_start3A_198] : memref<2x512x16xf32, #tpu.memory_space<vmem>> -> memref<1x512x16xf32, #tpu.memory_space<vmem>>
        %dma_start3A_200 = tpu.memref_squeeze %dma_start3A_199 : memref<1x512x16xf32, #tpu.memory_space<vmem>> -> memref<512x16xf32, #tpu.memory_space<vmem>>
        %dma_start3A_201 = arith.constant 256 : i32
        %dma_start3A_202 = arith.constant 0 : i32
        %dma_start3A_203 = tpu.memref_slice %dma_start3A_200[%dma_start3A_201, %dma_start3A_202] : memref<512x16xf32, #tpu.memory_space<vmem>> -> memref<128x16xf32, #tpu.memory_space<vmem>>
        %dma_start3A_204 = arith.constant 0 : i32
        %dma_start3A_205 = arith.constant 0 : i32
        %dma_start3A_206 = tpu.memref_slice %arg7[%sub3A_150, %dma_start3A_204, %dma_start3A_205] : memref<2x4x128xi32, #tpu.memory_space<vmem>> -> memref<1x4x128xi32, #tpu.memory_space<vmem>>
        %dma_start3A_207 = tpu.memref_squeeze %dma_start3A_206 : memref<1x4x128xi32, #tpu.memory_space<vmem>> -> memref<4x128xi32, #tpu.memory_space<vmem>>
        %dma_start3A_208 = arith.constant 0 : i32
        %dma_start3A_209 = tpu.memref_slice %dma_start3A_207[%dma_start3A_196, %dma_start3A_208] : memref<4x128xi32, #tpu.memory_space<vmem>> -> memref<1x128xi32, #tpu.memory_space<vmem>>
        %dma_start3A_210 = tpu.memref_squeeze %dma_start3A_209 : memref<1x128xi32, #tpu.memory_space<vmem>> -> memref<128xi32, #tpu.memory_space<vmem>>
        %dma_start3A_211 = arith.constant 0 : i32
        %dma_start3A_212 = arith.constant 0 : i32
        %dma_start3A_213 = tpu.memref_slice %arg4[%dma_start3A_211, %dma_start3A_212] : memref<102400x16xf32, #tpu.memory_space<hbm>> -> memref<102400x16xf32, #tpu.memory_space<hbm>>
        %dma_start3A_214 = tpu.memref_slice %arg11[%sub3A_150] : memref<2x!tpu.dma_semaphore, #tpu.memory_space<semaphore_mem>> -> memref<1x!tpu.dma_semaphore, #tpu.memory_space<semaphore_mem>>
        %dma_start3A_215 = tpu.memref_squeeze %dma_start3A_214 : memref<1x!tpu.dma_semaphore, #tpu.memory_space<semaphore_mem>> -> memref<!tpu.dma_semaphore, #tpu.memory_space<semaphore_mem>>
        tpu.enqueue_indirect_dma source(%dma_start3A_213 : memref<102400x16xf32, #tpu.memory_space<hbm>>) target(%dma_start3A_203 : memref<128x16xf32, #tpu.memory_space<vmem>>) offsets(%dma_start3A_210 : memref<128xi32, #tpu.memory_space<vmem>>) semaphore(%dma_start3A_215 : memref<!tpu.dma_semaphore, #tpu.memory_space<semaphore_mem>>)
        %dma_start3A_216 = arith.constant 3 : i32
        %dma_start3A_217 = arith.constant 0 : i32
        %dma_start3A_218 = arith.constant 0 : i32
        %dma_start3A_219 = tpu.memref_slice %arg9[%sub3A_150, %dma_start3A_217, %dma_start3A_218] : memref<2x512x16xf32, #tpu.memory_space<vmem>> -> memref<1x512x16xf32, #tpu.memory_space<vmem>>
        %dma_start3A_220 = tpu.memref_squeeze %dma_start3A_219 : memref<1x512x16xf32, #tpu.memory_space<vmem>> -> memref<512x16xf32, #tpu.memory_space<vmem>>
        %dma_start3A_221 = arith.constant 384 : i32
        %dma_start3A_222 = arith.constant 0 : i32
        %dma_start3A_223 = tpu.memref_slice %dma_start3A_220[%dma_start3A_221, %dma_start3A_222] : memref<512x16xf32, #tpu.memory_space<vmem>> -> memref<128x16xf32, #tpu.memory_space<vmem>>
        %dma_start3A_224 = arith.constant 0 : i32
        %dma_start3A_225 = arith.constant 0 : i32
        %dma_start3A_226 = tpu.memref_slice %arg7[%sub3A_150, %dma_start3A_224, %dma_start3A_225] : memref<2x4x128xi32, #tpu.memory_space<vmem>> -> memref<1x4x128xi32, #tpu.memory_space<vmem>>
        %dma_start3A_227 = tpu.memref_squeeze %dma_start3A_226 : memref<1x4x128xi32, #tpu.memory_space<vmem>> -> memref<4x128xi32, #tpu.memory_space<vmem>>
        %dma_start3A_228 = arith.constant 0 : i32
        %dma_start3A_229 = tpu.memref_slice %dma_start3A_227[%dma_start3A_216, %dma_start3A_228] : memref<4x128xi32, #tpu.memory_space<vmem>> -> memref<1x128xi32, #tpu.memory_space<vmem>>
        %dma_start3A_230 = tpu.memref_squeeze %dma_start3A_229 : memref<1x128xi32, #tpu.memory_space<vmem>> -> memref<128xi32, #tpu.memory_space<vmem>>
        %dma_start3A_231 = arith.constant 0 : i32
        %dma_start3A_232 = arith.constant 0 : i32
        %dma_start3A_233 = tpu.memref_slice %arg4[%dma_start3A_231, %dma_start3A_232] : memref<102400x16xf32, #tpu.memory_space<hbm>> -> memref<102400x16xf32, #tpu.memory_space<hbm>>
        %dma_start3A_234 = tpu.memref_slice %arg11[%sub3A_150] : memref<2x!tpu.dma_semaphore, #tpu.memory_space<semaphore_mem>> -> memref<1x!tpu.dma_semaphore, #tpu.memory_space<semaphore_mem>>
        %dma_start3A_235 = tpu.memref_squeeze %dma_start3A_234 : memref<1x!tpu.dma_semaphore, #tpu.memory_space<semaphore_mem>> -> memref<!tpu.dma_semaphore, #tpu.memory_space<semaphore_mem>>
        tpu.enqueue_indirect_dma source(%dma_start3A_233 : memref<102400x16xf32, #tpu.memory_space<hbm>>) target(%dma_start3A_223 : memref<128x16xf32, #tpu.memory_space<vmem>>) offsets(%dma_start3A_230 : memref<128xi32, #tpu.memory_space<vmem>>) semaphore(%dma_start3A_235 : memref<!tpu.dma_semaphore, #tpu.memory_space<semaphore_mem>>)
      } else {
      }
      %dma_wait3A = arith.constant 0 : i32
      %dma_wait3A_128 = arith.constant 0 : i32
      %dma_wait3A_129 = tpu.memref_slice %arg9[%rem3A_123, %dma_wait3A, %dma_wait3A_128] : memref<2x512x16xf32, #tpu.memory_space<vmem>> -> memref<1x512x16xf32, #tpu.memory_space<vmem>>
      %dma_wait3A_130 = tpu.memref_squeeze %dma_wait3A_129 : memref<1x512x16xf32, #tpu.memory_space<vmem>> -> memref<512x16xf32, #tpu.memory_space<vmem>>
      %dma_wait3A_131 = arith.constant 0 : i32
      %dma_wait3A_132 = arith.constant 0 : i32
      %dma_wait3A_133 = tpu.memref_slice %arg4[%dma_wait3A_131, %dma_wait3A_132] : memref<102400x16xf32, #tpu.memory_space<hbm>> -> memref<512x16xf32, #tpu.memory_space<hbm>>
      %dma_wait3A_134 = tpu.memref_slice %arg11[%rem3A_123] : memref<2x!tpu.dma_semaphore, #tpu.memory_space<semaphore_mem>> -> memref<1x!tpu.dma_semaphore, #tpu.memory_space<semaphore_mem>>
      %dma_wait3A_135 = tpu.memref_squeeze %dma_wait3A_134 : memref<1x!tpu.dma_semaphore, #tpu.memory_space<semaphore_mem>> -> memref<!tpu.dma_semaphore, #tpu.memory_space<semaphore_mem>>
      %dma_wait3A_136 = arith.constant 0 : i32
      %dma_wait3A_137 = arith.constant 0 : i32
      %dma_wait3A_138 = tpu.memref_slice %arg9[%rem3A_123, %dma_wait3A_136, %dma_wait3A_137] : memref<2x512x16xf32, #tpu.memory_space<vmem>> -> memref<1x512x16xf32, #tpu.memory_space<vmem>>
      %dma_wait3A_139 = tpu.memref_squeeze %dma_wait3A_138 : memref<1x512x16xf32, #tpu.memory_space<vmem>> -> memref<512x16xf32, #tpu.memory_space<vmem>>
      %dma_wait3A_140 = arith.constant 0 : i32
      %dma_wait3A_141 = arith.constant 0 : i32
      %dma_wait3A_142 = tpu.memref_slice %arg4[%dma_wait3A_140, %dma_wait3A_141] : memref<102400x16xf32, #tpu.memory_space<hbm>> -> memref<512x16xf32, #tpu.memory_space<hbm>>
      tpu.wait_dma2 semaphore(%dma_wait3A_135 : memref<!tpu.dma_semaphore, #tpu.memory_space<semaphore_mem>>) src(%dma_wait3A_142 : memref<512x16xf32, #tpu.memory_space<hbm>>) dst(%dma_wait3A_139 : memref<512x16xf32, #tpu.memory_space<vmem>>)
      %run_scoped3A_143 = arith.constant 0 : i32
      "tpu.region"() ({
        %run_scoped3A_148 = tpu.sem_alloc : memref<!tpu.dma_semaphore, #tpu.memory_space<semaphore_mem>>
        %dma_start3A_149 = arith.constant 0 : i32
        %dma_start3A_150 = arith.constant 0 : i32
        %dma_start3A_151 = tpu.memref_slice %arg9[%rem3A_123, %dma_start3A_149, %dma_start3A_150] : memref<2x512x16xf32, #tpu.memory_space<vmem>> -> memref<1x512x16xf32, #tpu.memory_space<vmem>>
        %dma_start3A_152 = tpu.memref_squeeze %dma_start3A_151 : memref<1x512x16xf32, #tpu.memory_space<vmem>> -> memref<512x16xf32, #tpu.memory_space<vmem>>
        %dma_start3A_153 = arith.constant 0 : i32
        %dma_start3A_154 = arith.constant 0 : i32
        %dma_start3A_155 = tpu.memref_slice %dma_start3A_152[%dma_start3A_153, %dma_start3A_154] : memref<512x16xf32, #tpu.memory_space<vmem>> -> memref<128x16xf32, #tpu.memory_space<vmem>>
        %dma_start3A_156 = arith.constant 0 : i32
        %dma_start3A_157 = arith.constant 0 : i32
        %dma_start3A_158 = tpu.memref_slice %arg8[%rem3A_123, %dma_start3A_156, %dma_start3A_157] : memref<2x4x128xi32, #tpu.memory_space<vmem>> -> memref<1x4x128xi32, #tpu.memory_space<vmem>>
        %dma_start3A_159 = tpu.memref_squeeze %dma_start3A_158 : memref<1x4x128xi32, #tpu.memory_space<vmem>> -> memref<4x128xi32, #tpu.memory_space<vmem>>
        %dma_start3A_160 = arith.constant 0 : i32
        %dma_start3A_161 = tpu.memref_slice %dma_start3A_159[%run_scoped3A_143, %dma_start3A_160] : memref<4x128xi32, #tpu.memory_space<vmem>> -> memref<1x128xi32, #tpu.memory_space<vmem>>
        %dma_start3A_162 = tpu.memref_squeeze %dma_start3A_161 : memref<1x128xi32, #tpu.memory_space<vmem>> -> memref<128xi32, #tpu.memory_space<vmem>>
        %dma_start3A_163 = arith.constant 0 : i32
        %dma_start3A_164 = arith.constant 0 : i32
        %dma_start3A_165 = tpu.memref_slice %arg10[%dma_start3A_163, %dma_start3A_164] : memref<102400x16xf32, #tpu.memory_space<vmem_shared>> -> memref<102400x16xf32, #tpu.memory_space<vmem_shared>>
        tpu.enqueue_indirect_dma source(%dma_start3A_155 : memref<128x16xf32, #tpu.memory_space<vmem>>) target(%dma_start3A_165 : memref<102400x16xf32, #tpu.memory_space<vmem_shared>>) offsets(%dma_start3A_162 : memref<128xi32, #tpu.memory_space<vmem>>) semaphore(%run_scoped3A_148 : memref<!tpu.dma_semaphore, #tpu.memory_space<semaphore_mem>>) {add = true}
        %dma_wait3A_166 = arith.constant 0 : i32
        %dma_wait3A_167 = arith.constant 0 : i32
        %dma_wait3A_168 = tpu.memref_slice %arg9[%rem3A_123, %dma_wait3A_166, %dma_wait3A_167] : memref<2x512x16xf32, #tpu.memory_space<vmem>> -> memref<1x512x16xf32, #tpu.memory_space<vmem>>
        %dma_wait3A_169 = tpu.memref_squeeze %dma_wait3A_168 : memref<1x512x16xf32, #tpu.memory_space<vmem>> -> memref<512x16xf32, #tpu.memory_space<vmem>>
        %dma_wait3A_170 = arith.constant 0 : i32
        %dma_wait3A_171 = arith.constant 0 : i32
        %dma_wait3A_172 = tpu.memref_slice %dma_wait3A_169[%dma_wait3A_170, %dma_wait3A_171] : memref<512x16xf32, #tpu.memory_space<vmem>> -> memref<128x16xf32, #tpu.memory_space<vmem>>
        %dma_wait3A_173 = arith.constant 0 : i32
        %dma_wait3A_174 = arith.constant 0 : i32
        %dma_wait3A_175 = tpu.memref_slice %arg8[%rem3A_123, %dma_wait3A_173, %dma_wait3A_174] : memref<2x4x128xi32, #tpu.memory_space<vmem>> -> memref<1x4x128xi32, #tpu.memory_space<vmem>>
        %dma_wait3A_176 = tpu.memref_squeeze %dma_wait3A_175 : memref<1x4x128xi32, #tpu.memory_space<vmem>> -> memref<4x128xi32, #tpu.memory_space<vmem>>
        %dma_wait3A_177 = arith.constant 0 : i32
        %dma_wait3A_178 = tpu.memref_slice %dma_wait3A_176[%run_scoped3A_143, %dma_wait3A_177] : memref<4x128xi32, #tpu.memory_space<vmem>> -> memref<1x128xi32, #tpu.memory_space<vmem>>
        %dma_wait3A_179 = tpu.memref_squeeze %dma_wait3A_178 : memref<1x128xi32, #tpu.memory_space<vmem>> -> memref<128xi32, #tpu.memory_space<vmem>>
        %dma_wait3A_180 = arith.constant 0 : i32
        %dma_wait3A_181 = arith.constant 0 : i32
        %dma_wait3A_182 = tpu.memref_slice %arg10[%dma_wait3A_180, %dma_wait3A_181] : memref<102400x16xf32, #tpu.memory_space<vmem_shared>> -> memref<102400x16xf32, #tpu.memory_space<vmem_shared>>
        tpu.wait_indirect_dma semaphore(%run_scoped3A_148 : memref<!tpu.dma_semaphore, #tpu.memory_space<semaphore_mem>>) src(%dma_wait3A_172 : memref<128x16xf32, #tpu.memory_space<vmem>>) dst(%dma_wait3A_182 : memref<102400x16xf32, #tpu.memory_space<vmem_shared>>)
        tpu.yield
      }) : () -> ()
      %run_scoped3A_144 = arith.constant 1 : i32
      "tpu.region"() ({
        %run_scoped3A_148 = tpu.sem_alloc : memref<!tpu.dma_semaphore, #tpu.memory_space<semaphore_mem>>
        %dma_start3A_149 = arith.constant 0 : i32
        %dma_start3A_150 = arith.constant 0 : i32
        %dma_start3A_151 = tpu.memref_slice %arg9[%rem3A_123, %dma_start3A_149, %dma_start3A_150] : memref<2x512x16xf32, #tpu.memory_space<vmem>> -> memref<1x512x16xf32, #tpu.memory_space<vmem>>
        %dma_start3A_152 = tpu.memref_squeeze %dma_start3A_151 : memref<1x512x16xf32, #tpu.memory_space<vmem>> -> memref<512x16xf32, #tpu.memory_space<vmem>>
        %dma_start3A_153 = arith.constant 128 : i32
        %dma_start3A_154 = arith.constant 0 : i32
        %dma_start3A_155 = tpu.memref_slice %dma_start3A_152[%dma_start3A_153, %dma_start3A_154] : memref<512x16xf32, #tpu.memory_space<vmem>> -> memref<128x16xf32, #tpu.memory_space<vmem>>
        %dma_start3A_156 = arith.constant 0 : i32
        %dma_start3A_157 = arith.constant 0 : i32
        %dma_start3A_158 = tpu.memref_slice %arg8[%rem3A_123, %dma_start3A_156, %dma_start3A_157] : memref<2x4x128xi32, #tpu.memory_space<vmem>> -> memref<1x4x128xi32, #tpu.memory_space<vmem>>
        %dma_start3A_159 = tpu.memref_squeeze %dma_start3A_158 : memref<1x4x128xi32, #tpu.memory_space<vmem>> -> memref<4x128xi32, #tpu.memory_space<vmem>>
        %dma_start3A_160 = arith.constant 0 : i32
        %dma_start3A_161 = tpu.memref_slice %dma_start3A_159[%run_scoped3A_144, %dma_start3A_160] : memref<4x128xi32, #tpu.memory_space<vmem>> -> memref<1x128xi32, #tpu.memory_space<vmem>>
        %dma_start3A_162 = tpu.memref_squeeze %dma_start3A_161 : memref<1x128xi32, #tpu.memory_space<vmem>> -> memref<128xi32, #tpu.memory_space<vmem>>
        %dma_start3A_163 = arith.constant 0 : i32
        %dma_start3A_164 = arith.constant 0 : i32
        %dma_start3A_165 = tpu.memref_slice %arg10[%dma_start3A_163, %dma_start3A_164] : memref<102400x16xf32, #tpu.memory_space<vmem_shared>> -> memref<102400x16xf32, #tpu.memory_space<vmem_shared>>
        tpu.enqueue_indirect_dma source(%dma_start3A_155 : memref<128x16xf32, #tpu.memory_space<vmem>>) target(%dma_start3A_165 : memref<102400x16xf32, #tpu.memory_space<vmem_shared>>) offsets(%dma_start3A_162 : memref<128xi32, #tpu.memory_space<vmem>>) semaphore(%run_scoped3A_148 : memref<!tpu.dma_semaphore, #tpu.memory_space<semaphore_mem>>) {add = true}
        %dma_wait3A_166 = arith.constant 0 : i32
        %dma_wait3A_167 = arith.constant 0 : i32
        %dma_wait3A_168 = tpu.memref_slice %arg9[%rem3A_123, %dma_wait3A_166, %dma_wait3A_167] : memref<2x512x16xf32, #tpu.memory_space<vmem>> -> memref<1x512x16xf32, #tpu.memory_space<vmem>>
        %dma_wait3A_169 = tpu.memref_squeeze %dma_wait3A_168 : memref<1x512x16xf32, #tpu.memory_space<vmem>> -> memref<512x16xf32, #tpu.memory_space<vmem>>
        %dma_wait3A_170 = arith.constant 128 : i32
        %dma_wait3A_171 = arith.constant 0 : i32
        %dma_wait3A_172 = tpu.memref_slice %dma_wait3A_169[%dma_wait3A_170, %dma_wait3A_171] : memref<512x16xf32, #tpu.memory_space<vmem>> -> memref<128x16xf32, #tpu.memory_space<vmem>>
        %dma_wait3A_173 = arith.constant 0 : i32
        %dma_wait3A_174 = arith.constant 0 : i32
        %dma_wait3A_175 = tpu.memref_slice %arg8[%rem3A_123, %dma_wait3A_173, %dma_wait3A_174] : memref<2x4x128xi32, #tpu.memory_space<vmem>> -> memref<1x4x128xi32, #tpu.memory_space<vmem>>
        %dma_wait3A_176 = tpu.memref_squeeze %dma_wait3A_175 : memref<1x4x128xi32, #tpu.memory_space<vmem>> -> memref<4x128xi32, #tpu.memory_space<vmem>>
        %dma_wait3A_177 = arith.constant 0 : i32
        %dma_wait3A_178 = tpu.memref_slice %dma_wait3A_176[%run_scoped3A_144, %dma_wait3A_177] : memref<4x128xi32, #tpu.memory_space<vmem>> -> memref<1x128xi32, #tpu.memory_space<vmem>>
        %dma_wait3A_179 = tpu.memref_squeeze %dma_wait3A_178 : memref<1x128xi32, #tpu.memory_space<vmem>> -> memref<128xi32, #tpu.memory_space<vmem>>
        %dma_wait3A_180 = arith.constant 0 : i32
        %dma_wait3A_181 = arith.constant 0 : i32
        %dma_wait3A_182 = tpu.memref_slice %arg10[%dma_wait3A_180, %dma_wait3A_181] : memref<102400x16xf32, #tpu.memory_space<vmem_shared>> -> memref<102400x16xf32, #tpu.memory_space<vmem_shared>>
        tpu.wait_indirect_dma semaphore(%run_scoped3A_148 : memref<!tpu.dma_semaphore, #tpu.memory_space<semaphore_mem>>) src(%dma_wait3A_172 : memref<128x16xf32, #tpu.memory_space<vmem>>) dst(%dma_wait3A_182 : memref<102400x16xf32, #tpu.memory_space<vmem_shared>>)
        tpu.yield
      }) : () -> ()
      %run_scoped3A_145 = arith.constant 2 : i32
      "tpu.region"() ({
        %run_scoped3A_148 = tpu.sem_alloc : memref<!tpu.dma_semaphore, #tpu.memory_space<semaphore_mem>>
        %dma_start3A_149 = arith.constant 0 : i32
        %dma_start3A_150 = arith.constant 0 : i32
        %dma_start3A_151 = tpu.memref_slice %arg9[%rem3A_123, %dma_start3A_149, %dma_start3A_150] : memref<2x512x16xf32, #tpu.memory_space<vmem>> -> memref<1x512x16xf32, #tpu.memory_space<vmem>>
        %dma_start3A_152 = tpu.memref_squeeze %dma_start3A_151 : memref<1x512x16xf32, #tpu.memory_space<vmem>> -> memref<512x16xf32, #tpu.memory_space<vmem>>
        %dma_start3A_153 = arith.constant 256 : i32
        %dma_start3A_154 = arith.constant 0 : i32
        %dma_start3A_155 = tpu.memref_slice %dma_start3A_152[%dma_start3A_153, %dma_start3A_154] : memref<512x16xf32, #tpu.memory_space<vmem>> -> memref<128x16xf32, #tpu.memory_space<vmem>>
        %dma_start3A_156 = arith.constant 0 : i32
        %dma_start3A_157 = arith.constant 0 : i32
        %dma_start3A_158 = tpu.memref_slice %arg8[%rem3A_123, %dma_start3A_156, %dma_start3A_157] : memref<2x4x128xi32, #tpu.memory_space<vmem>> -> memref<1x4x128xi32, #tpu.memory_space<vmem>>
        %dma_start3A_159 = tpu.memref_squeeze %dma_start3A_158 : memref<1x4x128xi32, #tpu.memory_space<vmem>> -> memref<4x128xi32, #tpu.memory_space<vmem>>
        %dma_start3A_160 = arith.constant 0 : i32
        %dma_start3A_161 = tpu.memref_slice %dma_start3A_159[%run_scoped3A_145, %dma_start3A_160] : memref<4x128xi32, #tpu.memory_space<vmem>> -> memref<1x128xi32, #tpu.memory_space<vmem>>
        %dma_start3A_162 = tpu.memref_squeeze %dma_start3A_161 : memref<1x128xi32, #tpu.memory_space<vmem>> -> memref<128xi32, #tpu.memory_space<vmem>>
        %dma_start3A_163 = arith.constant 0 : i32
        %dma_start3A_164 = arith.constant 0 : i32
        %dma_start3A_165 = tpu.memref_slice %arg10[%dma_start3A_163, %dma_start3A_164] : memref<102400x16xf32, #tpu.memory_space<vmem_shared>> -> memref<102400x16xf32, #tpu.memory_space<vmem_shared>>
        tpu.enqueue_indirect_dma source(%dma_start3A_155 : memref<128x16xf32, #tpu.memory_space<vmem>>) target(%dma_start3A_165 : memref<102400x16xf32, #tpu.memory_space<vmem_shared>>) offsets(%dma_start3A_162 : memref<128xi32, #tpu.memory_space<vmem>>) semaphore(%run_scoped3A_148 : memref<!tpu.dma_semaphore, #tpu.memory_space<semaphore_mem>>) {add = true}
        %dma_wait3A_166 = arith.constant 0 : i32
        %dma_wait3A_167 = arith.constant 0 : i32
        %dma_wait3A_168 = tpu.memref_slice %arg9[%rem3A_123, %dma_wait3A_166, %dma_wait3A_167] : memref<2x512x16xf32, #tpu.memory_space<vmem>> -> memref<1x512x16xf32, #tpu.memory_space<vmem>>
        %dma_wait3A_169 = tpu.memref_squeeze %dma_wait3A_168 : memref<1x512x16xf32, #tpu.memory_space<vmem>> -> memref<512x16xf32, #tpu.memory_space<vmem>>
        %dma_wait3A_170 = arith.constant 256 : i32
        %dma_wait3A_171 = arith.constant 0 : i32
        %dma_wait3A_172 = tpu.memref_slice %dma_wait3A_169[%dma_wait3A_170, %dma_wait3A_171] : memref<512x16xf32, #tpu.memory_space<vmem>> -> memref<128x16xf32, #tpu.memory_space<vmem>>
        %dma_wait3A_173 = arith.constant 0 : i32
        %dma_wait3A_174 = arith.constant 0 : i32
        %dma_wait3A_175 = tpu.memref_slice %arg8[%rem3A_123, %dma_wait3A_173, %dma_wait3A_174] : memref<2x4x128xi32, #tpu.memory_space<vmem>> -> memref<1x4x128xi32, #tpu.memory_space<vmem>>
        %dma_wait3A_176 = tpu.memref_squeeze %dma_wait3A_175 : memref<1x4x128xi32, #tpu.memory_space<vmem>> -> memref<4x128xi32, #tpu.memory_space<vmem>>
        %dma_wait3A_177 = arith.constant 0 : i32
        %dma_wait3A_178 = tpu.memref_slice %dma_wait3A_176[%run_scoped3A_145, %dma_wait3A_177] : memref<4x128xi32, #tpu.memory_space<vmem>> -> memref<1x128xi32, #tpu.memory_space<vmem>>
        %dma_wait3A_179 = tpu.memref_squeeze %dma_wait3A_178 : memref<1x128xi32, #tpu.memory_space<vmem>> -> memref<128xi32, #tpu.memory_space<vmem>>
        %dma_wait3A_180 = arith.constant 0 : i32
        %dma_wait3A_181 = arith.constant 0 : i32
        %dma_wait3A_182 = tpu.memref_slice %arg10[%dma_wait3A_180, %dma_wait3A_181] : memref<102400x16xf32, #tpu.memory_space<vmem_shared>> -> memref<102400x16xf32, #tpu.memory_space<vmem_shared>>
        tpu.wait_indirect_dma semaphore(%run_scoped3A_148 : memref<!tpu.dma_semaphore, #tpu.memory_space<semaphore_mem>>) src(%dma_wait3A_172 : memref<128x16xf32, #tpu.memory_space<vmem>>) dst(%dma_wait3A_182 : memref<102400x16xf32, #tpu.memory_space<vmem_shared>>)
        tpu.yield
      }) : () -> ()
      %run_scoped3A_146 = arith.constant 3 : i32
      "tpu.region"() ({
        %run_scoped3A_148 = tpu.sem_alloc : memref<!tpu.dma_semaphore, #tpu.memory_space<semaphore_mem>>
        %dma_start3A_149 = arith.constant 0 : i32
        %dma_start3A_150 = arith.constant 0 : i32
        %dma_start3A_151 = tpu.memref_slice %arg9[%rem3A_123, %dma_start3A_149, %dma_start3A_150] : memref<2x512x16xf32, #tpu.memory_space<vmem>> -> memref<1x512x16xf32, #tpu.memory_space<vmem>>
        %dma_start3A_152 = tpu.memref_squeeze %dma_start3A_151 : memref<1x512x16xf32, #tpu.memory_space<vmem>> -> memref<512x16xf32, #tpu.memory_space<vmem>>
        %dma_start3A_153 = arith.constant 384 : i32
        %dma_start3A_154 = arith.constant 0 : i32
        %dma_start3A_155 = tpu.memref_slice %dma_start3A_152[%dma_start3A_153, %dma_start3A_154] : memref<512x16xf32, #tpu.memory_space<vmem>> -> memref<128x16xf32, #tpu.memory_space<vmem>>
        %dma_start3A_156 = arith.constant 0 : i32
        %dma_start3A_157 = arith.constant 0 : i32
        %dma_start3A_158 = tpu.memref_slice %arg8[%rem3A_123, %dma_start3A_156, %dma_start3A_157] : memref<2x4x128xi32, #tpu.memory_space<vmem>> -> memref<1x4x128xi32, #tpu.memory_space<vmem>>
        %dma_start3A_159 = tpu.memref_squeeze %dma_start3A_158 : memref<1x4x128xi32, #tpu.memory_space<vmem>> -> memref<4x128xi32, #tpu.memory_space<vmem>>
        %dma_start3A_160 = arith.constant 0 : i32
        %dma_start3A_161 = tpu.memref_slice %dma_start3A_159[%run_scoped3A_146, %dma_start3A_160] : memref<4x128xi32, #tpu.memory_space<vmem>> -> memref<1x128xi32, #tpu.memory_space<vmem>>
        %dma_start3A_162 = tpu.memref_squeeze %dma_start3A_161 : memref<1x128xi32, #tpu.memory_space<vmem>> -> memref<128xi32, #tpu.memory_space<vmem>>
        %dma_start3A_163 = arith.constant 0 : i32
        %dma_start3A_164 = arith.constant 0 : i32
        %dma_start3A_165 = tpu.memref_slice %arg10[%dma_start3A_163, %dma_start3A_164] : memref<102400x16xf32, #tpu.memory_space<vmem_shared>> -> memref<102400x16xf32, #tpu.memory_space<vmem_shared>>
        tpu.enqueue_indirect_dma source(%dma_start3A_155 : memref<128x16xf32, #tpu.memory_space<vmem>>) target(%dma_start3A_165 : memref<102400x16xf32, #tpu.memory_space<vmem_shared>>) offsets(%dma_start3A_162 : memref<128xi32, #tpu.memory_space<vmem>>) semaphore(%run_scoped3A_148 : memref<!tpu.dma_semaphore, #tpu.memory_space<semaphore_mem>>) {add = true}
        %dma_wait3A_166 = arith.constant 0 : i32
        %dma_wait3A_167 = arith.constant 0 : i32
        %dma_wait3A_168 = tpu.memref_slice %arg9[%rem3A_123, %dma_wait3A_166, %dma_wait3A_167] : memref<2x512x16xf32, #tpu.memory_space<vmem>> -> memref<1x512x16xf32, #tpu.memory_space<vmem>>
        %dma_wait3A_169 = tpu.memref_squeeze %dma_wait3A_168 : memref<1x512x16xf32, #tpu.memory_space<vmem>> -> memref<512x16xf32, #tpu.memory_space<vmem>>
        %dma_wait3A_170 = arith.constant 384 : i32
        %dma_wait3A_171 = arith.constant 0 : i32
        %dma_wait3A_172 = tpu.memref_slice %dma_wait3A_169[%dma_wait3A_170, %dma_wait3A_171] : memref<512x16xf32, #tpu.memory_space<vmem>> -> memref<128x16xf32, #tpu.memory_space<vmem>>
        %dma_wait3A_173 = arith.constant 0 : i32
        %dma_wait3A_174 = arith.constant 0 : i32
        %dma_wait3A_175 = tpu.memref_slice %arg8[%rem3A_123, %dma_wait3A_173, %dma_wait3A_174] : memref<2x4x128xi32, #tpu.memory_space<vmem>> -> memref<1x4x128xi32, #tpu.memory_space<vmem>>
        %dma_wait3A_176 = tpu.memref_squeeze %dma_wait3A_175 : memref<1x4x128xi32, #tpu.memory_space<vmem>> -> memref<4x128xi32, #tpu.memory_space<vmem>>
        %dma_wait3A_177 = arith.constant 0 : i32
        %dma_wait3A_178 = tpu.memref_slice %dma_wait3A_176[%run_scoped3A_146, %dma_wait3A_177] : memref<4x128xi32, #tpu.memory_space<vmem>> -> memref<1x128xi32, #tpu.memory_space<vmem>>
        %dma_wait3A_179 = tpu.memref_squeeze %dma_wait3A_178 : memref<1x128xi32, #tpu.memory_space<vmem>> -> memref<128xi32, #tpu.memory_space<vmem>>
        %dma_wait3A_180 = arith.constant 0 : i32
        %dma_wait3A_181 = arith.constant 0 : i32
        %dma_wait3A_182 = tpu.memref_slice %arg10[%dma_wait3A_180, %dma_wait3A_181] : memref<102400x16xf32, #tpu.memory_space<vmem_shared>> -> memref<102400x16xf32, #tpu.memory_space<vmem_shared>>
        tpu.wait_indirect_dma semaphore(%run_scoped3A_148 : memref<!tpu.dma_semaphore, #tpu.memory_space<semaphore_mem>>) src(%dma_wait3A_172 : memref<128x16xf32, #tpu.memory_space<vmem>>) dst(%dma_wait3A_182 : memref<102400x16xf32, #tpu.memory_space<vmem_shared>>)
        tpu.yield
      }) : () -> ()
      %scan3A_147 = arith.constant 0 : i32
      scf.yield %scan3A_147 : i32
    }
    %scan3A_111 = arith.constant 202 : i32
    %barrier3A_112 = arith.constant 0 : index
    tpu.barrier barrier_id(%barrier3A_112)
    %scan3A_113 = arith.constant 0 : i32
    %scan3A_114 = arith.constant 0 : i32
    %scan3A_115 = arith.constant 0 : i32
    %scan3A_116 = arith.constant 16 : i32
    %scan3A_117 = arith.addi %scan3A_115, %scan3A_116 : i32
    %scan3A_118 = arith.constant 1 : i32
    %scan3A_119 = scf.for %scan3A_121 = %scan3A_115 to %scan3A_117 step %scan3A_118 iter_args(%scan3A_122 = %scan3A_114) -> (i32)  : i32 {
      %mul3A_123 = arith.constant 6400 : i32
      %mul3A_124 = arith.muli %arg1, %mul3A_123 : i32
      %mul3A_125 = arith.constant 400 : i32
      %mul3A_126 = arith.muli %scan3A_121, %mul3A_125 : i32
      %add3A_127 = arith.addi %mul3A_124, %mul3A_126 : i32
      "tpu.region"() ({
        %run_scoped3A_129 = tpu.sem_alloc : memref<!tpu.dma_semaphore, #tpu.memory_space<semaphore_mem>>
        %dma_start3A_130 = arith.constant 0 : i32
        %dma_start3A_131 = arith.constant 0 : i32
        %dma_start3A_132 = tpu.memref_slice %arg9[%scan3A_113, %dma_start3A_130, %dma_start3A_131] : memref<2x512x16xf32, #tpu.memory_space<vmem>> -> memref<1x512x16xf32, #tpu.memory_space<vmem>>
        %dma_start3A_133 = tpu.memref_squeeze %dma_start3A_132 : memref<1x512x16xf32, #tpu.memory_space<vmem>> -> memref<512x16xf32, #tpu.memory_space<vmem>>
        %dma_start3A_134 = arith.constant 0 : i32
        %dma_start3A_135 = arith.constant 0 : i32
        %dma_start3A_136 = tpu.memref_slice %dma_start3A_133[%dma_start3A_134, %dma_start3A_135] : memref<512x16xf32, #tpu.memory_space<vmem>> -> memref<400x16xf32, #tpu.memory_space<vmem>>
        %dma_start3A_137 = arith.constant 0 : i32
        %dma_start3A_138 = tpu.memref_slice %arg10[%add3A_127, %dma_start3A_137] : memref<102400x16xf32, #tpu.memory_space<vmem_shared>> -> memref<400x16xf32, #tpu.memory_space<vmem_shared>>
        %dma_start3A_139 = arith.constant 0 : i32
        %dma_start3A_140 = arith.constant 0 : i32
        %dma_start3A_141 = tpu.memref_slice %arg9[%scan3A_113, %dma_start3A_139, %dma_start3A_140] : memref<2x512x16xf32, #tpu.memory_space<vmem>> -> memref<1x512x16xf32, #tpu.memory_space<vmem>>
        %dma_start3A_142 = tpu.memref_squeeze %dma_start3A_141 : memref<1x512x16xf32, #tpu.memory_space<vmem>> -> memref<512x16xf32, #tpu.memory_space<vmem>>
        %dma_start3A_143 = arith.constant 0 : i32
        %dma_start3A_144 = arith.constant 0 : i32
        %dma_start3A_145 = tpu.memref_slice %dma_start3A_142[%dma_start3A_143, %dma_start3A_144] : memref<512x16xf32, #tpu.memory_space<vmem>> -> memref<400x16xf32, #tpu.memory_space<vmem>>
        %dma_start3A_146 = arith.constant 0 : i32
        %dma_start3A_147 = tpu.memref_slice %arg10[%add3A_127, %dma_start3A_146] : memref<102400x16xf32, #tpu.memory_space<vmem_shared>> -> memref<400x16xf32, #tpu.memory_space<vmem_shared>>
        tpu.enqueue_dma source(%dma_start3A_147 : memref<400x16xf32, #tpu.memory_space<vmem_shared>>) target(%dma_start3A_145 : memref<400x16xf32, #tpu.memory_space<vmem>>) target_semaphore(%run_scoped3A_129 : memref<!tpu.dma_semaphore, #tpu.memory_space<semaphore_mem>>)
        %dma_wait3A = arith.constant 0 : i32
        %dma_wait3A_148 = arith.constant 0 : i32
        %dma_wait3A_149 = tpu.memref_slice %arg9[%scan3A_113, %dma_wait3A, %dma_wait3A_148] : memref<2x512x16xf32, #tpu.memory_space<vmem>> -> memref<1x512x16xf32, #tpu.memory_space<vmem>>
        %dma_wait3A_150 = tpu.memref_squeeze %dma_wait3A_149 : memref<1x512x16xf32, #tpu.memory_space<vmem>> -> memref<512x16xf32, #tpu.memory_space<vmem>>
        %dma_wait3A_151 = arith.constant 0 : i32
        %dma_wait3A_152 = arith.constant 0 : i32
        %dma_wait3A_153 = tpu.memref_slice %dma_wait3A_150[%dma_wait3A_151, %dma_wait3A_152] : memref<512x16xf32, #tpu.memory_space<vmem>> -> memref<400x16xf32, #tpu.memory_space<vmem>>
        %dma_wait3A_154 = arith.constant 0 : i32
        %dma_wait3A_155 = tpu.memref_slice %arg10[%add3A_127, %dma_wait3A_154] : memref<102400x16xf32, #tpu.memory_space<vmem_shared>> -> memref<400x16xf32, #tpu.memory_space<vmem_shared>>
        %dma_wait3A_156 = arith.constant 0 : i32
        %dma_wait3A_157 = arith.constant 0 : i32
        %dma_wait3A_158 = tpu.memref_slice %arg9[%scan3A_113, %dma_wait3A_156, %dma_wait3A_157] : memref<2x512x16xf32, #tpu.memory_space<vmem>> -> memref<1x512x16xf32, #tpu.memory_space<vmem>>
        %dma_wait3A_159 = tpu.memref_squeeze %dma_wait3A_158 : memref<1x512x16xf32, #tpu.memory_space<vmem>> -> memref<512x16xf32, #tpu.memory_space<vmem>>
        %dma_wait3A_160 = arith.constant 0 : i32
        %dma_wait3A_161 = arith.constant 0 : i32
        %dma_wait3A_162 = tpu.memref_slice %dma_wait3A_159[%dma_wait3A_160, %dma_wait3A_161] : memref<512x16xf32, #tpu.memory_space<vmem>> -> memref<400x16xf32, #tpu.memory_space<vmem>>
        %dma_wait3A_163 = arith.constant 0 : i32
        %dma_wait3A_164 = tpu.memref_slice %arg10[%add3A_127, %dma_wait3A_163] : memref<102400x16xf32, #tpu.memory_space<vmem_shared>> -> memref<400x16xf32, #tpu.memory_space<vmem_shared>>
        tpu.wait_dma2 semaphore(%run_scoped3A_129 : memref<!tpu.dma_semaphore, #tpu.memory_space<semaphore_mem>>) src(%dma_wait3A_164 : memref<400x16xf32, #tpu.memory_space<vmem_shared>>) dst(%dma_wait3A_162 : memref<400x16xf32, #tpu.memory_space<vmem>>)
        tpu.yield
      }) : () -> ()
      "tpu.region"() ({
        %run_scoped3A_129 = tpu.sem_alloc : memref<!tpu.dma_semaphore, #tpu.memory_space<semaphore_mem>>
        %dma_start3A_130 = arith.constant 0 : i32
        %dma_start3A_131 = arith.constant 0 : i32
        %dma_start3A_132 = tpu.memref_slice %arg9[%scan3A_113, %dma_start3A_130, %dma_start3A_131] : memref<2x512x16xf32, #tpu.memory_space<vmem>> -> memref<1x512x16xf32, #tpu.memory_space<vmem>>
        %dma_start3A_133 = tpu.memref_squeeze %dma_start3A_132 : memref<1x512x16xf32, #tpu.memory_space<vmem>> -> memref<512x16xf32, #tpu.memory_space<vmem>>
        %dma_start3A_134 = arith.constant 0 : i32
        %dma_start3A_135 = arith.constant 0 : i32
        %dma_start3A_136 = tpu.memref_slice %dma_start3A_133[%dma_start3A_134, %dma_start3A_135] : memref<512x16xf32, #tpu.memory_space<vmem>> -> memref<400x16xf32, #tpu.memory_space<vmem>>
        %dma_start3A_137 = arith.constant 0 : i32
        %dma_start3A_138 = arith.constant 0 : i32
        %dma_start3A_139 = tpu.memref_slice %arg6[%arg0, %dma_start3A_137, %dma_start3A_138] : memref<2x102400x16xf32, #tpu.memory_space<hbm>> -> memref<1x102400x16xf32, #tpu.memory_space<hbm>>
        %dma_start3A_140 = tpu.memref_squeeze %dma_start3A_139 : memref<1x102400x16xf32, #tpu.memory_space<hbm>> -> memref<102400x16xf32, #tpu.memory_space<hbm>>
        %dma_start3A_141 = arith.constant 0 : i32
        %dma_start3A_142 = tpu.memref_slice %dma_start3A_140[%add3A_127, %dma_start3A_141] : memref<102400x16xf32, #tpu.memory_space<hbm>> -> memref<400x16xf32, #tpu.memory_space<hbm>>
        %dma_start3A_143 = arith.constant 0 : i32
        %dma_start3A_144 = arith.constant 0 : i32
        %dma_start3A_145 = tpu.memref_slice %arg6[%arg0, %dma_start3A_143, %dma_start3A_144] : memref<2x102400x16xf32, #tpu.memory_space<hbm>> -> memref<1x102400x16xf32, #tpu.memory_space<hbm>>
        %dma_start3A_146 = tpu.memref_squeeze %dma_start3A_145 : memref<1x102400x16xf32, #tpu.memory_space<hbm>> -> memref<102400x16xf32, #tpu.memory_space<hbm>>
        %dma_start3A_147 = arith.constant 0 : i32
        %dma_start3A_148 = tpu.memref_slice %dma_start3A_146[%add3A_127, %dma_start3A_147] : memref<102400x16xf32, #tpu.memory_space<hbm>> -> memref<400x16xf32, #tpu.memory_space<hbm>>
        %dma_start3A_149 = arith.constant 0 : i32
        %dma_start3A_150 = arith.constant 0 : i32
        %dma_start3A_151 = tpu.memref_slice %arg9[%scan3A_113, %dma_start3A_149, %dma_start3A_150] : memref<2x512x16xf32, #tpu.memory_space<vmem>> -> memref<1x512x16xf32, #tpu.memory_space<vmem>>
        %dma_start3A_152 = tpu.memref_squeeze %dma_start3A_151 : memref<1x512x16xf32, #tpu.memory_space<vmem>> -> memref<512x16xf32, #tpu.memory_space<vmem>>
        %dma_start3A_153 = arith.constant 0 : i32
        %dma_start3A_154 = arith.constant 0 : i32
        %dma_start3A_155 = tpu.memref_slice %dma_start3A_152[%dma_start3A_153, %dma_start3A_154] : memref<512x16xf32, #tpu.memory_space<vmem>> -> memref<400x16xf32, #tpu.memory_space<vmem>>
        tpu.enqueue_dma source(%dma_start3A_155 : memref<400x16xf32, #tpu.memory_space<vmem>>) target(%dma_start3A_148 : memref<400x16xf32, #tpu.memory_space<hbm>>) target_semaphore(%run_scoped3A_129 : memref<!tpu.dma_semaphore, #tpu.memory_space<semaphore_mem>>)
        %dma_wait3A = arith.constant 0 : i32
        %dma_wait3A_156 = arith.constant 0 : i32
        %dma_wait3A_157 = tpu.memref_slice %arg9[%scan3A_113, %dma_wait3A, %dma_wait3A_156] : memref<2x512x16xf32, #tpu.memory_space<vmem>> -> memref<1x512x16xf32, #tpu.memory_space<vmem>>
        %dma_wait3A_158 = tpu.memref_squeeze %dma_wait3A_157 : memref<1x512x16xf32, #tpu.memory_space<vmem>> -> memref<512x16xf32, #tpu.memory_space<vmem>>
        %dma_wait3A_159 = arith.constant 0 : i32
        %dma_wait3A_160 = arith.constant 0 : i32
        %dma_wait3A_161 = tpu.memref_slice %dma_wait3A_158[%dma_wait3A_159, %dma_wait3A_160] : memref<512x16xf32, #tpu.memory_space<vmem>> -> memref<400x16xf32, #tpu.memory_space<vmem>>
        %dma_wait3A_162 = arith.constant 0 : i32
        %dma_wait3A_163 = arith.constant 0 : i32
        %dma_wait3A_164 = tpu.memref_slice %arg6[%arg0, %dma_wait3A_162, %dma_wait3A_163] : memref<2x102400x16xf32, #tpu.memory_space<hbm>> -> memref<1x102400x16xf32, #tpu.memory_space<hbm>>
        %dma_wait3A_165 = tpu.memref_squeeze %dma_wait3A_164 : memref<1x102400x16xf32, #tpu.memory_space<hbm>> -> memref<102400x16xf32, #tpu.memory_space<hbm>>
        %dma_wait3A_166 = arith.constant 0 : i32
        %dma_wait3A_167 = tpu.memref_slice %dma_wait3A_165[%add3A_127, %dma_wait3A_166] : memref<102400x16xf32, #tpu.memory_space<hbm>> -> memref<400x16xf32, #tpu.memory_space<hbm>>
        %dma_wait3A_168 = arith.constant 0 : i32
        %dma_wait3A_169 = arith.constant 0 : i32
        %dma_wait3A_170 = tpu.memref_slice %arg6[%arg0, %dma_wait3A_168, %dma_wait3A_169] : memref<2x102400x16xf32, #tpu.memory_space<hbm>> -> memref<1x102400x16xf32, #tpu.memory_space<hbm>>
        %dma_wait3A_171 = tpu.memref_squeeze %dma_wait3A_170 : memref<1x102400x16xf32, #tpu.memory_space<hbm>> -> memref<102400x16xf32, #tpu.memory_space<hbm>>
        %dma_wait3A_172 = arith.constant 0 : i32
        %dma_wait3A_173 = tpu.memref_slice %dma_wait3A_171[%add3A_127, %dma_wait3A_172] : memref<102400x16xf32, #tpu.memory_space<hbm>> -> memref<400x16xf32, #tpu.memory_space<hbm>>
        %dma_wait3A_174 = arith.constant 0 : i32
        %dma_wait3A_175 = arith.constant 0 : i32
        %dma_wait3A_176 = tpu.memref_slice %arg9[%scan3A_113, %dma_wait3A_174, %dma_wait3A_175] : memref<2x512x16xf32, #tpu.memory_space<vmem>> -> memref<1x512x16xf32, #tpu.memory_space<vmem>>
        %dma_wait3A_177 = tpu.memref_squeeze %dma_wait3A_176 : memref<1x512x16xf32, #tpu.memory_space<vmem>> -> memref<512x16xf32, #tpu.memory_space<vmem>>
        %dma_wait3A_178 = arith.constant 0 : i32
        %dma_wait3A_179 = arith.constant 0 : i32
        %dma_wait3A_180 = tpu.memref_slice %dma_wait3A_177[%dma_wait3A_178, %dma_wait3A_179] : memref<512x16xf32, #tpu.memory_space<vmem>> -> memref<400x16xf32, #tpu.memory_space<vmem>>
        tpu.wait_dma2 semaphore(%run_scoped3A_129 : memref<!tpu.dma_semaphore, #tpu.memory_space<semaphore_mem>>) src(%dma_wait3A_180 : memref<400x16xf32, #tpu.memory_space<vmem>>) dst(%dma_wait3A_173 : memref<400x16xf32, #tpu.memory_space<hbm>>)
        tpu.yield
      }) : () -> ()
      %scan3A_128 = arith.constant 0 : i32
      scf.yield %scan3A_128 : i32
    }
    %scan3A_120 = arith.constant 16 : i32
    return
  }
}

#map = affine_map<(d0, d1) -> (0, 0)>
#map1 = affine_map<(d0, d1) -> (0, 0, 0)>
module attributes {stable_mosaic.version = 14 : i64} {
  func.func @_agg(%arg0: i32, %arg1: i32, %arg2: memref<25856x128xi32, #tpu.memory_space<hbm>>, %arg3: memref<25856x128xi32, #tpu.memory_space<hbm>>, %arg4: memref<204800x8xf32, #tpu.memory_space<hbm>>, %arg5: memref<400x8xf32, #tpu.memory_space<hbm>>, %arg6: memref<2x102400x8xf32, #tpu.memory_space<hbm>>, %arg7: memref<2x4x128xi32, #tpu.memory_space<vmem>>, %arg8: memref<2x4x128xi32, #tpu.memory_space<vmem>>, %arg9: memref<2x512x8xf32, #tpu.memory_space<vmem>>, %arg10: memref<102400x8xf32, #tpu.memory_space<vmem_shared>>, %arg11: memref<2x!tpu.dma_semaphore, #tpu.memory_space<semaphore_mem>>) attributes {dimension_semantics = [#tpu.dimension_semantics<core_parallel>, #tpu.dimension_semantics<subcore_parallel>], iteration_bounds = array<i64: 2, 16>, scalar_prefetch = 0 : i64, scratch_operands = 5 : i64, tpu.core_type = #tpu.core_type<sc_vector_subcore>, window_params = [{transform_indices = #map}, {transform_indices = #map}, {transform_indices = #map}, {transform_indices = #map}, {transform_indices = #map1}]} {
    %mul3A = arith.constant 16 : i32
    %mul3A_0 = arith.muli %arg0, %mul3A : i32
    %add3A = arith.addi %mul3A_0, %arg1 : i32
    %run_scoped3A = arith.constant 0 : i32
    "tpu.region"() ({
      %run_scoped3A_121 = tpu.sem_alloc : memref<!tpu.dma_semaphore, #tpu.memory_space<semaphore_mem>>
      %dma_start3A_122 = arith.constant 0 : i32
      %dma_start3A_123 = arith.constant 0 : i32
      %dma_start3A_124 = tpu.memref_slice %arg9[%run_scoped3A, %dma_start3A_122, %dma_start3A_123] : memref<2x512x8xf32, #tpu.memory_space<vmem>> -> memref<1x512x8xf32, #tpu.memory_space<vmem>>
      %dma_start3A_125 = tpu.memref_squeeze %dma_start3A_124 : memref<1x512x8xf32, #tpu.memory_space<vmem>> -> memref<512x8xf32, #tpu.memory_space<vmem>>
      %dma_start3A_126 = arith.constant 0 : i32
      %dma_start3A_127 = arith.constant 0 : i32
      %dma_start3A_128 = tpu.memref_slice %dma_start3A_125[%dma_start3A_126, %dma_start3A_127] : memref<512x8xf32, #tpu.memory_space<vmem>> -> memref<400x8xf32, #tpu.memory_space<vmem>>
      %dma_start3A_129 = arith.constant 0 : i32
      %dma_start3A_130 = arith.constant 0 : i32
      %dma_start3A_131 = tpu.memref_slice %arg9[%run_scoped3A, %dma_start3A_129, %dma_start3A_130] : memref<2x512x8xf32, #tpu.memory_space<vmem>> -> memref<1x512x8xf32, #tpu.memory_space<vmem>>
      %dma_start3A_132 = tpu.memref_squeeze %dma_start3A_131 : memref<1x512x8xf32, #tpu.memory_space<vmem>> -> memref<512x8xf32, #tpu.memory_space<vmem>>
      %dma_start3A_133 = arith.constant 0 : i32
      %dma_start3A_134 = arith.constant 0 : i32
      %dma_start3A_135 = tpu.memref_slice %dma_start3A_132[%dma_start3A_133, %dma_start3A_134] : memref<512x8xf32, #tpu.memory_space<vmem>> -> memref<400x8xf32, #tpu.memory_space<vmem>>
      tpu.enqueue_dma source(%arg5 : memref<400x8xf32, #tpu.memory_space<hbm>>) target(%dma_start3A_135 : memref<400x8xf32, #tpu.memory_space<vmem>>) target_semaphore(%run_scoped3A_121 : memref<!tpu.dma_semaphore, #tpu.memory_space<semaphore_mem>>)
      %dma_wait3A = arith.constant 0 : i32
      %dma_wait3A_136 = arith.constant 0 : i32
      %dma_wait3A_137 = tpu.memref_slice %arg9[%run_scoped3A, %dma_wait3A, %dma_wait3A_136] : memref<2x512x8xf32, #tpu.memory_space<vmem>> -> memref<1x512x8xf32, #tpu.memory_space<vmem>>
      %dma_wait3A_138 = tpu.memref_squeeze %dma_wait3A_137 : memref<1x512x8xf32, #tpu.memory_space<vmem>> -> memref<512x8xf32, #tpu.memory_space<vmem>>
      %dma_wait3A_139 = arith.constant 0 : i32
      %dma_wait3A_140 = arith.constant 0 : i32
      %dma_wait3A_141 = tpu.memref_slice %dma_wait3A_138[%dma_wait3A_139, %dma_wait3A_140] : memref<512x8xf32, #tpu.memory_space<vmem>> -> memref<400x8xf32, #tpu.memory_space<vmem>>
      %dma_wait3A_142 = arith.constant 0 : i32
      %dma_wait3A_143 = arith.constant 0 : i32
      %dma_wait3A_144 = tpu.memref_slice %arg9[%run_scoped3A, %dma_wait3A_142, %dma_wait3A_143] : memref<2x512x8xf32, #tpu.memory_space<vmem>> -> memref<1x512x8xf32, #tpu.memory_space<vmem>>
      %dma_wait3A_145 = tpu.memref_squeeze %dma_wait3A_144 : memref<1x512x8xf32, #tpu.memory_space<vmem>> -> memref<512x8xf32, #tpu.memory_space<vmem>>
      %dma_wait3A_146 = arith.constant 0 : i32
      %dma_wait3A_147 = arith.constant 0 : i32
      %dma_wait3A_148 = tpu.memref_slice %dma_wait3A_145[%dma_wait3A_146, %dma_wait3A_147] : memref<512x8xf32, #tpu.memory_space<vmem>> -> memref<400x8xf32, #tpu.memory_space<vmem>>
      tpu.wait_dma2 semaphore(%run_scoped3A_121 : memref<!tpu.dma_semaphore, #tpu.memory_space<semaphore_mem>>) src(%arg5 : memref<400x8xf32, #tpu.memory_space<hbm>>) dst(%dma_wait3A_148 : memref<400x8xf32, #tpu.memory_space<vmem>>)
      tpu.yield
    }) : () -> ()
    %scan3A = arith.constant 0 : i32
    %scan3A_1 = arith.constant 0 : i32
    %scan3A_2 = arith.constant 0 : i32
    %scan3A_3 = arith.constant 16 : i32
    %scan3A_4 = arith.addi %scan3A_2, %scan3A_3 : i32
    %scan3A_5 = arith.constant 1 : i32
    %scan3A_6 = scf.for %scan3A_121 = %scan3A_2 to %scan3A_4 step %scan3A_5 iter_args(%scan3A_122 = %scan3A_1) -> (i32)  : i32 {
      %mul3A_123 = arith.constant 6400 : i32
      %mul3A_124 = arith.muli %arg1, %mul3A_123 : i32
      %mul3A_125 = arith.constant 400 : i32
      %mul3A_126 = arith.muli %scan3A_121, %mul3A_125 : i32
      %add3A_127 = arith.addi %mul3A_124, %mul3A_126 : i32
      "tpu.region"() ({
        %run_scoped3A_129 = tpu.sem_alloc : memref<!tpu.dma_semaphore, #tpu.memory_space<semaphore_mem>>
        %dma_start3A_130 = arith.constant 0 : i32
        %dma_start3A_131 = arith.constant 0 : i32
        %dma_start3A_132 = tpu.memref_slice %arg9[%scan3A, %dma_start3A_130, %dma_start3A_131] : memref<2x512x8xf32, #tpu.memory_space<vmem>> -> memref<1x512x8xf32, #tpu.memory_space<vmem>>
        %dma_start3A_133 = tpu.memref_squeeze %dma_start3A_132 : memref<1x512x8xf32, #tpu.memory_space<vmem>> -> memref<512x8xf32, #tpu.memory_space<vmem>>
        %dma_start3A_134 = arith.constant 0 : i32
        %dma_start3A_135 = arith.constant 0 : i32
        %dma_start3A_136 = tpu.memref_slice %dma_start3A_133[%dma_start3A_134, %dma_start3A_135] : memref<512x8xf32, #tpu.memory_space<vmem>> -> memref<400x8xf32, #tpu.memory_space<vmem>>
        %dma_start3A_137 = arith.constant 0 : i32
        %dma_start3A_138 = tpu.memref_slice %arg10[%add3A_127, %dma_start3A_137] : memref<102400x8xf32, #tpu.memory_space<vmem_shared>> -> memref<400x8xf32, #tpu.memory_space<vmem_shared>>
        %dma_start3A_139 = arith.constant 0 : i32
        %dma_start3A_140 = tpu.memref_slice %arg10[%add3A_127, %dma_start3A_139] : memref<102400x8xf32, #tpu.memory_space<vmem_shared>> -> memref<400x8xf32, #tpu.memory_space<vmem_shared>>
        %dma_start3A_141 = arith.constant 0 : i32
        %dma_start3A_142 = arith.constant 0 : i32
        %dma_start3A_143 = tpu.memref_slice %arg9[%scan3A, %dma_start3A_141, %dma_start3A_142] : memref<2x512x8xf32, #tpu.memory_space<vmem>> -> memref<1x512x8xf32, #tpu.memory_space<vmem>>
        %dma_start3A_144 = tpu.memref_squeeze %dma_start3A_143 : memref<1x512x8xf32, #tpu.memory_space<vmem>> -> memref<512x8xf32, #tpu.memory_space<vmem>>
        %dma_start3A_145 = arith.constant 0 : i32
        %dma_start3A_146 = arith.constant 0 : i32
        %dma_start3A_147 = tpu.memref_slice %dma_start3A_144[%dma_start3A_145, %dma_start3A_146] : memref<512x8xf32, #tpu.memory_space<vmem>> -> memref<400x8xf32, #tpu.memory_space<vmem>>
        tpu.enqueue_dma source(%dma_start3A_147 : memref<400x8xf32, #tpu.memory_space<vmem>>) target(%dma_start3A_140 : memref<400x8xf32, #tpu.memory_space<vmem_shared>>) target_semaphore(%run_scoped3A_129 : memref<!tpu.dma_semaphore, #tpu.memory_space<semaphore_mem>>)
        %dma_wait3A = arith.constant 0 : i32
        %dma_wait3A_148 = arith.constant 0 : i32
        %dma_wait3A_149 = tpu.memref_slice %arg9[%scan3A, %dma_wait3A, %dma_wait3A_148] : memref<2x512x8xf32, #tpu.memory_space<vmem>> -> memref<1x512x8xf32, #tpu.memory_space<vmem>>
        %dma_wait3A_150 = tpu.memref_squeeze %dma_wait3A_149 : memref<1x512x8xf32, #tpu.memory_space<vmem>> -> memref<512x8xf32, #tpu.memory_space<vmem>>
        %dma_wait3A_151 = arith.constant 0 : i32
        %dma_wait3A_152 = arith.constant 0 : i32
        %dma_wait3A_153 = tpu.memref_slice %dma_wait3A_150[%dma_wait3A_151, %dma_wait3A_152] : memref<512x8xf32, #tpu.memory_space<vmem>> -> memref<400x8xf32, #tpu.memory_space<vmem>>
        %dma_wait3A_154 = arith.constant 0 : i32
        %dma_wait3A_155 = tpu.memref_slice %arg10[%add3A_127, %dma_wait3A_154] : memref<102400x8xf32, #tpu.memory_space<vmem_shared>> -> memref<400x8xf32, #tpu.memory_space<vmem_shared>>
        %dma_wait3A_156 = arith.constant 0 : i32
        %dma_wait3A_157 = tpu.memref_slice %arg10[%add3A_127, %dma_wait3A_156] : memref<102400x8xf32, #tpu.memory_space<vmem_shared>> -> memref<400x8xf32, #tpu.memory_space<vmem_shared>>
        %dma_wait3A_158 = arith.constant 0 : i32
        %dma_wait3A_159 = arith.constant 0 : i32
        %dma_wait3A_160 = tpu.memref_slice %arg9[%scan3A, %dma_wait3A_158, %dma_wait3A_159] : memref<2x512x8xf32, #tpu.memory_space<vmem>> -> memref<1x512x8xf32, #tpu.memory_space<vmem>>
        %dma_wait3A_161 = tpu.memref_squeeze %dma_wait3A_160 : memref<1x512x8xf32, #tpu.memory_space<vmem>> -> memref<512x8xf32, #tpu.memory_space<vmem>>
        %dma_wait3A_162 = arith.constant 0 : i32
        %dma_wait3A_163 = arith.constant 0 : i32
        %dma_wait3A_164 = tpu.memref_slice %dma_wait3A_161[%dma_wait3A_162, %dma_wait3A_163] : memref<512x8xf32, #tpu.memory_space<vmem>> -> memref<400x8xf32, #tpu.memory_space<vmem>>
        tpu.wait_dma2 semaphore(%run_scoped3A_129 : memref<!tpu.dma_semaphore, #tpu.memory_space<semaphore_mem>>) src(%dma_wait3A_164 : memref<400x8xf32, #tpu.memory_space<vmem>>) dst(%dma_wait3A_157 : memref<400x8xf32, #tpu.memory_space<vmem_shared>>)
        tpu.yield
      }) : () -> ()
      %scan3A_128 = arith.constant 0 : i32
      scf.yield %scan3A_128 : i32
    }
    %scan3A_7 = arith.constant 16 : i32
    %barrier3A = arith.constant 0 : index
    tpu.barrier barrier_id(%barrier3A)
    %mul3A_8 = arith.constant 808 : i32
    %mul3A_9 = arith.muli %add3A, %mul3A_8 : i32
    %add3A_10 = arith.constant 0 : i32
    %add3A_11 = arith.addi %mul3A_9, %add3A_10 : i32
    %run_scoped3A_12 = arith.constant 0 : i32
    "tpu.region"() ({
      %run_scoped3A_121 = tpu.sem_alloc : memref<!tpu.dma_semaphore, #tpu.memory_space<semaphore_mem>>
      %dma_start3A_122 = arith.constant 0 : i32
      %dma_start3A_123 = arith.constant 0 : i32
      %dma_start3A_124 = tpu.memref_slice %arg7[%run_scoped3A_12, %dma_start3A_122, %dma_start3A_123] : memref<2x4x128xi32, #tpu.memory_space<vmem>> -> memref<1x4x128xi32, #tpu.memory_space<vmem>>
      %dma_start3A_125 = tpu.memref_squeeze %dma_start3A_124 : memref<1x4x128xi32, #tpu.memory_space<vmem>> -> memref<4x128xi32, #tpu.memory_space<vmem>>
      %dma_start3A_126 = arith.constant 0 : i32
      %dma_start3A_127 = tpu.memref_slice %arg2[%add3A_11, %dma_start3A_126] : memref<25856x128xi32, #tpu.memory_space<hbm>> -> memref<4x128xi32, #tpu.memory_space<hbm>>
      %dma_start3A_128 = arith.constant 0 : i32
      %dma_start3A_129 = arith.constant 0 : i32
      %dma_start3A_130 = tpu.memref_slice %arg7[%run_scoped3A_12, %dma_start3A_128, %dma_start3A_129] : memref<2x4x128xi32, #tpu.memory_space<vmem>> -> memref<1x4x128xi32, #tpu.memory_space<vmem>>
      %dma_start3A_131 = tpu.memref_squeeze %dma_start3A_130 : memref<1x4x128xi32, #tpu.memory_space<vmem>> -> memref<4x128xi32, #tpu.memory_space<vmem>>
      %dma_start3A_132 = arith.constant 0 : i32
      %dma_start3A_133 = tpu.memref_slice %arg2[%add3A_11, %dma_start3A_132] : memref<25856x128xi32, #tpu.memory_space<hbm>> -> memref<4x128xi32, #tpu.memory_space<hbm>>
      tpu.enqueue_dma source(%dma_start3A_133 : memref<4x128xi32, #tpu.memory_space<hbm>>) target(%dma_start3A_131 : memref<4x128xi32, #tpu.memory_space<vmem>>) target_semaphore(%run_scoped3A_121 : memref<!tpu.dma_semaphore, #tpu.memory_space<semaphore_mem>>)
      %dma_wait3A = arith.constant 0 : i32
      %dma_wait3A_134 = arith.constant 0 : i32
      %dma_wait3A_135 = tpu.memref_slice %arg7[%run_scoped3A_12, %dma_wait3A, %dma_wait3A_134] : memref<2x4x128xi32, #tpu.memory_space<vmem>> -> memref<1x4x128xi32, #tpu.memory_space<vmem>>
      %dma_wait3A_136 = tpu.memref_squeeze %dma_wait3A_135 : memref<1x4x128xi32, #tpu.memory_space<vmem>> -> memref<4x128xi32, #tpu.memory_space<vmem>>
      %dma_wait3A_137 = arith.constant 0 : i32
      %dma_wait3A_138 = tpu.memref_slice %arg2[%add3A_11, %dma_wait3A_137] : memref<25856x128xi32, #tpu.memory_space<hbm>> -> memref<4x128xi32, #tpu.memory_space<hbm>>
      %dma_wait3A_139 = arith.constant 0 : i32
      %dma_wait3A_140 = arith.constant 0 : i32
      %dma_wait3A_141 = tpu.memref_slice %arg7[%run_scoped3A_12, %dma_wait3A_139, %dma_wait3A_140] : memref<2x4x128xi32, #tpu.memory_space<vmem>> -> memref<1x4x128xi32, #tpu.memory_space<vmem>>
      %dma_wait3A_142 = tpu.memref_squeeze %dma_wait3A_141 : memref<1x4x128xi32, #tpu.memory_space<vmem>> -> memref<4x128xi32, #tpu.memory_space<vmem>>
      %dma_wait3A_143 = arith.constant 0 : i32
      %dma_wait3A_144 = tpu.memref_slice %arg2[%add3A_11, %dma_wait3A_143] : memref<25856x128xi32, #tpu.memory_space<hbm>> -> memref<4x128xi32, #tpu.memory_space<hbm>>
      tpu.wait_dma2 semaphore(%run_scoped3A_121 : memref<!tpu.dma_semaphore, #tpu.memory_space<semaphore_mem>>) src(%dma_wait3A_144 : memref<4x128xi32, #tpu.memory_space<hbm>>) dst(%dma_wait3A_142 : memref<4x128xi32, #tpu.memory_space<vmem>>)
      tpu.yield
    }) : () -> ()
    %run_scoped3A_13 = arith.constant 0 : i32
    "tpu.region"() ({
      %run_scoped3A_121 = tpu.sem_alloc : memref<!tpu.dma_semaphore, #tpu.memory_space<semaphore_mem>>
      %dma_start3A_122 = arith.constant 0 : i32
      %dma_start3A_123 = arith.constant 0 : i32
      %dma_start3A_124 = tpu.memref_slice %arg8[%run_scoped3A_13, %dma_start3A_122, %dma_start3A_123] : memref<2x4x128xi32, #tpu.memory_space<vmem>> -> memref<1x4x128xi32, #tpu.memory_space<vmem>>
      %dma_start3A_125 = tpu.memref_squeeze %dma_start3A_124 : memref<1x4x128xi32, #tpu.memory_space<vmem>> -> memref<4x128xi32, #tpu.memory_space<vmem>>
      %dma_start3A_126 = arith.constant 0 : i32
      %dma_start3A_127 = tpu.memref_slice %arg3[%add3A_11, %dma_start3A_126] : memref<25856x128xi32, #tpu.memory_space<hbm>> -> memref<4x128xi32, #tpu.memory_space<hbm>>
      %dma_start3A_128 = arith.constant 0 : i32
      %dma_start3A_129 = arith.constant 0 : i32
      %dma_start3A_130 = tpu.memref_slice %arg8[%run_scoped3A_13, %dma_start3A_128, %dma_start3A_129] : memref<2x4x128xi32, #tpu.memory_space<vmem>> -> memref<1x4x128xi32, #tpu.memory_space<vmem>>
      %dma_start3A_131 = tpu.memref_squeeze %dma_start3A_130 : memref<1x4x128xi32, #tpu.memory_space<vmem>> -> memref<4x128xi32, #tpu.memory_space<vmem>>
      %dma_start3A_132 = arith.constant 0 : i32
      %dma_start3A_133 = tpu.memref_slice %arg3[%add3A_11, %dma_start3A_132] : memref<25856x128xi32, #tpu.memory_space<hbm>> -> memref<4x128xi32, #tpu.memory_space<hbm>>
      tpu.enqueue_dma source(%dma_start3A_133 : memref<4x128xi32, #tpu.memory_space<hbm>>) target(%dma_start3A_131 : memref<4x128xi32, #tpu.memory_space<vmem>>) target_semaphore(%run_scoped3A_121 : memref<!tpu.dma_semaphore, #tpu.memory_space<semaphore_mem>>)
      %dma_wait3A = arith.constant 0 : i32
      %dma_wait3A_134 = arith.constant 0 : i32
      %dma_wait3A_135 = tpu.memref_slice %arg8[%run_scoped3A_13, %dma_wait3A, %dma_wait3A_134] : memref<2x4x128xi32, #tpu.memory_space<vmem>> -> memref<1x4x128xi32, #tpu.memory_space<vmem>>
      %dma_wait3A_136 = tpu.memref_squeeze %dma_wait3A_135 : memref<1x4x128xi32, #tpu.memory_space<vmem>> -> memref<4x128xi32, #tpu.memory_space<vmem>>
      %dma_wait3A_137 = arith.constant 0 : i32
      %dma_wait3A_138 = tpu.memref_slice %arg3[%add3A_11, %dma_wait3A_137] : memref<25856x128xi32, #tpu.memory_space<hbm>> -> memref<4x128xi32, #tpu.memory_space<hbm>>
      %dma_wait3A_139 = arith.constant 0 : i32
      %dma_wait3A_140 = arith.constant 0 : i32
      %dma_wait3A_141 = tpu.memref_slice %arg8[%run_scoped3A_13, %dma_wait3A_139, %dma_wait3A_140] : memref<2x4x128xi32, #tpu.memory_space<vmem>> -> memref<1x4x128xi32, #tpu.memory_space<vmem>>
      %dma_wait3A_142 = tpu.memref_squeeze %dma_wait3A_141 : memref<1x4x128xi32, #tpu.memory_space<vmem>> -> memref<4x128xi32, #tpu.memory_space<vmem>>
      %dma_wait3A_143 = arith.constant 0 : i32
      %dma_wait3A_144 = tpu.memref_slice %arg3[%add3A_11, %dma_wait3A_143] : memref<25856x128xi32, #tpu.memory_space<hbm>> -> memref<4x128xi32, #tpu.memory_space<hbm>>
      tpu.wait_dma2 semaphore(%run_scoped3A_121 : memref<!tpu.dma_semaphore, #tpu.memory_space<semaphore_mem>>) src(%dma_wait3A_144 : memref<4x128xi32, #tpu.memory_space<hbm>>) dst(%dma_wait3A_142 : memref<4x128xi32, #tpu.memory_space<vmem>>)
      tpu.yield
    }) : () -> ()
    %dma_start3A = arith.constant 0 : i32
    %dma_start3A_14 = arith.constant 0 : i32
    %dma_start3A_15 = arith.constant 0 : i32
    %dma_start3A_16 = arith.constant 0 : i32
    %dma_start3A_17 = arith.constant 0 : i32
    %dma_start3A_18 = arith.constant 0 : i32
    %dma_start3A_19 = tpu.memref_slice %arg9[%dma_start3A_15, %dma_start3A_17, %dma_start3A_18] : memref<2x512x8xf32, #tpu.memory_space<vmem>> -> memref<1x512x8xf32, #tpu.memory_space<vmem>>
    %dma_start3A_20 = tpu.memref_squeeze %dma_start3A_19 : memref<1x512x8xf32, #tpu.memory_space<vmem>> -> memref<512x8xf32, #tpu.memory_space<vmem>>
    %dma_start3A_21 = arith.constant 0 : i32
    %dma_start3A_22 = arith.constant 0 : i32
    %dma_start3A_23 = tpu.memref_slice %dma_start3A_20[%dma_start3A_21, %dma_start3A_22] : memref<512x8xf32, #tpu.memory_space<vmem>> -> memref<128x8xf32, #tpu.memory_space<vmem>>
    %dma_start3A_24 = arith.constant 0 : i32
    %dma_start3A_25 = arith.constant 0 : i32
    %dma_start3A_26 = tpu.memref_slice %arg7[%dma_start3A, %dma_start3A_24, %dma_start3A_25] : memref<2x4x128xi32, #tpu.memory_space<vmem>> -> memref<1x4x128xi32, #tpu.memory_space<vmem>>
    %dma_start3A_27 = tpu.memref_squeeze %dma_start3A_26 : memref<1x4x128xi32, #tpu.memory_space<vmem>> -> memref<4x128xi32, #tpu.memory_space<vmem>>
    %dma_start3A_28 = arith.constant 0 : i32
    %dma_start3A_29 = tpu.memref_slice %dma_start3A_27[%dma_start3A_14, %dma_start3A_28] : memref<4x128xi32, #tpu.memory_space<vmem>> -> memref<1x128xi32, #tpu.memory_space<vmem>>
    %dma_start3A_30 = tpu.memref_squeeze %dma_start3A_29 : memref<1x128xi32, #tpu.memory_space<vmem>> -> memref<128xi32, #tpu.memory_space<vmem>>
    %dma_start3A_31 = arith.constant 0 : i32
    %dma_start3A_32 = arith.constant 0 : i32
    %dma_start3A_33 = tpu.memref_slice %arg4[%dma_start3A_31, %dma_start3A_32] : memref<204800x8xf32, #tpu.memory_space<hbm>> -> memref<204800x8xf32, #tpu.memory_space<hbm>>
    %dma_start3A_34 = tpu.memref_slice %arg11[%dma_start3A_16] : memref<2x!tpu.dma_semaphore, #tpu.memory_space<semaphore_mem>> -> memref<1x!tpu.dma_semaphore, #tpu.memory_space<semaphore_mem>>
    %dma_start3A_35 = tpu.memref_squeeze %dma_start3A_34 : memref<1x!tpu.dma_semaphore, #tpu.memory_space<semaphore_mem>> -> memref<!tpu.dma_semaphore, #tpu.memory_space<semaphore_mem>>
    tpu.enqueue_indirect_dma source(%dma_start3A_33 : memref<204800x8xf32, #tpu.memory_space<hbm>>) target(%dma_start3A_23 : memref<128x8xf32, #tpu.memory_space<vmem>>) offsets(%dma_start3A_30 : memref<128xi32, #tpu.memory_space<vmem>>) semaphore(%dma_start3A_35 : memref<!tpu.dma_semaphore, #tpu.memory_space<semaphore_mem>>)
    %dma_start3A_36 = arith.constant 0 : i32
    %dma_start3A_37 = arith.constant 1 : i32
    %dma_start3A_38 = arith.constant 0 : i32
    %dma_start3A_39 = arith.constant 0 : i32
    %dma_start3A_40 = arith.constant 0 : i32
    %dma_start3A_41 = arith.constant 0 : i32
    %dma_start3A_42 = tpu.memref_slice %arg9[%dma_start3A_38, %dma_start3A_40, %dma_start3A_41] : memref<2x512x8xf32, #tpu.memory_space<vmem>> -> memref<1x512x8xf32, #tpu.memory_space<vmem>>
    %dma_start3A_43 = tpu.memref_squeeze %dma_start3A_42 : memref<1x512x8xf32, #tpu.memory_space<vmem>> -> memref<512x8xf32, #tpu.memory_space<vmem>>
    %dma_start3A_44 = arith.constant 128 : i32
    %dma_start3A_45 = arith.constant 0 : i32
    %dma_start3A_46 = tpu.memref_slice %dma_start3A_43[%dma_start3A_44, %dma_start3A_45] : memref<512x8xf32, #tpu.memory_space<vmem>> -> memref<128x8xf32, #tpu.memory_space<vmem>>
    %dma_start3A_47 = arith.constant 0 : i32
    %dma_start3A_48 = arith.constant 0 : i32
    %dma_start3A_49 = tpu.memref_slice %arg7[%dma_start3A_36, %dma_start3A_47, %dma_start3A_48] : memref<2x4x128xi32, #tpu.memory_space<vmem>> -> memref<1x4x128xi32, #tpu.memory_space<vmem>>
    %dma_start3A_50 = tpu.memref_squeeze %dma_start3A_49 : memref<1x4x128xi32, #tpu.memory_space<vmem>> -> memref<4x128xi32, #tpu.memory_space<vmem>>
    %dma_start3A_51 = arith.constant 0 : i32
    %dma_start3A_52 = tpu.memref_slice %dma_start3A_50[%dma_start3A_37, %dma_start3A_51] : memref<4x128xi32, #tpu.memory_space<vmem>> -> memref<1x128xi32, #tpu.memory_space<vmem>>
    %dma_start3A_53 = tpu.memref_squeeze %dma_start3A_52 : memref<1x128xi32, #tpu.memory_space<vmem>> -> memref<128xi32, #tpu.memory_space<vmem>>
    %dma_start3A_54 = arith.constant 0 : i32
    %dma_start3A_55 = arith.constant 0 : i32
    %dma_start3A_56 = tpu.memref_slice %arg4[%dma_start3A_54, %dma_start3A_55] : memref<204800x8xf32, #tpu.memory_space<hbm>> -> memref<204800x8xf32, #tpu.memory_space<hbm>>
    %dma_start3A_57 = tpu.memref_slice %arg11[%dma_start3A_39] : memref<2x!tpu.dma_semaphore, #tpu.memory_space<semaphore_mem>> -> memref<1x!tpu.dma_semaphore, #tpu.memory_space<semaphore_mem>>
    %dma_start3A_58 = tpu.memref_squeeze %dma_start3A_57 : memref<1x!tpu.dma_semaphore, #tpu.memory_space<semaphore_mem>> -> memref<!tpu.dma_semaphore, #tpu.memory_space<semaphore_mem>>
    tpu.enqueue_indirect_dma source(%dma_start3A_56 : memref<204800x8xf32, #tpu.memory_space<hbm>>) target(%dma_start3A_46 : memref<128x8xf32, #tpu.memory_space<vmem>>) offsets(%dma_start3A_53 : memref<128xi32, #tpu.memory_space<vmem>>) semaphore(%dma_start3A_58 : memref<!tpu.dma_semaphore, #tpu.memory_space<semaphore_mem>>)
    %dma_start3A_59 = arith.constant 0 : i32
    %dma_start3A_60 = arith.constant 2 : i32
    %dma_start3A_61 = arith.constant 0 : i32
    %dma_start3A_62 = arith.constant 0 : i32
    %dma_start3A_63 = arith.constant 0 : i32
    %dma_start3A_64 = arith.constant 0 : i32
    %dma_start3A_65 = tpu.memref_slice %arg9[%dma_start3A_61, %dma_start3A_63, %dma_start3A_64] : memref<2x512x8xf32, #tpu.memory_space<vmem>> -> memref<1x512x8xf32, #tpu.memory_space<vmem>>
    %dma_start3A_66 = tpu.memref_squeeze %dma_start3A_65 : memref<1x512x8xf32, #tpu.memory_space<vmem>> -> memref<512x8xf32, #tpu.memory_space<vmem>>
    %dma_start3A_67 = arith.constant 256 : i32
    %dma_start3A_68 = arith.constant 0 : i32
    %dma_start3A_69 = tpu.memref_slice %dma_start3A_66[%dma_start3A_67, %dma_start3A_68] : memref<512x8xf32, #tpu.memory_space<vmem>> -> memref<128x8xf32, #tpu.memory_space<vmem>>
    %dma_start3A_70 = arith.constant 0 : i32
    %dma_start3A_71 = arith.constant 0 : i32
    %dma_start3A_72 = tpu.memref_slice %arg7[%dma_start3A_59, %dma_start3A_70, %dma_start3A_71] : memref<2x4x128xi32, #tpu.memory_space<vmem>> -> memref<1x4x128xi32, #tpu.memory_space<vmem>>
    %dma_start3A_73 = tpu.memref_squeeze %dma_start3A_72 : memref<1x4x128xi32, #tpu.memory_space<vmem>> -> memref<4x128xi32, #tpu.memory_space<vmem>>
    %dma_start3A_74 = arith.constant 0 : i32
    %dma_start3A_75 = tpu.memref_slice %dma_start3A_73[%dma_start3A_60, %dma_start3A_74] : memref<4x128xi32, #tpu.memory_space<vmem>> -> memref<1x128xi32, #tpu.memory_space<vmem>>
    %dma_start3A_76 = tpu.memref_squeeze %dma_start3A_75 : memref<1x128xi32, #tpu.memory_space<vmem>> -> memref<128xi32, #tpu.memory_space<vmem>>
    %dma_start3A_77 = arith.constant 0 : i32
    %dma_start3A_78 = arith.constant 0 : i32
    %dma_start3A_79 = tpu.memref_slice %arg4[%dma_start3A_77, %dma_start3A_78] : memref<204800x8xf32, #tpu.memory_space<hbm>> -> memref<204800x8xf32, #tpu.memory_space<hbm>>
    %dma_start3A_80 = tpu.memref_slice %arg11[%dma_start3A_62] : memref<2x!tpu.dma_semaphore, #tpu.memory_space<semaphore_mem>> -> memref<1x!tpu.dma_semaphore, #tpu.memory_space<semaphore_mem>>
    %dma_start3A_81 = tpu.memref_squeeze %dma_start3A_80 : memref<1x!tpu.dma_semaphore, #tpu.memory_space<semaphore_mem>> -> memref<!tpu.dma_semaphore, #tpu.memory_space<semaphore_mem>>
    tpu.enqueue_indirect_dma source(%dma_start3A_79 : memref<204800x8xf32, #tpu.memory_space<hbm>>) target(%dma_start3A_69 : memref<128x8xf32, #tpu.memory_space<vmem>>) offsets(%dma_start3A_76 : memref<128xi32, #tpu.memory_space<vmem>>) semaphore(%dma_start3A_81 : memref<!tpu.dma_semaphore, #tpu.memory_space<semaphore_mem>>)
    %dma_start3A_82 = arith.constant 0 : i32
    %dma_start3A_83 = arith.constant 3 : i32
    %dma_start3A_84 = arith.constant 0 : i32
    %dma_start3A_85 = arith.constant 0 : i32
    %dma_start3A_86 = arith.constant 0 : i32
    %dma_start3A_87 = arith.constant 0 : i32
    %dma_start3A_88 = tpu.memref_slice %arg9[%dma_start3A_84, %dma_start3A_86, %dma_start3A_87] : memref<2x512x8xf32, #tpu.memory_space<vmem>> -> memref<1x512x8xf32, #tpu.memory_space<vmem>>
    %dma_start3A_89 = tpu.memref_squeeze %dma_start3A_88 : memref<1x512x8xf32, #tpu.memory_space<vmem>> -> memref<512x8xf32, #tpu.memory_space<vmem>>
    %dma_start3A_90 = arith.constant 384 : i32
    %dma_start3A_91 = arith.constant 0 : i32
    %dma_start3A_92 = tpu.memref_slice %dma_start3A_89[%dma_start3A_90, %dma_start3A_91] : memref<512x8xf32, #tpu.memory_space<vmem>> -> memref<128x8xf32, #tpu.memory_space<vmem>>
    %dma_start3A_93 = arith.constant 0 : i32
    %dma_start3A_94 = arith.constant 0 : i32
    %dma_start3A_95 = tpu.memref_slice %arg7[%dma_start3A_82, %dma_start3A_93, %dma_start3A_94] : memref<2x4x128xi32, #tpu.memory_space<vmem>> -> memref<1x4x128xi32, #tpu.memory_space<vmem>>
    %dma_start3A_96 = tpu.memref_squeeze %dma_start3A_95 : memref<1x4x128xi32, #tpu.memory_space<vmem>> -> memref<4x128xi32, #tpu.memory_space<vmem>>
    %dma_start3A_97 = arith.constant 0 : i32
    %dma_start3A_98 = tpu.memref_slice %dma_start3A_96[%dma_start3A_83, %dma_start3A_97] : memref<4x128xi32, #tpu.memory_space<vmem>> -> memref<1x128xi32, #tpu.memory_space<vmem>>
    %dma_start3A_99 = tpu.memref_squeeze %dma_start3A_98 : memref<1x128xi32, #tpu.memory_space<vmem>> -> memref<128xi32, #tpu.memory_space<vmem>>
    %dma_start3A_100 = arith.constant 0 : i32
    %dma_start3A_101 = arith.constant 0 : i32
    %dma_start3A_102 = tpu.memref_slice %arg4[%dma_start3A_100, %dma_start3A_101] : memref<204800x8xf32, #tpu.memory_space<hbm>> -> memref<204800x8xf32, #tpu.memory_space<hbm>>
    %dma_start3A_103 = tpu.memref_slice %arg11[%dma_start3A_85] : memref<2x!tpu.dma_semaphore, #tpu.memory_space<semaphore_mem>> -> memref<1x!tpu.dma_semaphore, #tpu.memory_space<semaphore_mem>>
    %dma_start3A_104 = tpu.memref_squeeze %dma_start3A_103 : memref<1x!tpu.dma_semaphore, #tpu.memory_space<semaphore_mem>> -> memref<!tpu.dma_semaphore, #tpu.memory_space<semaphore_mem>>
    tpu.enqueue_indirect_dma source(%dma_start3A_102 : memref<204800x8xf32, #tpu.memory_space<hbm>>) target(%dma_start3A_92 : memref<128x8xf32, #tpu.memory_space<vmem>>) offsets(%dma_start3A_99 : memref<128xi32, #tpu.memory_space<vmem>>) semaphore(%dma_start3A_104 : memref<!tpu.dma_semaphore, #tpu.memory_space<semaphore_mem>>)
    %scan3A_105 = arith.constant 0 : i32
    %scan3A_106 = arith.constant 0 : i32
    %scan3A_107 = arith.constant 202 : i32
    %scan3A_108 = arith.addi %scan3A_106, %scan3A_107 : i32
    %scan3A_109 = arith.constant 1 : i32
    %scan3A_110 = scf.for %scan3A_121 = %scan3A_106 to %scan3A_108 step %scan3A_109 iter_args(%scan3A_122 = %scan3A_105) -> (i32)  : i32 {
      %rem3A = arith.constant 2 : i32
      %rem3A_123 = arith.remsi %scan3A_121, %rem3A : i32
      %add3A_124 = arith.constant 1 : i32
      %add3A_125 = arith.addi %scan3A_121, %add3A_124 : i32
      %lt3A = arith.constant 202 : i32
      %lt3A_126 = arith.cmpi slt, %add3A_125, %lt3A : i32
      %convert_element_type3A = arith.extui %lt3A_126 : i1 to i32
      %cond3A = arith.constant 0 : i32
      %cond3A_127 = arith.cmpi ne, %convert_element_type3A, %cond3A : i32
      scf.if %cond3A_127 {
        %add3A_148 = arith.constant 1 : i32
        %add3A_149 = arith.addi %scan3A_121, %add3A_148 : i32
        %sub3A = arith.constant 1 : i32
        %sub3A_150 = arith.subi %sub3A, %rem3A_123 : i32
        %mul3A_151 = arith.constant 808 : i32
        %mul3A_152 = arith.muli %add3A, %mul3A_151 : i32
        %mul3A_153 = arith.constant 4 : i32
        %mul3A_154 = arith.muli %add3A_149, %mul3A_153 : i32
        %add3A_155 = arith.addi %mul3A_152, %mul3A_154 : i32
        "tpu.region"() ({
          %run_scoped3A_236 = tpu.sem_alloc : memref<!tpu.dma_semaphore, #tpu.memory_space<semaphore_mem>>
          %dma_start3A_237 = arith.constant 0 : i32
          %dma_start3A_238 = arith.constant 0 : i32
          %dma_start3A_239 = tpu.memref_slice %arg7[%sub3A_150, %dma_start3A_237, %dma_start3A_238] : memref<2x4x128xi32, #tpu.memory_space<vmem>> -> memref<1x4x128xi32, #tpu.memory_space<vmem>>
          %dma_start3A_240 = tpu.memref_squeeze %dma_start3A_239 : memref<1x4x128xi32, #tpu.memory_space<vmem>> -> memref<4x128xi32, #tpu.memory_space<vmem>>
          %dma_start3A_241 = arith.constant 0 : i32
          %dma_start3A_242 = tpu.memref_slice %arg2[%add3A_155, %dma_start3A_241] : memref<25856x128xi32, #tpu.memory_space<hbm>> -> memref<4x128xi32, #tpu.memory_space<hbm>>
          %dma_start3A_243 = arith.constant 0 : i32
          %dma_start3A_244 = arith.constant 0 : i32
          %dma_start3A_245 = tpu.memref_slice %arg7[%sub3A_150, %dma_start3A_243, %dma_start3A_244] : memref<2x4x128xi32, #tpu.memory_space<vmem>> -> memref<1x4x128xi32, #tpu.memory_space<vmem>>
          %dma_start3A_246 = tpu.memref_squeeze %dma_start3A_245 : memref<1x4x128xi32, #tpu.memory_space<vmem>> -> memref<4x128xi32, #tpu.memory_space<vmem>>
          %dma_start3A_247 = arith.constant 0 : i32
          %dma_start3A_248 = tpu.memref_slice %arg2[%add3A_155, %dma_start3A_247] : memref<25856x128xi32, #tpu.memory_space<hbm>> -> memref<4x128xi32, #tpu.memory_space<hbm>>
          tpu.enqueue_dma source(%dma_start3A_248 : memref<4x128xi32, #tpu.memory_space<hbm>>) target(%dma_start3A_246 : memref<4x128xi32, #tpu.memory_space<vmem>>) target_semaphore(%run_scoped3A_236 : memref<!tpu.dma_semaphore, #tpu.memory_space<semaphore_mem>>)
          %dma_wait3A_249 = arith.constant 0 : i32
          %dma_wait3A_250 = arith.constant 0 : i32
          %dma_wait3A_251 = tpu.memref_slice %arg7[%sub3A_150, %dma_wait3A_249, %dma_wait3A_250] : memref<2x4x128xi32, #tpu.memory_space<vmem>> -> memref<1x4x128xi32, #tpu.memory_space<vmem>>
          %dma_wait3A_252 = tpu.memref_squeeze %dma_wait3A_251 : memref<1x4x128xi32, #tpu.memory_space<vmem>> -> memref<4x128xi32, #tpu.memory_space<vmem>>
          %dma_wait3A_253 = arith.constant 0 : i32
          %dma_wait3A_254 = tpu.memref_slice %arg2[%add3A_155, %dma_wait3A_253] : memref<25856x128xi32, #tpu.memory_space<hbm>> -> memref<4x128xi32, #tpu.memory_space<hbm>>
          %dma_wait3A_255 = arith.constant 0 : i32
          %dma_wait3A_256 = arith.constant 0 : i32
          %dma_wait3A_257 = tpu.memref_slice %arg7[%sub3A_150, %dma_wait3A_255, %dma_wait3A_256] : memref<2x4x128xi32, #tpu.memory_space<vmem>> -> memref<1x4x128xi32, #tpu.memory_space<vmem>>
          %dma_wait3A_258 = tpu.memref_squeeze %dma_wait3A_257 : memref<1x4x128xi32, #tpu.memory_space<vmem>> -> memref<4x128xi32, #tpu.memory_space<vmem>>
          %dma_wait3A_259 = arith.constant 0 : i32
          %dma_wait3A_260 = tpu.memref_slice %arg2[%add3A_155, %dma_wait3A_259] : memref<25856x128xi32, #tpu.memory_space<hbm>> -> memref<4x128xi32, #tpu.memory_space<hbm>>
          tpu.wait_dma2 semaphore(%run_scoped3A_236 : memref<!tpu.dma_semaphore, #tpu.memory_space<semaphore_mem>>) src(%dma_wait3A_260 : memref<4x128xi32, #tpu.memory_space<hbm>>) dst(%dma_wait3A_258 : memref<4x128xi32, #tpu.memory_space<vmem>>)
          tpu.yield
        }) : () -> ()
        "tpu.region"() ({
          %run_scoped3A_236 = tpu.sem_alloc : memref<!tpu.dma_semaphore, #tpu.memory_space<semaphore_mem>>
          %dma_start3A_237 = arith.constant 0 : i32
          %dma_start3A_238 = arith.constant 0 : i32
          %dma_start3A_239 = tpu.memref_slice %arg8[%sub3A_150, %dma_start3A_237, %dma_start3A_238] : memref<2x4x128xi32, #tpu.memory_space<vmem>> -> memref<1x4x128xi32, #tpu.memory_space<vmem>>
          %dma_start3A_240 = tpu.memref_squeeze %dma_start3A_239 : memref<1x4x128xi32, #tpu.memory_space<vmem>> -> memref<4x128xi32, #tpu.memory_space<vmem>>
          %dma_start3A_241 = arith.constant 0 : i32
          %dma_start3A_242 = tpu.memref_slice %arg3[%add3A_155, %dma_start3A_241] : memref<25856x128xi32, #tpu.memory_space<hbm>> -> memref<4x128xi32, #tpu.memory_space<hbm>>
          %dma_start3A_243 = arith.constant 0 : i32
          %dma_start3A_244 = arith.constant 0 : i32
          %dma_start3A_245 = tpu.memref_slice %arg8[%sub3A_150, %dma_start3A_243, %dma_start3A_244] : memref<2x4x128xi32, #tpu.memory_space<vmem>> -> memref<1x4x128xi32, #tpu.memory_space<vmem>>
          %dma_start3A_246 = tpu.memref_squeeze %dma_start3A_245 : memref<1x4x128xi32, #tpu.memory_space<vmem>> -> memref<4x128xi32, #tpu.memory_space<vmem>>
          %dma_start3A_247 = arith.constant 0 : i32
          %dma_start3A_248 = tpu.memref_slice %arg3[%add3A_155, %dma_start3A_247] : memref<25856x128xi32, #tpu.memory_space<hbm>> -> memref<4x128xi32, #tpu.memory_space<hbm>>
          tpu.enqueue_dma source(%dma_start3A_248 : memref<4x128xi32, #tpu.memory_space<hbm>>) target(%dma_start3A_246 : memref<4x128xi32, #tpu.memory_space<vmem>>) target_semaphore(%run_scoped3A_236 : memref<!tpu.dma_semaphore, #tpu.memory_space<semaphore_mem>>)
          %dma_wait3A_249 = arith.constant 0 : i32
          %dma_wait3A_250 = arith.constant 0 : i32
          %dma_wait3A_251 = tpu.memref_slice %arg8[%sub3A_150, %dma_wait3A_249, %dma_wait3A_250] : memref<2x4x128xi32, #tpu.memory_space<vmem>> -> memref<1x4x128xi32, #tpu.memory_space<vmem>>
          %dma_wait3A_252 = tpu.memref_squeeze %dma_wait3A_251 : memref<1x4x128xi32, #tpu.memory_space<vmem>> -> memref<4x128xi32, #tpu.memory_space<vmem>>
          %dma_wait3A_253 = arith.constant 0 : i32
          %dma_wait3A_254 = tpu.memref_slice %arg3[%add3A_155, %dma_wait3A_253] : memref<25856x128xi32, #tpu.memory_space<hbm>> -> memref<4x128xi32, #tpu.memory_space<hbm>>
          %dma_wait3A_255 = arith.constant 0 : i32
          %dma_wait3A_256 = arith.constant 0 : i32
          %dma_wait3A_257 = tpu.memref_slice %arg8[%sub3A_150, %dma_wait3A_255, %dma_wait3A_256] : memref<2x4x128xi32, #tpu.memory_space<vmem>> -> memref<1x4x128xi32, #tpu.memory_space<vmem>>
          %dma_wait3A_258 = tpu.memref_squeeze %dma_wait3A_257 : memref<1x4x128xi32, #tpu.memory_space<vmem>> -> memref<4x128xi32, #tpu.memory_space<vmem>>
          %dma_wait3A_259 = arith.constant 0 : i32
          %dma_wait3A_260 = tpu.memref_slice %arg3[%add3A_155, %dma_wait3A_259] : memref<25856x128xi32, #tpu.memory_space<hbm>> -> memref<4x128xi32, #tpu.memory_space<hbm>>
          tpu.wait_dma2 semaphore(%run_scoped3A_236 : memref<!tpu.dma_semaphore, #tpu.memory_space<semaphore_mem>>) src(%dma_wait3A_260 : memref<4x128xi32, #tpu.memory_space<hbm>>) dst(%dma_wait3A_258 : memref<4x128xi32, #tpu.memory_space<vmem>>)
          tpu.yield
        }) : () -> ()
        %dma_start3A_156 = arith.constant 0 : i32
        %dma_start3A_157 = arith.constant 0 : i32
        %dma_start3A_158 = arith.constant 0 : i32
        %dma_start3A_159 = tpu.memref_slice %arg9[%sub3A_150, %dma_start3A_157, %dma_start3A_158] : memref<2x512x8xf32, #tpu.memory_space<vmem>> -> memref<1x512x8xf32, #tpu.memory_space<vmem>>
        %dma_start3A_160 = tpu.memref_squeeze %dma_start3A_159 : memref<1x512x8xf32, #tpu.memory_space<vmem>> -> memref<512x8xf32, #tpu.memory_space<vmem>>
        %dma_start3A_161 = arith.constant 0 : i32
        %dma_start3A_162 = arith.constant 0 : i32
        %dma_start3A_163 = tpu.memref_slice %dma_start3A_160[%dma_start3A_161, %dma_start3A_162] : memref<512x8xf32, #tpu.memory_space<vmem>> -> memref<128x8xf32, #tpu.memory_space<vmem>>
        %dma_start3A_164 = arith.constant 0 : i32
        %dma_start3A_165 = arith.constant 0 : i32
        %dma_start3A_166 = tpu.memref_slice %arg7[%sub3A_150, %dma_start3A_164, %dma_start3A_165] : memref<2x4x128xi32, #tpu.memory_space<vmem>> -> memref<1x4x128xi32, #tpu.memory_space<vmem>>
        %dma_start3A_167 = tpu.memref_squeeze %dma_start3A_166 : memref<1x4x128xi32, #tpu.memory_space<vmem>> -> memref<4x128xi32, #tpu.memory_space<vmem>>
        %dma_start3A_168 = arith.constant 0 : i32
        %dma_start3A_169 = tpu.memref_slice %dma_start3A_167[%dma_start3A_156, %dma_start3A_168] : memref<4x128xi32, #tpu.memory_space<vmem>> -> memref<1x128xi32, #tpu.memory_space<vmem>>
        %dma_start3A_170 = tpu.memref_squeeze %dma_start3A_169 : memref<1x128xi32, #tpu.memory_space<vmem>> -> memref<128xi32, #tpu.memory_space<vmem>>
        %dma_start3A_171 = arith.constant 0 : i32
        %dma_start3A_172 = arith.constant 0 : i32
        %dma_start3A_173 = tpu.memref_slice %arg4[%dma_start3A_171, %dma_start3A_172] : memref<204800x8xf32, #tpu.memory_space<hbm>> -> memref<204800x8xf32, #tpu.memory_space<hbm>>
        %dma_start3A_174 = tpu.memref_slice %arg11[%sub3A_150] : memref<2x!tpu.dma_semaphore, #tpu.memory_space<semaphore_mem>> -> memref<1x!tpu.dma_semaphore, #tpu.memory_space<semaphore_mem>>
        %dma_start3A_175 = tpu.memref_squeeze %dma_start3A_174 : memref<1x!tpu.dma_semaphore, #tpu.memory_space<semaphore_mem>> -> memref<!tpu.dma_semaphore, #tpu.memory_space<semaphore_mem>>
        tpu.enqueue_indirect_dma source(%dma_start3A_173 : memref<204800x8xf32, #tpu.memory_space<hbm>>) target(%dma_start3A_163 : memref<128x8xf32, #tpu.memory_space<vmem>>) offsets(%dma_start3A_170 : memref<128xi32, #tpu.memory_space<vmem>>) semaphore(%dma_start3A_175 : memref<!tpu.dma_semaphore, #tpu.memory_space<semaphore_mem>>)
        %dma_start3A_176 = arith.constant 1 : i32
        %dma_start3A_177 = arith.constant 0 : i32
        %dma_start3A_178 = arith.constant 0 : i32
        %dma_start3A_179 = tpu.memref_slice %arg9[%sub3A_150, %dma_start3A_177, %dma_start3A_178] : memref<2x512x8xf32, #tpu.memory_space<vmem>> -> memref<1x512x8xf32, #tpu.memory_space<vmem>>
        %dma_start3A_180 = tpu.memref_squeeze %dma_start3A_179 : memref<1x512x8xf32, #tpu.memory_space<vmem>> -> memref<512x8xf32, #tpu.memory_space<vmem>>
        %dma_start3A_181 = arith.constant 128 : i32
        %dma_start3A_182 = arith.constant 0 : i32
        %dma_start3A_183 = tpu.memref_slice %dma_start3A_180[%dma_start3A_181, %dma_start3A_182] : memref<512x8xf32, #tpu.memory_space<vmem>> -> memref<128x8xf32, #tpu.memory_space<vmem>>
        %dma_start3A_184 = arith.constant 0 : i32
        %dma_start3A_185 = arith.constant 0 : i32
        %dma_start3A_186 = tpu.memref_slice %arg7[%sub3A_150, %dma_start3A_184, %dma_start3A_185] : memref<2x4x128xi32, #tpu.memory_space<vmem>> -> memref<1x4x128xi32, #tpu.memory_space<vmem>>
        %dma_start3A_187 = tpu.memref_squeeze %dma_start3A_186 : memref<1x4x128xi32, #tpu.memory_space<vmem>> -> memref<4x128xi32, #tpu.memory_space<vmem>>
        %dma_start3A_188 = arith.constant 0 : i32
        %dma_start3A_189 = tpu.memref_slice %dma_start3A_187[%dma_start3A_176, %dma_start3A_188] : memref<4x128xi32, #tpu.memory_space<vmem>> -> memref<1x128xi32, #tpu.memory_space<vmem>>
        %dma_start3A_190 = tpu.memref_squeeze %dma_start3A_189 : memref<1x128xi32, #tpu.memory_space<vmem>> -> memref<128xi32, #tpu.memory_space<vmem>>
        %dma_start3A_191 = arith.constant 0 : i32
        %dma_start3A_192 = arith.constant 0 : i32
        %dma_start3A_193 = tpu.memref_slice %arg4[%dma_start3A_191, %dma_start3A_192] : memref<204800x8xf32, #tpu.memory_space<hbm>> -> memref<204800x8xf32, #tpu.memory_space<hbm>>
        %dma_start3A_194 = tpu.memref_slice %arg11[%sub3A_150] : memref<2x!tpu.dma_semaphore, #tpu.memory_space<semaphore_mem>> -> memref<1x!tpu.dma_semaphore, #tpu.memory_space<semaphore_mem>>
        %dma_start3A_195 = tpu.memref_squeeze %dma_start3A_194 : memref<1x!tpu.dma_semaphore, #tpu.memory_space<semaphore_mem>> -> memref<!tpu.dma_semaphore, #tpu.memory_space<semaphore_mem>>
        tpu.enqueue_indirect_dma source(%dma_start3A_193 : memref<204800x8xf32, #tpu.memory_space<hbm>>) target(%dma_start3A_183 : memref<128x8xf32, #tpu.memory_space<vmem>>) offsets(%dma_start3A_190 : memref<128xi32, #tpu.memory_space<vmem>>) semaphore(%dma_start3A_195 : memref<!tpu.dma_semaphore, #tpu.memory_space<semaphore_mem>>)
        %dma_start3A_196 = arith.constant 2 : i32
        %dma_start3A_197 = arith.constant 0 : i32
        %dma_start3A_198 = arith.constant 0 : i32
        %dma_start3A_199 = tpu.memref_slice %arg9[%sub3A_150, %dma_start3A_197, %dma_start3A_198] : memref<2x512x8xf32, #tpu.memory_space<vmem>> -> memref<1x512x8xf32, #tpu.memory_space<vmem>>
        %dma_start3A_200 = tpu.memref_squeeze %dma_start3A_199 : memref<1x512x8xf32, #tpu.memory_space<vmem>> -> memref<512x8xf32, #tpu.memory_space<vmem>>
        %dma_start3A_201 = arith.constant 256 : i32
        %dma_start3A_202 = arith.constant 0 : i32
        %dma_start3A_203 = tpu.memref_slice %dma_start3A_200[%dma_start3A_201, %dma_start3A_202] : memref<512x8xf32, #tpu.memory_space<vmem>> -> memref<128x8xf32, #tpu.memory_space<vmem>>
        %dma_start3A_204 = arith.constant 0 : i32
        %dma_start3A_205 = arith.constant 0 : i32
        %dma_start3A_206 = tpu.memref_slice %arg7[%sub3A_150, %dma_start3A_204, %dma_start3A_205] : memref<2x4x128xi32, #tpu.memory_space<vmem>> -> memref<1x4x128xi32, #tpu.memory_space<vmem>>
        %dma_start3A_207 = tpu.memref_squeeze %dma_start3A_206 : memref<1x4x128xi32, #tpu.memory_space<vmem>> -> memref<4x128xi32, #tpu.memory_space<vmem>>
        %dma_start3A_208 = arith.constant 0 : i32
        %dma_start3A_209 = tpu.memref_slice %dma_start3A_207[%dma_start3A_196, %dma_start3A_208] : memref<4x128xi32, #tpu.memory_space<vmem>> -> memref<1x128xi32, #tpu.memory_space<vmem>>
        %dma_start3A_210 = tpu.memref_squeeze %dma_start3A_209 : memref<1x128xi32, #tpu.memory_space<vmem>> -> memref<128xi32, #tpu.memory_space<vmem>>
        %dma_start3A_211 = arith.constant 0 : i32
        %dma_start3A_212 = arith.constant 0 : i32
        %dma_start3A_213 = tpu.memref_slice %arg4[%dma_start3A_211, %dma_start3A_212] : memref<204800x8xf32, #tpu.memory_space<hbm>> -> memref<204800x8xf32, #tpu.memory_space<hbm>>
        %dma_start3A_214 = tpu.memref_slice %arg11[%sub3A_150] : memref<2x!tpu.dma_semaphore, #tpu.memory_space<semaphore_mem>> -> memref<1x!tpu.dma_semaphore, #tpu.memory_space<semaphore_mem>>
        %dma_start3A_215 = tpu.memref_squeeze %dma_start3A_214 : memref<1x!tpu.dma_semaphore, #tpu.memory_space<semaphore_mem>> -> memref<!tpu.dma_semaphore, #tpu.memory_space<semaphore_mem>>
        tpu.enqueue_indirect_dma source(%dma_start3A_213 : memref<204800x8xf32, #tpu.memory_space<hbm>>) target(%dma_start3A_203 : memref<128x8xf32, #tpu.memory_space<vmem>>) offsets(%dma_start3A_210 : memref<128xi32, #tpu.memory_space<vmem>>) semaphore(%dma_start3A_215 : memref<!tpu.dma_semaphore, #tpu.memory_space<semaphore_mem>>)
        %dma_start3A_216 = arith.constant 3 : i32
        %dma_start3A_217 = arith.constant 0 : i32
        %dma_start3A_218 = arith.constant 0 : i32
        %dma_start3A_219 = tpu.memref_slice %arg9[%sub3A_150, %dma_start3A_217, %dma_start3A_218] : memref<2x512x8xf32, #tpu.memory_space<vmem>> -> memref<1x512x8xf32, #tpu.memory_space<vmem>>
        %dma_start3A_220 = tpu.memref_squeeze %dma_start3A_219 : memref<1x512x8xf32, #tpu.memory_space<vmem>> -> memref<512x8xf32, #tpu.memory_space<vmem>>
        %dma_start3A_221 = arith.constant 384 : i32
        %dma_start3A_222 = arith.constant 0 : i32
        %dma_start3A_223 = tpu.memref_slice %dma_start3A_220[%dma_start3A_221, %dma_start3A_222] : memref<512x8xf32, #tpu.memory_space<vmem>> -> memref<128x8xf32, #tpu.memory_space<vmem>>
        %dma_start3A_224 = arith.constant 0 : i32
        %dma_start3A_225 = arith.constant 0 : i32
        %dma_start3A_226 = tpu.memref_slice %arg7[%sub3A_150, %dma_start3A_224, %dma_start3A_225] : memref<2x4x128xi32, #tpu.memory_space<vmem>> -> memref<1x4x128xi32, #tpu.memory_space<vmem>>
        %dma_start3A_227 = tpu.memref_squeeze %dma_start3A_226 : memref<1x4x128xi32, #tpu.memory_space<vmem>> -> memref<4x128xi32, #tpu.memory_space<vmem>>
        %dma_start3A_228 = arith.constant 0 : i32
        %dma_start3A_229 = tpu.memref_slice %dma_start3A_227[%dma_start3A_216, %dma_start3A_228] : memref<4x128xi32, #tpu.memory_space<vmem>> -> memref<1x128xi32, #tpu.memory_space<vmem>>
        %dma_start3A_230 = tpu.memref_squeeze %dma_start3A_229 : memref<1x128xi32, #tpu.memory_space<vmem>> -> memref<128xi32, #tpu.memory_space<vmem>>
        %dma_start3A_231 = arith.constant 0 : i32
        %dma_start3A_232 = arith.constant 0 : i32
        %dma_start3A_233 = tpu.memref_slice %arg4[%dma_start3A_231, %dma_start3A_232] : memref<204800x8xf32, #tpu.memory_space<hbm>> -> memref<204800x8xf32, #tpu.memory_space<hbm>>
        %dma_start3A_234 = tpu.memref_slice %arg11[%sub3A_150] : memref<2x!tpu.dma_semaphore, #tpu.memory_space<semaphore_mem>> -> memref<1x!tpu.dma_semaphore, #tpu.memory_space<semaphore_mem>>
        %dma_start3A_235 = tpu.memref_squeeze %dma_start3A_234 : memref<1x!tpu.dma_semaphore, #tpu.memory_space<semaphore_mem>> -> memref<!tpu.dma_semaphore, #tpu.memory_space<semaphore_mem>>
        tpu.enqueue_indirect_dma source(%dma_start3A_233 : memref<204800x8xf32, #tpu.memory_space<hbm>>) target(%dma_start3A_223 : memref<128x8xf32, #tpu.memory_space<vmem>>) offsets(%dma_start3A_230 : memref<128xi32, #tpu.memory_space<vmem>>) semaphore(%dma_start3A_235 : memref<!tpu.dma_semaphore, #tpu.memory_space<semaphore_mem>>)
      } else {
      }
      %dma_wait3A = arith.constant 0 : i32
      %dma_wait3A_128 = arith.constant 0 : i32
      %dma_wait3A_129 = tpu.memref_slice %arg9[%rem3A_123, %dma_wait3A, %dma_wait3A_128] : memref<2x512x8xf32, #tpu.memory_space<vmem>> -> memref<1x512x8xf32, #tpu.memory_space<vmem>>
      %dma_wait3A_130 = tpu.memref_squeeze %dma_wait3A_129 : memref<1x512x8xf32, #tpu.memory_space<vmem>> -> memref<512x8xf32, #tpu.memory_space<vmem>>
      %dma_wait3A_131 = arith.constant 0 : i32
      %dma_wait3A_132 = arith.constant 0 : i32
      %dma_wait3A_133 = tpu.memref_slice %arg4[%dma_wait3A_131, %dma_wait3A_132] : memref<204800x8xf32, #tpu.memory_space<hbm>> -> memref<512x8xf32, #tpu.memory_space<hbm>>
      %dma_wait3A_134 = tpu.memref_slice %arg11[%rem3A_123] : memref<2x!tpu.dma_semaphore, #tpu.memory_space<semaphore_mem>> -> memref<1x!tpu.dma_semaphore, #tpu.memory_space<semaphore_mem>>
      %dma_wait3A_135 = tpu.memref_squeeze %dma_wait3A_134 : memref<1x!tpu.dma_semaphore, #tpu.memory_space<semaphore_mem>> -> memref<!tpu.dma_semaphore, #tpu.memory_space<semaphore_mem>>
      %dma_wait3A_136 = arith.constant 0 : i32
      %dma_wait3A_137 = arith.constant 0 : i32
      %dma_wait3A_138 = tpu.memref_slice %arg9[%rem3A_123, %dma_wait3A_136, %dma_wait3A_137] : memref<2x512x8xf32, #tpu.memory_space<vmem>> -> memref<1x512x8xf32, #tpu.memory_space<vmem>>
      %dma_wait3A_139 = tpu.memref_squeeze %dma_wait3A_138 : memref<1x512x8xf32, #tpu.memory_space<vmem>> -> memref<512x8xf32, #tpu.memory_space<vmem>>
      %dma_wait3A_140 = arith.constant 0 : i32
      %dma_wait3A_141 = arith.constant 0 : i32
      %dma_wait3A_142 = tpu.memref_slice %arg4[%dma_wait3A_140, %dma_wait3A_141] : memref<204800x8xf32, #tpu.memory_space<hbm>> -> memref<512x8xf32, #tpu.memory_space<hbm>>
      tpu.wait_dma2 semaphore(%dma_wait3A_135 : memref<!tpu.dma_semaphore, #tpu.memory_space<semaphore_mem>>) src(%dma_wait3A_142 : memref<512x8xf32, #tpu.memory_space<hbm>>) dst(%dma_wait3A_139 : memref<512x8xf32, #tpu.memory_space<vmem>>)
      %run_scoped3A_143 = arith.constant 0 : i32
      "tpu.region"() ({
        %run_scoped3A_148 = tpu.sem_alloc : memref<!tpu.dma_semaphore, #tpu.memory_space<semaphore_mem>>
        %dma_start3A_149 = arith.constant 0 : i32
        %dma_start3A_150 = arith.constant 0 : i32
        %dma_start3A_151 = tpu.memref_slice %arg9[%rem3A_123, %dma_start3A_149, %dma_start3A_150] : memref<2x512x8xf32, #tpu.memory_space<vmem>> -> memref<1x512x8xf32, #tpu.memory_space<vmem>>
        %dma_start3A_152 = tpu.memref_squeeze %dma_start3A_151 : memref<1x512x8xf32, #tpu.memory_space<vmem>> -> memref<512x8xf32, #tpu.memory_space<vmem>>
        %dma_start3A_153 = arith.constant 0 : i32
        %dma_start3A_154 = arith.constant 0 : i32
        %dma_start3A_155 = tpu.memref_slice %dma_start3A_152[%dma_start3A_153, %dma_start3A_154] : memref<512x8xf32, #tpu.memory_space<vmem>> -> memref<128x8xf32, #tpu.memory_space<vmem>>
        %dma_start3A_156 = arith.constant 0 : i32
        %dma_start3A_157 = arith.constant 0 : i32
        %dma_start3A_158 = tpu.memref_slice %arg8[%rem3A_123, %dma_start3A_156, %dma_start3A_157] : memref<2x4x128xi32, #tpu.memory_space<vmem>> -> memref<1x4x128xi32, #tpu.memory_space<vmem>>
        %dma_start3A_159 = tpu.memref_squeeze %dma_start3A_158 : memref<1x4x128xi32, #tpu.memory_space<vmem>> -> memref<4x128xi32, #tpu.memory_space<vmem>>
        %dma_start3A_160 = arith.constant 0 : i32
        %dma_start3A_161 = tpu.memref_slice %dma_start3A_159[%run_scoped3A_143, %dma_start3A_160] : memref<4x128xi32, #tpu.memory_space<vmem>> -> memref<1x128xi32, #tpu.memory_space<vmem>>
        %dma_start3A_162 = tpu.memref_squeeze %dma_start3A_161 : memref<1x128xi32, #tpu.memory_space<vmem>> -> memref<128xi32, #tpu.memory_space<vmem>>
        %dma_start3A_163 = arith.constant 0 : i32
        %dma_start3A_164 = arith.constant 0 : i32
        %dma_start3A_165 = tpu.memref_slice %arg10[%dma_start3A_163, %dma_start3A_164] : memref<102400x8xf32, #tpu.memory_space<vmem_shared>> -> memref<102400x8xf32, #tpu.memory_space<vmem_shared>>
        tpu.enqueue_indirect_dma source(%dma_start3A_155 : memref<128x8xf32, #tpu.memory_space<vmem>>) target(%dma_start3A_165 : memref<102400x8xf32, #tpu.memory_space<vmem_shared>>) offsets(%dma_start3A_162 : memref<128xi32, #tpu.memory_space<vmem>>) semaphore(%run_scoped3A_148 : memref<!tpu.dma_semaphore, #tpu.memory_space<semaphore_mem>>) {add = true}
        %dma_wait3A_166 = arith.constant 0 : i32
        %dma_wait3A_167 = arith.constant 0 : i32
        %dma_wait3A_168 = tpu.memref_slice %arg9[%rem3A_123, %dma_wait3A_166, %dma_wait3A_167] : memref<2x512x8xf32, #tpu.memory_space<vmem>> -> memref<1x512x8xf32, #tpu.memory_space<vmem>>
        %dma_wait3A_169 = tpu.memref_squeeze %dma_wait3A_168 : memref<1x512x8xf32, #tpu.memory_space<vmem>> -> memref<512x8xf32, #tpu.memory_space<vmem>>
        %dma_wait3A_170 = arith.constant 0 : i32
        %dma_wait3A_171 = arith.constant 0 : i32
        %dma_wait3A_172 = tpu.memref_slice %dma_wait3A_169[%dma_wait3A_170, %dma_wait3A_171] : memref<512x8xf32, #tpu.memory_space<vmem>> -> memref<128x8xf32, #tpu.memory_space<vmem>>
        %dma_wait3A_173 = arith.constant 0 : i32
        %dma_wait3A_174 = arith.constant 0 : i32
        %dma_wait3A_175 = tpu.memref_slice %arg8[%rem3A_123, %dma_wait3A_173, %dma_wait3A_174] : memref<2x4x128xi32, #tpu.memory_space<vmem>> -> memref<1x4x128xi32, #tpu.memory_space<vmem>>
        %dma_wait3A_176 = tpu.memref_squeeze %dma_wait3A_175 : memref<1x4x128xi32, #tpu.memory_space<vmem>> -> memref<4x128xi32, #tpu.memory_space<vmem>>
        %dma_wait3A_177 = arith.constant 0 : i32
        %dma_wait3A_178 = tpu.memref_slice %dma_wait3A_176[%run_scoped3A_143, %dma_wait3A_177] : memref<4x128xi32, #tpu.memory_space<vmem>> -> memref<1x128xi32, #tpu.memory_space<vmem>>
        %dma_wait3A_179 = tpu.memref_squeeze %dma_wait3A_178 : memref<1x128xi32, #tpu.memory_space<vmem>> -> memref<128xi32, #tpu.memory_space<vmem>>
        %dma_wait3A_180 = arith.constant 0 : i32
        %dma_wait3A_181 = arith.constant 0 : i32
        %dma_wait3A_182 = tpu.memref_slice %arg10[%dma_wait3A_180, %dma_wait3A_181] : memref<102400x8xf32, #tpu.memory_space<vmem_shared>> -> memref<102400x8xf32, #tpu.memory_space<vmem_shared>>
        tpu.wait_indirect_dma semaphore(%run_scoped3A_148 : memref<!tpu.dma_semaphore, #tpu.memory_space<semaphore_mem>>) src(%dma_wait3A_172 : memref<128x8xf32, #tpu.memory_space<vmem>>) dst(%dma_wait3A_182 : memref<102400x8xf32, #tpu.memory_space<vmem_shared>>)
        tpu.yield
      }) : () -> ()
      %run_scoped3A_144 = arith.constant 1 : i32
      "tpu.region"() ({
        %run_scoped3A_148 = tpu.sem_alloc : memref<!tpu.dma_semaphore, #tpu.memory_space<semaphore_mem>>
        %dma_start3A_149 = arith.constant 0 : i32
        %dma_start3A_150 = arith.constant 0 : i32
        %dma_start3A_151 = tpu.memref_slice %arg9[%rem3A_123, %dma_start3A_149, %dma_start3A_150] : memref<2x512x8xf32, #tpu.memory_space<vmem>> -> memref<1x512x8xf32, #tpu.memory_space<vmem>>
        %dma_start3A_152 = tpu.memref_squeeze %dma_start3A_151 : memref<1x512x8xf32, #tpu.memory_space<vmem>> -> memref<512x8xf32, #tpu.memory_space<vmem>>
        %dma_start3A_153 = arith.constant 128 : i32
        %dma_start3A_154 = arith.constant 0 : i32
        %dma_start3A_155 = tpu.memref_slice %dma_start3A_152[%dma_start3A_153, %dma_start3A_154] : memref<512x8xf32, #tpu.memory_space<vmem>> -> memref<128x8xf32, #tpu.memory_space<vmem>>
        %dma_start3A_156 = arith.constant 0 : i32
        %dma_start3A_157 = arith.constant 0 : i32
        %dma_start3A_158 = tpu.memref_slice %arg8[%rem3A_123, %dma_start3A_156, %dma_start3A_157] : memref<2x4x128xi32, #tpu.memory_space<vmem>> -> memref<1x4x128xi32, #tpu.memory_space<vmem>>
        %dma_start3A_159 = tpu.memref_squeeze %dma_start3A_158 : memref<1x4x128xi32, #tpu.memory_space<vmem>> -> memref<4x128xi32, #tpu.memory_space<vmem>>
        %dma_start3A_160 = arith.constant 0 : i32
        %dma_start3A_161 = tpu.memref_slice %dma_start3A_159[%run_scoped3A_144, %dma_start3A_160] : memref<4x128xi32, #tpu.memory_space<vmem>> -> memref<1x128xi32, #tpu.memory_space<vmem>>
        %dma_start3A_162 = tpu.memref_squeeze %dma_start3A_161 : memref<1x128xi32, #tpu.memory_space<vmem>> -> memref<128xi32, #tpu.memory_space<vmem>>
        %dma_start3A_163 = arith.constant 0 : i32
        %dma_start3A_164 = arith.constant 0 : i32
        %dma_start3A_165 = tpu.memref_slice %arg10[%dma_start3A_163, %dma_start3A_164] : memref<102400x8xf32, #tpu.memory_space<vmem_shared>> -> memref<102400x8xf32, #tpu.memory_space<vmem_shared>>
        tpu.enqueue_indirect_dma source(%dma_start3A_155 : memref<128x8xf32, #tpu.memory_space<vmem>>) target(%dma_start3A_165 : memref<102400x8xf32, #tpu.memory_space<vmem_shared>>) offsets(%dma_start3A_162 : memref<128xi32, #tpu.memory_space<vmem>>) semaphore(%run_scoped3A_148 : memref<!tpu.dma_semaphore, #tpu.memory_space<semaphore_mem>>) {add = true}
        %dma_wait3A_166 = arith.constant 0 : i32
        %dma_wait3A_167 = arith.constant 0 : i32
        %dma_wait3A_168 = tpu.memref_slice %arg9[%rem3A_123, %dma_wait3A_166, %dma_wait3A_167] : memref<2x512x8xf32, #tpu.memory_space<vmem>> -> memref<1x512x8xf32, #tpu.memory_space<vmem>>
        %dma_wait3A_169 = tpu.memref_squeeze %dma_wait3A_168 : memref<1x512x8xf32, #tpu.memory_space<vmem>> -> memref<512x8xf32, #tpu.memory_space<vmem>>
        %dma_wait3A_170 = arith.constant 128 : i32
        %dma_wait3A_171 = arith.constant 0 : i32
        %dma_wait3A_172 = tpu.memref_slice %dma_wait3A_169[%dma_wait3A_170, %dma_wait3A_171] : memref<512x8xf32, #tpu.memory_space<vmem>> -> memref<128x8xf32, #tpu.memory_space<vmem>>
        %dma_wait3A_173 = arith.constant 0 : i32
        %dma_wait3A_174 = arith.constant 0 : i32
        %dma_wait3A_175 = tpu.memref_slice %arg8[%rem3A_123, %dma_wait3A_173, %dma_wait3A_174] : memref<2x4x128xi32, #tpu.memory_space<vmem>> -> memref<1x4x128xi32, #tpu.memory_space<vmem>>
        %dma_wait3A_176 = tpu.memref_squeeze %dma_wait3A_175 : memref<1x4x128xi32, #tpu.memory_space<vmem>> -> memref<4x128xi32, #tpu.memory_space<vmem>>
        %dma_wait3A_177 = arith.constant 0 : i32
        %dma_wait3A_178 = tpu.memref_slice %dma_wait3A_176[%run_scoped3A_144, %dma_wait3A_177] : memref<4x128xi32, #tpu.memory_space<vmem>> -> memref<1x128xi32, #tpu.memory_space<vmem>>
        %dma_wait3A_179 = tpu.memref_squeeze %dma_wait3A_178 : memref<1x128xi32, #tpu.memory_space<vmem>> -> memref<128xi32, #tpu.memory_space<vmem>>
        %dma_wait3A_180 = arith.constant 0 : i32
        %dma_wait3A_181 = arith.constant 0 : i32
        %dma_wait3A_182 = tpu.memref_slice %arg10[%dma_wait3A_180, %dma_wait3A_181] : memref<102400x8xf32, #tpu.memory_space<vmem_shared>> -> memref<102400x8xf32, #tpu.memory_space<vmem_shared>>
        tpu.wait_indirect_dma semaphore(%run_scoped3A_148 : memref<!tpu.dma_semaphore, #tpu.memory_space<semaphore_mem>>) src(%dma_wait3A_172 : memref<128x8xf32, #tpu.memory_space<vmem>>) dst(%dma_wait3A_182 : memref<102400x8xf32, #tpu.memory_space<vmem_shared>>)
        tpu.yield
      }) : () -> ()
      %run_scoped3A_145 = arith.constant 2 : i32
      "tpu.region"() ({
        %run_scoped3A_148 = tpu.sem_alloc : memref<!tpu.dma_semaphore, #tpu.memory_space<semaphore_mem>>
        %dma_start3A_149 = arith.constant 0 : i32
        %dma_start3A_150 = arith.constant 0 : i32
        %dma_start3A_151 = tpu.memref_slice %arg9[%rem3A_123, %dma_start3A_149, %dma_start3A_150] : memref<2x512x8xf32, #tpu.memory_space<vmem>> -> memref<1x512x8xf32, #tpu.memory_space<vmem>>
        %dma_start3A_152 = tpu.memref_squeeze %dma_start3A_151 : memref<1x512x8xf32, #tpu.memory_space<vmem>> -> memref<512x8xf32, #tpu.memory_space<vmem>>
        %dma_start3A_153 = arith.constant 256 : i32
        %dma_start3A_154 = arith.constant 0 : i32
        %dma_start3A_155 = tpu.memref_slice %dma_start3A_152[%dma_start3A_153, %dma_start3A_154] : memref<512x8xf32, #tpu.memory_space<vmem>> -> memref<128x8xf32, #tpu.memory_space<vmem>>
        %dma_start3A_156 = arith.constant 0 : i32
        %dma_start3A_157 = arith.constant 0 : i32
        %dma_start3A_158 = tpu.memref_slice %arg8[%rem3A_123, %dma_start3A_156, %dma_start3A_157] : memref<2x4x128xi32, #tpu.memory_space<vmem>> -> memref<1x4x128xi32, #tpu.memory_space<vmem>>
        %dma_start3A_159 = tpu.memref_squeeze %dma_start3A_158 : memref<1x4x128xi32, #tpu.memory_space<vmem>> -> memref<4x128xi32, #tpu.memory_space<vmem>>
        %dma_start3A_160 = arith.constant 0 : i32
        %dma_start3A_161 = tpu.memref_slice %dma_start3A_159[%run_scoped3A_145, %dma_start3A_160] : memref<4x128xi32, #tpu.memory_space<vmem>> -> memref<1x128xi32, #tpu.memory_space<vmem>>
        %dma_start3A_162 = tpu.memref_squeeze %dma_start3A_161 : memref<1x128xi32, #tpu.memory_space<vmem>> -> memref<128xi32, #tpu.memory_space<vmem>>
        %dma_start3A_163 = arith.constant 0 : i32
        %dma_start3A_164 = arith.constant 0 : i32
        %dma_start3A_165 = tpu.memref_slice %arg10[%dma_start3A_163, %dma_start3A_164] : memref<102400x8xf32, #tpu.memory_space<vmem_shared>> -> memref<102400x8xf32, #tpu.memory_space<vmem_shared>>
        tpu.enqueue_indirect_dma source(%dma_start3A_155 : memref<128x8xf32, #tpu.memory_space<vmem>>) target(%dma_start3A_165 : memref<102400x8xf32, #tpu.memory_space<vmem_shared>>) offsets(%dma_start3A_162 : memref<128xi32, #tpu.memory_space<vmem>>) semaphore(%run_scoped3A_148 : memref<!tpu.dma_semaphore, #tpu.memory_space<semaphore_mem>>) {add = true}
        %dma_wait3A_166 = arith.constant 0 : i32
        %dma_wait3A_167 = arith.constant 0 : i32
        %dma_wait3A_168 = tpu.memref_slice %arg9[%rem3A_123, %dma_wait3A_166, %dma_wait3A_167] : memref<2x512x8xf32, #tpu.memory_space<vmem>> -> memref<1x512x8xf32, #tpu.memory_space<vmem>>
        %dma_wait3A_169 = tpu.memref_squeeze %dma_wait3A_168 : memref<1x512x8xf32, #tpu.memory_space<vmem>> -> memref<512x8xf32, #tpu.memory_space<vmem>>
        %dma_wait3A_170 = arith.constant 256 : i32
        %dma_wait3A_171 = arith.constant 0 : i32
        %dma_wait3A_172 = tpu.memref_slice %dma_wait3A_169[%dma_wait3A_170, %dma_wait3A_171] : memref<512x8xf32, #tpu.memory_space<vmem>> -> memref<128x8xf32, #tpu.memory_space<vmem>>
        %dma_wait3A_173 = arith.constant 0 : i32
        %dma_wait3A_174 = arith.constant 0 : i32
        %dma_wait3A_175 = tpu.memref_slice %arg8[%rem3A_123, %dma_wait3A_173, %dma_wait3A_174] : memref<2x4x128xi32, #tpu.memory_space<vmem>> -> memref<1x4x128xi32, #tpu.memory_space<vmem>>
        %dma_wait3A_176 = tpu.memref_squeeze %dma_wait3A_175 : memref<1x4x128xi32, #tpu.memory_space<vmem>> -> memref<4x128xi32, #tpu.memory_space<vmem>>
        %dma_wait3A_177 = arith.constant 0 : i32
        %dma_wait3A_178 = tpu.memref_slice %dma_wait3A_176[%run_scoped3A_145, %dma_wait3A_177] : memref<4x128xi32, #tpu.memory_space<vmem>> -> memref<1x128xi32, #tpu.memory_space<vmem>>
        %dma_wait3A_179 = tpu.memref_squeeze %dma_wait3A_178 : memref<1x128xi32, #tpu.memory_space<vmem>> -> memref<128xi32, #tpu.memory_space<vmem>>
        %dma_wait3A_180 = arith.constant 0 : i32
        %dma_wait3A_181 = arith.constant 0 : i32
        %dma_wait3A_182 = tpu.memref_slice %arg10[%dma_wait3A_180, %dma_wait3A_181] : memref<102400x8xf32, #tpu.memory_space<vmem_shared>> -> memref<102400x8xf32, #tpu.memory_space<vmem_shared>>
        tpu.wait_indirect_dma semaphore(%run_scoped3A_148 : memref<!tpu.dma_semaphore, #tpu.memory_space<semaphore_mem>>) src(%dma_wait3A_172 : memref<128x8xf32, #tpu.memory_space<vmem>>) dst(%dma_wait3A_182 : memref<102400x8xf32, #tpu.memory_space<vmem_shared>>)
        tpu.yield
      }) : () -> ()
      %run_scoped3A_146 = arith.constant 3 : i32
      "tpu.region"() ({
        %run_scoped3A_148 = tpu.sem_alloc : memref<!tpu.dma_semaphore, #tpu.memory_space<semaphore_mem>>
        %dma_start3A_149 = arith.constant 0 : i32
        %dma_start3A_150 = arith.constant 0 : i32
        %dma_start3A_151 = tpu.memref_slice %arg9[%rem3A_123, %dma_start3A_149, %dma_start3A_150] : memref<2x512x8xf32, #tpu.memory_space<vmem>> -> memref<1x512x8xf32, #tpu.memory_space<vmem>>
        %dma_start3A_152 = tpu.memref_squeeze %dma_start3A_151 : memref<1x512x8xf32, #tpu.memory_space<vmem>> -> memref<512x8xf32, #tpu.memory_space<vmem>>
        %dma_start3A_153 = arith.constant 384 : i32
        %dma_start3A_154 = arith.constant 0 : i32
        %dma_start3A_155 = tpu.memref_slice %dma_start3A_152[%dma_start3A_153, %dma_start3A_154] : memref<512x8xf32, #tpu.memory_space<vmem>> -> memref<128x8xf32, #tpu.memory_space<vmem>>
        %dma_start3A_156 = arith.constant 0 : i32
        %dma_start3A_157 = arith.constant 0 : i32
        %dma_start3A_158 = tpu.memref_slice %arg8[%rem3A_123, %dma_start3A_156, %dma_start3A_157] : memref<2x4x128xi32, #tpu.memory_space<vmem>> -> memref<1x4x128xi32, #tpu.memory_space<vmem>>
        %dma_start3A_159 = tpu.memref_squeeze %dma_start3A_158 : memref<1x4x128xi32, #tpu.memory_space<vmem>> -> memref<4x128xi32, #tpu.memory_space<vmem>>
        %dma_start3A_160 = arith.constant 0 : i32
        %dma_start3A_161 = tpu.memref_slice %dma_start3A_159[%run_scoped3A_146, %dma_start3A_160] : memref<4x128xi32, #tpu.memory_space<vmem>> -> memref<1x128xi32, #tpu.memory_space<vmem>>
        %dma_start3A_162 = tpu.memref_squeeze %dma_start3A_161 : memref<1x128xi32, #tpu.memory_space<vmem>> -> memref<128xi32, #tpu.memory_space<vmem>>
        %dma_start3A_163 = arith.constant 0 : i32
        %dma_start3A_164 = arith.constant 0 : i32
        %dma_start3A_165 = tpu.memref_slice %arg10[%dma_start3A_163, %dma_start3A_164] : memref<102400x8xf32, #tpu.memory_space<vmem_shared>> -> memref<102400x8xf32, #tpu.memory_space<vmem_shared>>
        tpu.enqueue_indirect_dma source(%dma_start3A_155 : memref<128x8xf32, #tpu.memory_space<vmem>>) target(%dma_start3A_165 : memref<102400x8xf32, #tpu.memory_space<vmem_shared>>) offsets(%dma_start3A_162 : memref<128xi32, #tpu.memory_space<vmem>>) semaphore(%run_scoped3A_148 : memref<!tpu.dma_semaphore, #tpu.memory_space<semaphore_mem>>) {add = true}
        %dma_wait3A_166 = arith.constant 0 : i32
        %dma_wait3A_167 = arith.constant 0 : i32
        %dma_wait3A_168 = tpu.memref_slice %arg9[%rem3A_123, %dma_wait3A_166, %dma_wait3A_167] : memref<2x512x8xf32, #tpu.memory_space<vmem>> -> memref<1x512x8xf32, #tpu.memory_space<vmem>>
        %dma_wait3A_169 = tpu.memref_squeeze %dma_wait3A_168 : memref<1x512x8xf32, #tpu.memory_space<vmem>> -> memref<512x8xf32, #tpu.memory_space<vmem>>
        %dma_wait3A_170 = arith.constant 384 : i32
        %dma_wait3A_171 = arith.constant 0 : i32
        %dma_wait3A_172 = tpu.memref_slice %dma_wait3A_169[%dma_wait3A_170, %dma_wait3A_171] : memref<512x8xf32, #tpu.memory_space<vmem>> -> memref<128x8xf32, #tpu.memory_space<vmem>>
        %dma_wait3A_173 = arith.constant 0 : i32
        %dma_wait3A_174 = arith.constant 0 : i32
        %dma_wait3A_175 = tpu.memref_slice %arg8[%rem3A_123, %dma_wait3A_173, %dma_wait3A_174] : memref<2x4x128xi32, #tpu.memory_space<vmem>> -> memref<1x4x128xi32, #tpu.memory_space<vmem>>
        %dma_wait3A_176 = tpu.memref_squeeze %dma_wait3A_175 : memref<1x4x128xi32, #tpu.memory_space<vmem>> -> memref<4x128xi32, #tpu.memory_space<vmem>>
        %dma_wait3A_177 = arith.constant 0 : i32
        %dma_wait3A_178 = tpu.memref_slice %dma_wait3A_176[%run_scoped3A_146, %dma_wait3A_177] : memref<4x128xi32, #tpu.memory_space<vmem>> -> memref<1x128xi32, #tpu.memory_space<vmem>>
        %dma_wait3A_179 = tpu.memref_squeeze %dma_wait3A_178 : memref<1x128xi32, #tpu.memory_space<vmem>> -> memref<128xi32, #tpu.memory_space<vmem>>
        %dma_wait3A_180 = arith.constant 0 : i32
        %dma_wait3A_181 = arith.constant 0 : i32
        %dma_wait3A_182 = tpu.memref_slice %arg10[%dma_wait3A_180, %dma_wait3A_181] : memref<102400x8xf32, #tpu.memory_space<vmem_shared>> -> memref<102400x8xf32, #tpu.memory_space<vmem_shared>>
        tpu.wait_indirect_dma semaphore(%run_scoped3A_148 : memref<!tpu.dma_semaphore, #tpu.memory_space<semaphore_mem>>) src(%dma_wait3A_172 : memref<128x8xf32, #tpu.memory_space<vmem>>) dst(%dma_wait3A_182 : memref<102400x8xf32, #tpu.memory_space<vmem_shared>>)
        tpu.yield
      }) : () -> ()
      %scan3A_147 = arith.constant 0 : i32
      scf.yield %scan3A_147 : i32
    }
    %scan3A_111 = arith.constant 202 : i32
    %barrier3A_112 = arith.constant 0 : index
    tpu.barrier barrier_id(%barrier3A_112)
    %scan3A_113 = arith.constant 0 : i32
    %scan3A_114 = arith.constant 0 : i32
    %scan3A_115 = arith.constant 0 : i32
    %scan3A_116 = arith.constant 16 : i32
    %scan3A_117 = arith.addi %scan3A_115, %scan3A_116 : i32
    %scan3A_118 = arith.constant 1 : i32
    %scan3A_119 = scf.for %scan3A_121 = %scan3A_115 to %scan3A_117 step %scan3A_118 iter_args(%scan3A_122 = %scan3A_114) -> (i32)  : i32 {
      %mul3A_123 = arith.constant 6400 : i32
      %mul3A_124 = arith.muli %arg1, %mul3A_123 : i32
      %mul3A_125 = arith.constant 400 : i32
      %mul3A_126 = arith.muli %scan3A_121, %mul3A_125 : i32
      %add3A_127 = arith.addi %mul3A_124, %mul3A_126 : i32
      "tpu.region"() ({
        %run_scoped3A_129 = tpu.sem_alloc : memref<!tpu.dma_semaphore, #tpu.memory_space<semaphore_mem>>
        %dma_start3A_130 = arith.constant 0 : i32
        %dma_start3A_131 = arith.constant 0 : i32
        %dma_start3A_132 = tpu.memref_slice %arg9[%scan3A_113, %dma_start3A_130, %dma_start3A_131] : memref<2x512x8xf32, #tpu.memory_space<vmem>> -> memref<1x512x8xf32, #tpu.memory_space<vmem>>
        %dma_start3A_133 = tpu.memref_squeeze %dma_start3A_132 : memref<1x512x8xf32, #tpu.memory_space<vmem>> -> memref<512x8xf32, #tpu.memory_space<vmem>>
        %dma_start3A_134 = arith.constant 0 : i32
        %dma_start3A_135 = arith.constant 0 : i32
        %dma_start3A_136 = tpu.memref_slice %dma_start3A_133[%dma_start3A_134, %dma_start3A_135] : memref<512x8xf32, #tpu.memory_space<vmem>> -> memref<400x8xf32, #tpu.memory_space<vmem>>
        %dma_start3A_137 = arith.constant 0 : i32
        %dma_start3A_138 = tpu.memref_slice %arg10[%add3A_127, %dma_start3A_137] : memref<102400x8xf32, #tpu.memory_space<vmem_shared>> -> memref<400x8xf32, #tpu.memory_space<vmem_shared>>
        %dma_start3A_139 = arith.constant 0 : i32
        %dma_start3A_140 = arith.constant 0 : i32
        %dma_start3A_141 = tpu.memref_slice %arg9[%scan3A_113, %dma_start3A_139, %dma_start3A_140] : memref<2x512x8xf32, #tpu.memory_space<vmem>> -> memref<1x512x8xf32, #tpu.memory_space<vmem>>
        %dma_start3A_142 = tpu.memref_squeeze %dma_start3A_141 : memref<1x512x8xf32, #tpu.memory_space<vmem>> -> memref<512x8xf32, #tpu.memory_space<vmem>>
        %dma_start3A_143 = arith.constant 0 : i32
        %dma_start3A_144 = arith.constant 0 : i32
        %dma_start3A_145 = tpu.memref_slice %dma_start3A_142[%dma_start3A_143, %dma_start3A_144] : memref<512x8xf32, #tpu.memory_space<vmem>> -> memref<400x8xf32, #tpu.memory_space<vmem>>
        %dma_start3A_146 = arith.constant 0 : i32
        %dma_start3A_147 = tpu.memref_slice %arg10[%add3A_127, %dma_start3A_146] : memref<102400x8xf32, #tpu.memory_space<vmem_shared>> -> memref<400x8xf32, #tpu.memory_space<vmem_shared>>
        tpu.enqueue_dma source(%dma_start3A_147 : memref<400x8xf32, #tpu.memory_space<vmem_shared>>) target(%dma_start3A_145 : memref<400x8xf32, #tpu.memory_space<vmem>>) target_semaphore(%run_scoped3A_129 : memref<!tpu.dma_semaphore, #tpu.memory_space<semaphore_mem>>)
        %dma_wait3A = arith.constant 0 : i32
        %dma_wait3A_148 = arith.constant 0 : i32
        %dma_wait3A_149 = tpu.memref_slice %arg9[%scan3A_113, %dma_wait3A, %dma_wait3A_148] : memref<2x512x8xf32, #tpu.memory_space<vmem>> -> memref<1x512x8xf32, #tpu.memory_space<vmem>>
        %dma_wait3A_150 = tpu.memref_squeeze %dma_wait3A_149 : memref<1x512x8xf32, #tpu.memory_space<vmem>> -> memref<512x8xf32, #tpu.memory_space<vmem>>
        %dma_wait3A_151 = arith.constant 0 : i32
        %dma_wait3A_152 = arith.constant 0 : i32
        %dma_wait3A_153 = tpu.memref_slice %dma_wait3A_150[%dma_wait3A_151, %dma_wait3A_152] : memref<512x8xf32, #tpu.memory_space<vmem>> -> memref<400x8xf32, #tpu.memory_space<vmem>>
        %dma_wait3A_154 = arith.constant 0 : i32
        %dma_wait3A_155 = tpu.memref_slice %arg10[%add3A_127, %dma_wait3A_154] : memref<102400x8xf32, #tpu.memory_space<vmem_shared>> -> memref<400x8xf32, #tpu.memory_space<vmem_shared>>
        %dma_wait3A_156 = arith.constant 0 : i32
        %dma_wait3A_157 = arith.constant 0 : i32
        %dma_wait3A_158 = tpu.memref_slice %arg9[%scan3A_113, %dma_wait3A_156, %dma_wait3A_157] : memref<2x512x8xf32, #tpu.memory_space<vmem>> -> memref<1x512x8xf32, #tpu.memory_space<vmem>>
        %dma_wait3A_159 = tpu.memref_squeeze %dma_wait3A_158 : memref<1x512x8xf32, #tpu.memory_space<vmem>> -> memref<512x8xf32, #tpu.memory_space<vmem>>
        %dma_wait3A_160 = arith.constant 0 : i32
        %dma_wait3A_161 = arith.constant 0 : i32
        %dma_wait3A_162 = tpu.memref_slice %dma_wait3A_159[%dma_wait3A_160, %dma_wait3A_161] : memref<512x8xf32, #tpu.memory_space<vmem>> -> memref<400x8xf32, #tpu.memory_space<vmem>>
        %dma_wait3A_163 = arith.constant 0 : i32
        %dma_wait3A_164 = tpu.memref_slice %arg10[%add3A_127, %dma_wait3A_163] : memref<102400x8xf32, #tpu.memory_space<vmem_shared>> -> memref<400x8xf32, #tpu.memory_space<vmem_shared>>
        tpu.wait_dma2 semaphore(%run_scoped3A_129 : memref<!tpu.dma_semaphore, #tpu.memory_space<semaphore_mem>>) src(%dma_wait3A_164 : memref<400x8xf32, #tpu.memory_space<vmem_shared>>) dst(%dma_wait3A_162 : memref<400x8xf32, #tpu.memory_space<vmem>>)
        tpu.yield
      }) : () -> ()
      "tpu.region"() ({
        %run_scoped3A_129 = tpu.sem_alloc : memref<!tpu.dma_semaphore, #tpu.memory_space<semaphore_mem>>
        %dma_start3A_130 = arith.constant 0 : i32
        %dma_start3A_131 = arith.constant 0 : i32
        %dma_start3A_132 = tpu.memref_slice %arg9[%scan3A_113, %dma_start3A_130, %dma_start3A_131] : memref<2x512x8xf32, #tpu.memory_space<vmem>> -> memref<1x512x8xf32, #tpu.memory_space<vmem>>
        %dma_start3A_133 = tpu.memref_squeeze %dma_start3A_132 : memref<1x512x8xf32, #tpu.memory_space<vmem>> -> memref<512x8xf32, #tpu.memory_space<vmem>>
        %dma_start3A_134 = arith.constant 0 : i32
        %dma_start3A_135 = arith.constant 0 : i32
        %dma_start3A_136 = tpu.memref_slice %dma_start3A_133[%dma_start3A_134, %dma_start3A_135] : memref<512x8xf32, #tpu.memory_space<vmem>> -> memref<400x8xf32, #tpu.memory_space<vmem>>
        %dma_start3A_137 = arith.constant 0 : i32
        %dma_start3A_138 = arith.constant 0 : i32
        %dma_start3A_139 = tpu.memref_slice %arg6[%arg0, %dma_start3A_137, %dma_start3A_138] : memref<2x102400x8xf32, #tpu.memory_space<hbm>> -> memref<1x102400x8xf32, #tpu.memory_space<hbm>>
        %dma_start3A_140 = tpu.memref_squeeze %dma_start3A_139 : memref<1x102400x8xf32, #tpu.memory_space<hbm>> -> memref<102400x8xf32, #tpu.memory_space<hbm>>
        %dma_start3A_141 = arith.constant 0 : i32
        %dma_start3A_142 = tpu.memref_slice %dma_start3A_140[%add3A_127, %dma_start3A_141] : memref<102400x8xf32, #tpu.memory_space<hbm>> -> memref<400x8xf32, #tpu.memory_space<hbm>>
        %dma_start3A_143 = arith.constant 0 : i32
        %dma_start3A_144 = arith.constant 0 : i32
        %dma_start3A_145 = tpu.memref_slice %arg6[%arg0, %dma_start3A_143, %dma_start3A_144] : memref<2x102400x8xf32, #tpu.memory_space<hbm>> -> memref<1x102400x8xf32, #tpu.memory_space<hbm>>
        %dma_start3A_146 = tpu.memref_squeeze %dma_start3A_145 : memref<1x102400x8xf32, #tpu.memory_space<hbm>> -> memref<102400x8xf32, #tpu.memory_space<hbm>>
        %dma_start3A_147 = arith.constant 0 : i32
        %dma_start3A_148 = tpu.memref_slice %dma_start3A_146[%add3A_127, %dma_start3A_147] : memref<102400x8xf32, #tpu.memory_space<hbm>> -> memref<400x8xf32, #tpu.memory_space<hbm>>
        %dma_start3A_149 = arith.constant 0 : i32
        %dma_start3A_150 = arith.constant 0 : i32
        %dma_start3A_151 = tpu.memref_slice %arg9[%scan3A_113, %dma_start3A_149, %dma_start3A_150] : memref<2x512x8xf32, #tpu.memory_space<vmem>> -> memref<1x512x8xf32, #tpu.memory_space<vmem>>
        %dma_start3A_152 = tpu.memref_squeeze %dma_start3A_151 : memref<1x512x8xf32, #tpu.memory_space<vmem>> -> memref<512x8xf32, #tpu.memory_space<vmem>>
        %dma_start3A_153 = arith.constant 0 : i32
        %dma_start3A_154 = arith.constant 0 : i32
        %dma_start3A_155 = tpu.memref_slice %dma_start3A_152[%dma_start3A_153, %dma_start3A_154] : memref<512x8xf32, #tpu.memory_space<vmem>> -> memref<400x8xf32, #tpu.memory_space<vmem>>
        tpu.enqueue_dma source(%dma_start3A_155 : memref<400x8xf32, #tpu.memory_space<vmem>>) target(%dma_start3A_148 : memref<400x8xf32, #tpu.memory_space<hbm>>) target_semaphore(%run_scoped3A_129 : memref<!tpu.dma_semaphore, #tpu.memory_space<semaphore_mem>>)
        %dma_wait3A = arith.constant 0 : i32
        %dma_wait3A_156 = arith.constant 0 : i32
        %dma_wait3A_157 = tpu.memref_slice %arg9[%scan3A_113, %dma_wait3A, %dma_wait3A_156] : memref<2x512x8xf32, #tpu.memory_space<vmem>> -> memref<1x512x8xf32, #tpu.memory_space<vmem>>
        %dma_wait3A_158 = tpu.memref_squeeze %dma_wait3A_157 : memref<1x512x8xf32, #tpu.memory_space<vmem>> -> memref<512x8xf32, #tpu.memory_space<vmem>>
        %dma_wait3A_159 = arith.constant 0 : i32
        %dma_wait3A_160 = arith.constant 0 : i32
        %dma_wait3A_161 = tpu.memref_slice %dma_wait3A_158[%dma_wait3A_159, %dma_wait3A_160] : memref<512x8xf32, #tpu.memory_space<vmem>> -> memref<400x8xf32, #tpu.memory_space<vmem>>
        %dma_wait3A_162 = arith.constant 0 : i32
        %dma_wait3A_163 = arith.constant 0 : i32
        %dma_wait3A_164 = tpu.memref_slice %arg6[%arg0, %dma_wait3A_162, %dma_wait3A_163] : memref<2x102400x8xf32, #tpu.memory_space<hbm>> -> memref<1x102400x8xf32, #tpu.memory_space<hbm>>
        %dma_wait3A_165 = tpu.memref_squeeze %dma_wait3A_164 : memref<1x102400x8xf32, #tpu.memory_space<hbm>> -> memref<102400x8xf32, #tpu.memory_space<hbm>>
        %dma_wait3A_166 = arith.constant 0 : i32
        %dma_wait3A_167 = tpu.memref_slice %dma_wait3A_165[%add3A_127, %dma_wait3A_166] : memref<102400x8xf32, #tpu.memory_space<hbm>> -> memref<400x8xf32, #tpu.memory_space<hbm>>
        %dma_wait3A_168 = arith.constant 0 : i32
        %dma_wait3A_169 = arith.constant 0 : i32
        %dma_wait3A_170 = tpu.memref_slice %arg6[%arg0, %dma_wait3A_168, %dma_wait3A_169] : memref<2x102400x8xf32, #tpu.memory_space<hbm>> -> memref<1x102400x8xf32, #tpu.memory_space<hbm>>
        %dma_wait3A_171 = tpu.memref_squeeze %dma_wait3A_170 : memref<1x102400x8xf32, #tpu.memory_space<hbm>> -> memref<102400x8xf32, #tpu.memory_space<hbm>>
        %dma_wait3A_172 = arith.constant 0 : i32
        %dma_wait3A_173 = tpu.memref_slice %dma_wait3A_171[%add3A_127, %dma_wait3A_172] : memref<102400x8xf32, #tpu.memory_space<hbm>> -> memref<400x8xf32, #tpu.memory_space<hbm>>
        %dma_wait3A_174 = arith.constant 0 : i32
        %dma_wait3A_175 = arith.constant 0 : i32
        %dma_wait3A_176 = tpu.memref_slice %arg9[%scan3A_113, %dma_wait3A_174, %dma_wait3A_175] : memref<2x512x8xf32, #tpu.memory_space<vmem>> -> memref<1x512x8xf32, #tpu.memory_space<vmem>>
        %dma_wait3A_177 = tpu.memref_squeeze %dma_wait3A_176 : memref<1x512x8xf32, #tpu.memory_space<vmem>> -> memref<512x8xf32, #tpu.memory_space<vmem>>
        %dma_wait3A_178 = arith.constant 0 : i32
        %dma_wait3A_179 = arith.constant 0 : i32
        %dma_wait3A_180 = tpu.memref_slice %dma_wait3A_177[%dma_wait3A_178, %dma_wait3A_179] : memref<512x8xf32, #tpu.memory_space<vmem>> -> memref<400x8xf32, #tpu.memory_space<vmem>>
        tpu.wait_dma2 semaphore(%run_scoped3A_129 : memref<!tpu.dma_semaphore, #tpu.memory_space<semaphore_mem>>) src(%dma_wait3A_180 : memref<400x8xf32, #tpu.memory_space<vmem>>) dst(%dma_wait3A_173 : memref<400x8xf32, #tpu.memory_space<hbm>>)
        tpu.yield
      }) : () -> ()
      %scan3A_128 = arith.constant 0 : i32
      scf.yield %scan3A_128 : i32
    }
    %scan3A_120 = arith.constant 16 : i32
    return
  }
}

module attributes {stable_mosaic.version = 14 : i64} {
  func.func @_dinv_body(%arg0: memref<2x800x128xf32, #tpu.memory_space<vmem>>, %arg1: memref<800x128xf32, #tpu.memory_space<vmem>>) attributes {dimension_semantics = [], scalar_prefetch = 0 : i64, scratch_operands = 0 : i64, tpu.core_type = #tpu.core_type<tc>} {
    %get3A = arith.constant 0 : index
    %get3A_0 = arith.constant 0 : index
    %get3A_1 = arith.constant 0 : index
    %get3A_2 = vector.load %arg0[%get3A, %get3A_0, %get3A_1] : memref<2x800x128xf32, #tpu.memory_space<vmem>>, vector<2x800x128xf32>
    %slice3A = vector.extract_strided_slice %get3A_2 {offsets = [0, 0, 0], sizes = [1, 800, 128], strides = [1, 1, 1]} : vector<2x800x128xf32> to vector<1x800x128xf32>
    %squeeze3A = vector.shape_cast %slice3A : vector<1x800x128xf32> to vector<800x128xf32>
    %slice3A_3 = vector.extract_strided_slice %get3A_2 {offsets = [1, 0, 0], sizes = [1, 800, 128], strides = [1, 1, 1]} : vector<2x800x128xf32> to vector<1x800x128xf32>
    %squeeze3A_4 = vector.shape_cast %slice3A_3 : vector<1x800x128xf32> to vector<800x128xf32>
    %add3A = arith.addf %squeeze3A, %squeeze3A_4 : vector<800x128xf32>
    %add3A_5 = arith.constant 1.000000e+00 : f32
    %add3A_6 = vector.broadcast %add3A_5 : f32 to vector<800x128xf32>
    %add3A_7 = arith.addf %add3A, %add3A_6 : vector<800x128xf32>
    %iota3A = tpu.iota {dimensions = array<i32: 0>} : vector<800x128xi32>
    %mul3A = arith.constant 128 : i32
    %mul3A_8 = vector.broadcast %mul3A : i32 to vector<800x128xi32>
    %mul3A_9 = arith.muli %iota3A, %mul3A_8 : vector<800x128xi32>
    %iota3A_10 = tpu.iota {dimensions = array<i32: 1>} : vector<800x128xi32>
    %add3A_11 = arith.addi %mul3A_9, %iota3A_10 : vector<800x128xi32>
    %lt3A = arith.constant 100000 : i32
    %lt3A_12 = vector.broadcast %lt3A : i32 to vector<800x128xi32>
    %lt3A_13 = arith.cmpi slt, %add3A_11, %lt3A_12 : vector<800x128xi32>
    %rsqrt3A = math.rsqrt %add3A_7 : vector<800x128xf32>
    %jit3A = arith.constant 0.000000e+00 : f32
    %broadcast_in_dim3A = vector.broadcast %jit3A : f32 to vector<800x128xf32>
    %select_n3A = arith.select %lt3A_13, %rsqrt3A, %broadcast_in_dim3A : vector<800x128xi1>, vector<800x128xf32>
    %swap3A = arith.constant 0 : index
    %swap3A_14 = arith.constant 0 : index
    %swap3A_15 = vector.load %arg1[%swap3A, %swap3A_14] : memref<800x128xf32, #tpu.memory_space<vmem>>, vector<800x128xf32>
    tpu.vector_store %arg1[%swap3A, %swap3A_14], %select_n3A {strides = array<i32>} : memref<800x128xf32, #tpu.memory_space<vmem>>, vector<800x128xf32>,
    return
  }
}

module attributes {stable_mosaic.version = 14 : i64} {
  func.func @_prep_body(%arg0: i32, %arg1: memref<1600x8xf32, #tpu.memory_space<vmem>>, %arg2: memref<1600x128xf32, #tpu.memory_space<vmem>>, %arg3: memref<8x128xf32, #tpu.memory_space<vmem>>, %arg4: memref<1600x128xf32, #tpu.memory_space<vmem>>, %arg5: memref<1600x128xf32, #tpu.memory_space<vmem>>) attributes {dimension_semantics = [#tpu.dimension_semantics<arbitrary>], iteration_bounds = array<i64: 8>, scalar_prefetch = 0 : i64, scratch_operands = 0 : i64, tpu.core_type = #tpu.core_type<tc>, window_params = [{transform_indices = @transform_0, window_bounds = array<i64: 1600, 8>}, {transform_indices = @transform_1, window_bounds = array<i64: 1600, 128>}, {pipeline_mode = #tpu.pipeline_mode<synchronous>, transform_indices = @transform_2, window_bounds = array<i64: 8, 128>}, {transform_indices = @transform_3, window_bounds = array<i64: 1600, 128>}, {transform_indices = @transform_4, window_bounds = array<i64: 1600, 128>}]} {
    %get3A = arith.constant 0 : index
    %get3A_0 = arith.constant 0 : index
    %get3A_1 = vector.load %arg1[%get3A, %get3A_0] : memref<1600x8xf32, #tpu.memory_space<vmem>>, vector<1600x8xf32>
    %get3A_2 = arith.constant 0 : index
    %get3A_3 = arith.constant 0 : index
    %get3A_4 = vector.load %arg3[%get3A_2, %get3A_3] : memref<8x128xf32, #tpu.memory_space<vmem>>, vector<8x128xf32>
    %dot_general3A = arith.constant dense<0.000000e+00> : vector<1600x128xf32>
    %dot_general3A_5 = tpu.matmul %get3A_1, %get3A_4, %dot_general3A {dimension_numbers = #tpu.dot_dimension_numbers<[1], [0], [0], [1], [0, 0, 1, 1], [], []>, transpose_lhs_hint = false} : vector<1600x8xf32>, vector<8x128xf32>, vector<1600x128xf32> -> vector<1600x128xf32>
    %swap3A = arith.constant 0 : index
    %swap3A_6 = arith.constant 0 : index
    %swap3A_7 = vector.load %arg4[%swap3A, %swap3A_6] : memref<1600x128xf32, #tpu.memory_space<vmem>>, vector<1600x128xf32>
    tpu.vector_store %arg4[%swap3A, %swap3A_6], %dot_general3A_5 {strides = array<i32>} : memref<1600x128xf32, #tpu.memory_space<vmem>>, vector<1600x128xf32>,
    %get3A_8 = arith.constant 0 : index
    %get3A_9 = arith.constant 0 : index
    %get3A_10 = vector.load %arg2[%get3A_8, %get3A_9] : memref<1600x128xf32, #tpu.memory_space<vmem>>, vector<1600x128xf32>
    %mul3A = arith.mulf %dot_general3A_5, %get3A_10 : vector<1600x128xf32>
    %swap3A_11 = arith.constant 0 : index
    %swap3A_12 = arith.constant 0 : index
    %swap3A_13 = vector.load %arg5[%swap3A_11, %swap3A_12] : memref<1600x128xf32, #tpu.memory_space<vmem>>, vector<1600x128xf32>
    tpu.vector_store %arg5[%swap3A_11, %swap3A_12], %mul3A {strides = array<i32>} : memref<1600x128xf32, #tpu.memory_space<vmem>>, vector<1600x128xf32>,
    return
  }
  func.func @transform_0(%arg0: i32) -> (i32, i32) {
    %c0_i32 = arith.constant 0 : i32
    %c0_i32_0 = arith.constant 0 : i32
    return %arg0, %c0_i32 : i32, i32
  }
  func.func @transform_1(%arg0: i32) -> (i32, i32) {
    %c0_i32 = arith.constant 0 : i32
    %c0_i32_0 = arith.constant 0 : i32
    return %arg0, %c0_i32 : i32, i32
  }
  func.func @transform_2(%arg0: i32) -> (i32, i32) {
    %c0_i32 = arith.constant 0 : i32
    %c0_i32_0 = arith.constant 0 : i32
    %c0_i32_1 = arith.constant 0 : i32
    return %c0_i32, %c0_i32_0 : i32, i32
  }
  func.func @transform_3(%arg0: i32) -> (i32, i32) {
    %c0_i32 = arith.constant 0 : i32
    %c0_i32_0 = arith.constant 0 : i32
    return %arg0, %c0_i32 : i32, i32
  }
  func.func @transform_4(%arg0: i32) -> (i32, i32) {
    %c0_i32 = arith.constant 0 : i32
    %c0_i32_0 = arith.constant 0 : i32
    return %arg0, %c0_i32 : i32, i32
  }
}

module attributes {stable_mosaic.version = 14 : i64} {
  func.func @_mid_body(%arg0: i32, %arg1: memref<2x1600x128xf32, #tpu.memory_space<vmem>>, %arg2: memref<1600x128xf32, #tpu.memory_space<vmem>>, %arg3: memref<4x128x128xf32, #tpu.memory_space<vmem>>, %arg4: memref<512x128xf32, #tpu.memory_space<vmem>>, %arg5: memref<1x128xf32, #tpu.memory_space<vmem>>, %arg6: memref<1600x128xf32, #tpu.memory_space<vmem>>) attributes {dimension_semantics = [#tpu.dimension_semantics<arbitrary>], iteration_bounds = array<i64: 8>, scalar_prefetch = 0 : i64, scratch_operands = 0 : i64, tpu.core_type = #tpu.core_type<tc>, window_params = [{transform_indices = @transform_0, window_bounds = array<i64: 2, 1600, 128>}, {transform_indices = @transform_1, window_bounds = array<i64: 1600, 128>}, {pipeline_mode = #tpu.pipeline_mode<synchronous>, transform_indices = @transform_2, window_bounds = array<i64: 4, 128, 128>}, {pipeline_mode = #tpu.pipeline_mode<synchronous>, transform_indices = @transform_3, window_bounds = array<i64: 512, 128>}, {pipeline_mode = #tpu.pipeline_mode<synchronous>, transform_indices = @transform_4, window_bounds = array<i64: 1, 128>}, {transform_indices = @transform_5, window_bounds = array<i64: 1600, 128>}]} {
    %get3A = arith.constant 0 : index
    %get3A_0 = arith.constant 0 : index
    %get3A_1 = arith.constant 0 : index
    %get3A_2 = vector.load %arg1[%get3A, %get3A_0, %get3A_1] : memref<2x1600x128xf32, #tpu.memory_space<vmem>>, vector<2x1600x128xf32>
    %get3A_3 = arith.constant 0 : index
    %get3A_4 = arith.constant 0 : index
    %get3A_5 = vector.load %arg2[%get3A_3, %get3A_4] : memref<1600x128xf32, #tpu.memory_space<vmem>>, vector<1600x128xf32>
    %slice3A = vector.extract_strided_slice %get3A_2 {offsets = [0, 0, 0], sizes = [1, 1600, 128], strides = [1, 1, 1]} : vector<2x1600x128xf32> to vector<1x1600x128xf32>
    %squeeze3A = vector.shape_cast %slice3A : vector<1x1600x128xf32> to vector<1600x128xf32>
    %slice3A_6 = vector.extract_strided_slice %get3A_2 {offsets = [1, 0, 0], sizes = [1, 1600, 128], strides = [1, 1, 1]} : vector<2x1600x128xf32> to vector<1x1600x128xf32>
    %squeeze3A_7 = vector.shape_cast %slice3A_6 : vector<1x1600x128xf32> to vector<1600x128xf32>
    %add3A = arith.addf %squeeze3A, %squeeze3A_7 : vector<1600x128xf32>
    %mul3A = arith.mulf %get3A_5, %add3A : vector<1600x128xf32>
    %get3A_8 = arith.constant 0 : index
    %get3A_9 = arith.constant 0 : index
    %get3A_10 = arith.constant 0 : index
    %get3A_11 = vector.load %arg3[%get3A_8, %get3A_9, %get3A_10] : memref<4x128x128xf32, #tpu.memory_space<vmem>>, vector<1x128x128xf32>
    %get3A_12 = vector.shape_cast %get3A_11 : vector<1x128x128xf32> to vector<128x128xf32>
    %dot_general3A = arith.constant dense<0.000000e+00> : vector<1600x128xf32>
    %dot_general3A_13 = tpu.matmul %mul3A, %get3A_12, %dot_general3A {dimension_numbers = #tpu.dot_dimension_numbers<[1], [0], [0], [1], [0, 0, 1, 1], [], []>, transpose_lhs_hint = false} : vector<1600x128xf32>, vector<128x128xf32>, vector<1600x128xf32> -> vector<1600x128xf32>
    %get3A_14 = arith.constant 0 : index
    %get3A_15 = arith.constant 0 : index
    %get3A_16 = vector.load %arg5[%get3A_14, %get3A_15] : memref<1x128xf32, #tpu.memory_space<vmem>>, vector<1x128xf32>
    %add3A_17 = vector.broadcast %get3A_16 : vector<1x128xf32> to vector<1600x128xf32>
    %add3A_18 = arith.addf %dot_general3A_13, %add3A_17 : vector<1600x128xf32>
    %max3A = arith.constant 0.000000e+00 : f32
    %max3A_19 = vector.broadcast %max3A : f32 to vector<1600x128xf32>
    %max3A_20 = arith.maximumf %add3A_18, %max3A_19 : vector<1600x128xf32>
    %get3A_21 = arith.constant 1 : index
    %get3A_22 = arith.constant 0 : index
    %get3A_23 = arith.constant 0 : index
    %get3A_24 = vector.load %arg3[%get3A_21, %get3A_22, %get3A_23] : memref<4x128x128xf32, #tpu.memory_space<vmem>>, vector<1x128x128xf32>
    %get3A_25 = vector.shape_cast %get3A_24 : vector<1x128x128xf32> to vector<128x128xf32>
    %dot_general3A_26 = arith.constant dense<0.000000e+00> : vector<1600x128xf32>
    %dot_general3A_27 = tpu.matmul %mul3A, %get3A_25, %dot_general3A_26 {dimension_numbers = #tpu.dot_dimension_numbers<[1], [0], [0], [1], [0, 0, 1, 1], [], []>, transpose_lhs_hint = false} : vector<1600x128xf32>, vector<128x128xf32>, vector<1600x128xf32> -> vector<1600x128xf32>
    %get3A_28 = arith.constant 0 : index
    %get3A_29 = arith.constant 0 : index
    %get3A_30 = vector.load %arg5[%get3A_28, %get3A_29] : memref<1x128xf32, #tpu.memory_space<vmem>>, vector<1x128xf32>
    %add3A_31 = vector.broadcast %get3A_30 : vector<1x128xf32> to vector<1600x128xf32>
    %add3A_32 = arith.addf %dot_general3A_27, %add3A_31 : vector<1600x128xf32>
    %max3A_33 = arith.constant 0.000000e+00 : f32
    %max3A_34 = vector.broadcast %max3A_33 : f32 to vector<1600x128xf32>
    %max3A_35 = arith.maximumf %add3A_32, %max3A_34 : vector<1600x128xf32>
    %get3A_36 = arith.constant 2 : index
    %get3A_37 = arith.constant 0 : index
    %get3A_38 = arith.constant 0 : index
    %get3A_39 = vector.load %arg3[%get3A_36, %get3A_37, %get3A_38] : memref<4x128x128xf32, #tpu.memory_space<vmem>>, vector<1x128x128xf32>
    %get3A_40 = vector.shape_cast %get3A_39 : vector<1x128x128xf32> to vector<128x128xf32>
    %dot_general3A_41 = arith.constant dense<0.000000e+00> : vector<1600x128xf32>
    %dot_general3A_42 = tpu.matmul %mul3A, %get3A_40, %dot_general3A_41 {dimension_numbers = #tpu.dot_dimension_numbers<[1], [0], [0], [1], [0, 0, 1, 1], [], []>, transpose_lhs_hint = false} : vector<1600x128xf32>, vector<128x128xf32>, vector<1600x128xf32> -> vector<1600x128xf32>
    %get3A_43 = arith.constant 0 : index
    %get3A_44 = arith.constant 0 : index
    %get3A_45 = vector.load %arg5[%get3A_43, %get3A_44] : memref<1x128xf32, #tpu.memory_space<vmem>>, vector<1x128xf32>
    %add3A_46 = vector.broadcast %get3A_45 : vector<1x128xf32> to vector<1600x128xf32>
    %add3A_47 = arith.addf %dot_general3A_42, %add3A_46 : vector<1600x128xf32>
    %max3A_48 = arith.constant 0.000000e+00 : f32
    %max3A_49 = vector.broadcast %max3A_48 : f32 to vector<1600x128xf32>
    %max3A_50 = arith.maximumf %add3A_47, %max3A_49 : vector<1600x128xf32>
    %get3A_51 = arith.constant 3 : index
    %get3A_52 = arith.constant 0 : index
    %get3A_53 = arith.constant 0 : index
    %get3A_54 = vector.load %arg3[%get3A_51, %get3A_52, %get3A_53] : memref<4x128x128xf32, #tpu.memory_space<vmem>>, vector<1x128x128xf32>
    %get3A_55 = vector.shape_cast %get3A_54 : vector<1x128x128xf32> to vector<128x128xf32>
    %dot_general3A_56 = arith.constant dense<0.000000e+00> : vector<1600x128xf32>
    %dot_general3A_57 = tpu.matmul %mul3A, %get3A_55, %dot_general3A_56 {dimension_numbers = #tpu.dot_dimension_numbers<[1], [0], [0], [1], [0, 0, 1, 1], [], []>, transpose_lhs_hint = false} : vector<1600x128xf32>, vector<128x128xf32>, vector<1600x128xf32> -> vector<1600x128xf32>
    %get3A_58 = arith.constant 0 : index
    %get3A_59 = arith.constant 0 : index
    %get3A_60 = vector.load %arg5[%get3A_58, %get3A_59] : memref<1x128xf32, #tpu.memory_space<vmem>>, vector<1x128xf32>
    %add3A_61 = vector.broadcast %get3A_60 : vector<1x128xf32> to vector<1600x128xf32>
    %add3A_62 = arith.addf %dot_general3A_57, %add3A_61 : vector<1600x128xf32>
    %max3A_63 = arith.constant 0.000000e+00 : f32
    %max3A_64 = vector.broadcast %max3A_63 : f32 to vector<1600x128xf32>
    %max3A_65 = arith.maximumf %add3A_62, %max3A_64 : vector<1600x128xf32>
    %concatenate3A = tpu.concatenate %max3A_20, %max3A_35, %max3A_50, %max3A_65 in 1 : vector<1600x128xf32>, vector<1600x128xf32>, vector<1600x128xf32>, vector<1600x128xf32> -> vector<1600x512xf32>
    %get3A_66 = arith.constant 0 : index
    %get3A_67 = arith.constant 0 : index
    %get3A_68 = vector.load %arg4[%get3A_66, %get3A_67] : memref<512x128xf32, #tpu.memory_space<vmem>>, vector<512x128xf32>
    %dot_general3A_69 = arith.constant dense<0.000000e+00> : vector<1600x128xf32>
    %dot_general3A_70 = tpu.matmul %concatenate3A, %get3A_68, %dot_general3A_69 {dimension_numbers = #tpu.dot_dimension_numbers<[1], [0], [0], [1], [0, 0, 1, 1], [], []>, transpose_lhs_hint = false} : vector<1600x512xf32>, vector<512x128xf32>, vector<1600x128xf32> -> vector<1600x128xf32>
    %get3A_71 = arith.constant 0 : index
    %get3A_72 = arith.constant 0 : index
    %get3A_73 = vector.load %arg2[%get3A_71, %get3A_72] : memref<1600x128xf32, #tpu.memory_space<vmem>>, vector<1600x128xf32>
    %mul3A_74 = arith.mulf %get3A_73, %dot_general3A_70 : vector<1600x128xf32>
    %swap3A = arith.constant 0 : index
    %swap3A_75 = arith.constant 0 : index
    %swap3A_76 = vector.load %arg6[%swap3A, %swap3A_75] : memref<1600x128xf32, #tpu.memory_space<vmem>>, vector<1600x128xf32>
    tpu.vector_store %arg6[%swap3A, %swap3A_75], %mul3A_74 {strides = array<i32>} : memref<1600x128xf32, #tpu.memory_space<vmem>>, vector<1600x128xf32>,
    return
  }
  func.func @transform_0(%arg0: i32) -> (i32, i32, i32) {
    %c0_i32 = arith.constant 0 : i32
    %c0_i32_0 = arith.constant 0 : i32
    %c0_i32_1 = arith.constant 0 : i32
    return %c0_i32, %arg0, %c0_i32_0 : i32, i32, i32
  }
  func.func @transform_1(%arg0: i32) -> (i32, i32) {
    %c0_i32 = arith.constant 0 : i32
    %c0_i32_0 = arith.constant 0 : i32
    return %arg0, %c0_i32 : i32, i32
  }
  func.func @transform_2(%arg0: i32) -> (i32, i32, i32) {
    %c0_i32 = arith.constant 0 : i32
    %c0_i32_0 = arith.constant 0 : i32
    %c0_i32_1 = arith.constant 0 : i32
    %c0_i32_2 = arith.constant 0 : i32
    return %c0_i32, %c0_i32_0, %c0_i32_1 : i32, i32, i32
  }
  func.func @transform_3(%arg0: i32) -> (i32, i32) {
    %c0_i32 = arith.constant 0 : i32
    %c0_i32_0 = arith.constant 0 : i32
    %c0_i32_1 = arith.constant 0 : i32
    return %c0_i32, %c0_i32_0 : i32, i32
  }
  func.func @transform_4(%arg0: i32) -> (i32, i32) {
    %c0_i32 = arith.constant 0 : i32
    %c0_i32_0 = arith.constant 0 : i32
    %c0_i32_1 = arith.constant 0 : i32
    return %c0_i32, %c0_i32_0 : i32, i32
  }
  func.func @transform_5(%arg0: i32) -> (i32, i32) {
    %c0_i32 = arith.constant 0 : i32
    %c0_i32_0 = arith.constant 0 : i32
    return %arg0, %c0_i32 : i32, i32
  }
}

module attributes {stable_mosaic.version = 14 : i64} {
  func.func @_final_body(%arg0: i32, %arg1: memref<2x800x128xf32, #tpu.memory_space<vmem>>, %arg2: memref<800x16xf32, #tpu.memory_space<vmem>>, %arg3: memref<16x128xf32, #tpu.memory_space<vmem>>, %arg4: memref<128x32xf32, #tpu.memory_space<vmem>>, %arg5: memref<1x32xf32, #tpu.memory_space<vmem>>, %arg6: memref<800x32xf32, #tpu.memory_space<vmem>>) attributes {dimension_semantics = [#tpu.dimension_semantics<arbitrary>], iteration_bounds = array<i64: 8>, scalar_prefetch = 0 : i64, scratch_operands = 0 : i64, tpu.core_type = #tpu.core_type<tc>, window_params = [{transform_indices = @transform_0, window_bounds = array<i64: 2, 800, 128>}, {transform_indices = @transform_1, window_bounds = array<i64: 800, 16>}, {pipeline_mode = #tpu.pipeline_mode<synchronous>, transform_indices = @transform_2, window_bounds = array<i64: 16, 128>}, {pipeline_mode = #tpu.pipeline_mode<synchronous>, transform_indices = @transform_3, window_bounds = array<i64: 128, 32>}, {pipeline_mode = #tpu.pipeline_mode<synchronous>, transform_indices = @transform_4, window_bounds = array<i64: 1, 32>}, {transform_indices = @transform_5, window_bounds = array<i64: 800, 32>}]} {
    %get3A = arith.constant 0 : index
    %get3A_0 = arith.constant 0 : index
    %get3A_1 = arith.constant 0 : index
    %get3A_2 = vector.load %arg1[%get3A, %get3A_0, %get3A_1] : memref<2x800x128xf32, #tpu.memory_space<vmem>>, vector<2x800x128xf32>
    %get3A_3 = arith.constant 0 : index
    %get3A_4 = arith.constant 0 : index
    %get3A_5 = vector.load %arg2[%get3A_3, %get3A_4] : memref<800x16xf32, #tpu.memory_space<vmem>>, vector<800x16xf32>
    %get3A_6 = arith.constant 0 : index
    %get3A_7 = arith.constant 0 : index
    %get3A_8 = vector.load %arg3[%get3A_6, %get3A_7] : memref<16x128xf32, #tpu.memory_space<vmem>>, vector<16x128xf32>
    %dot_general3A = arith.constant dense<0.000000e+00> : vector<800x128xf32>
    %dot_general3A_9 = tpu.matmul %get3A_5, %get3A_8, %dot_general3A {dimension_numbers = #tpu.dot_dimension_numbers<[1], [0], [0], [1], [0, 0, 1, 1], [], []>, transpose_lhs_hint = false} : vector<800x16xf32>, vector<16x128xf32>, vector<800x128xf32> -> vector<800x128xf32>
    %slice3A = vector.extract_strided_slice %get3A_2 {offsets = [0, 0, 0], sizes = [1, 800, 128], strides = [1, 1, 1]} : vector<2x800x128xf32> to vector<1x800x128xf32>
    %squeeze3A = vector.shape_cast %slice3A : vector<1x800x128xf32> to vector<800x128xf32>
    %slice3A_10 = vector.extract_strided_slice %get3A_2 {offsets = [1, 0, 0], sizes = [1, 800, 128], strides = [1, 1, 1]} : vector<2x800x128xf32> to vector<1x800x128xf32>
    %squeeze3A_11 = vector.shape_cast %slice3A_10 : vector<1x800x128xf32> to vector<800x128xf32>
    %add3A = arith.addf %squeeze3A, %squeeze3A_11 : vector<800x128xf32>
    %mul3A = arith.mulf %dot_general3A_9, %add3A : vector<800x128xf32>
    %get3A_12 = arith.constant 0 : index
    %get3A_13 = arith.constant 0 : index
    %get3A_14 = vector.load %arg4[%get3A_12, %get3A_13] : memref<128x32xf32, #tpu.memory_space<vmem>>, vector<128x32xf32>
    %dot_general3A_15 = arith.constant dense<0.000000e+00> : vector<800x32xf32>
    %dot_general3A_16 = tpu.matmul %mul3A, %get3A_14, %dot_general3A_15 {dimension_numbers = #tpu.dot_dimension_numbers<[1], [0], [0], [1], [0, 0, 1, 1], [], []>, transpose_lhs_hint = false} : vector<800x128xf32>, vector<128x32xf32>, vector<800x32xf32> -> vector<800x32xf32>
    %get3A_17 = arith.constant 0 : index
    %get3A_18 = arith.constant 0 : index
    %get3A_19 = vector.load %arg5[%get3A_17, %get3A_18] : memref<1x32xf32, #tpu.memory_space<vmem>>, vector<1x32xf32>
    %add3A_20 = vector.broadcast %get3A_19 : vector<1x32xf32> to vector<800x32xf32>
    %add3A_21 = arith.addf %dot_general3A_16, %add3A_20 : vector<800x32xf32>
    %swap3A = arith.constant 0 : index
    %swap3A_22 = arith.constant 0 : index
    %swap3A_23 = vector.load %arg6[%swap3A, %swap3A_22] : memref<800x32xf32, #tpu.memory_space<vmem>>, vector<800x32xf32>
    tpu.vector_store %arg6[%swap3A, %swap3A_22], %add3A_21 {strides = array<i32>} : memref<800x32xf32, #tpu.memory_space<vmem>>, vector<800x32xf32>,
    return
  }
  func.func @transform_0(%arg0: i32) -> (i32, i32, i32) {
    %c0_i32 = arith.constant 0 : i32
    %c0_i32_0 = arith.constant 0 : i32
    %c0_i32_1 = arith.constant 0 : i32
    return %c0_i32, %arg0, %c0_i32_0 : i32, i32, i32
  }
  func.func @transform_1(%arg0: i32) -> (i32, i32) {
    %c0_i32 = arith.constant 0 : i32
    %c0_i32_0 = arith.constant 0 : i32
    return %arg0, %c0_i32 : i32, i32
  }
  func.func @transform_2(%arg0: i32) -> (i32, i32) {
    %c0_i32 = arith.constant 0 : i32
    %c0_i32_0 = arith.constant 0 : i32
    %c0_i32_1 = arith.constant 0 : i32
    return %c0_i32, %c0_i32_0 : i32, i32
  }
  func.func @transform_3(%arg0: i32) -> (i32, i32) {
    %c0_i32 = arith.constant 0 : i32
    %c0_i32_0 = arith.constant 0 : i32
    %c0_i32_1 = arith.constant 0 : i32
    return %c0_i32, %c0_i32_0 : i32, i32
  }
  func.func @transform_4(%arg0: i32) -> (i32, i32) {
    %c0_i32 = arith.constant 0 : i32
    %c0_i32_0 = arith.constant 0 : i32
    %c0_i32_1 = arith.constant 0 : i32
    return %c0_i32, %c0_i32_0 : i32, i32
  }
  func.func @transform_5(%arg0: i32) -> (i32, i32) {
    %c0_i32 = arith.constant 0 : i32
    %c0_i32_0 = arith.constant 0 : i32
    return %arg0, %c0_i32 : i32, i32
  }
}

</mosaic_0001>

<sc_bundles>
// kernel: kernel.12.cloned.1.call-start
scs
__scs_entry_jumppad:
0x0: {  	(pc) =	sbr.rel $0x88, $3  }
0x1: {  	(tag) =	ssettag $0x0;
	lr =	simm.s32 $0x1  }
0x2: {  	[smem:$0x3F9B] =	sst lr;
	_ =	strace $0xD0000000  }
0x3: {  	_ = 	snop  }
0x4: {  	_ = 	snop  }
0x5: {  	_ = 	snop  }
0x6: {  	_ = 	snop  }
0x7: {  	_ = 	snop  }
__scs_overlays_trampoline_lowered:
0x8: {  	[smem:$0x3FAA] =	sst s0  }
0x9: {  	[smem:$0x3FAB] =	sst s1  }
0xa: {  	[smem:$0x3FAC] =	sst s2  }
0xb: {  	[smem:$0x3FAD] =	sst s3  }
0xc: {  	[smem:$0x3FAE] =	sst s4  }
0xd: {  	[smem:$0x3FAF] =	sst s5  }
0xe: {  	[smem:$0x3FB0] =	sst s6  }
0xf: {  	[smem:$0x3FB1] =	sst s7  }
0x10: {  	[smem:$0x3FB2] =	sst s8  }
0x11: {  	[smem:$0x3FB3] =	sst s9;
	s0 =	simm.s32 @!p0 $0x0  }
0x12: {  	s1 =	sld [smem:$0x3F99];
	s0 =	simm.s32 @p0 $0x1  }
0x13: {  	[smem:$0x3FB4] =	sst s0;
	s0 =	simm.s32 @!p1 $0x0  }
0x14: {  	s2 =	sld [smem:$0x3F98];
	s0 =	simm.s32 @p1 $0x1  }
0x15: {  	[smem:$0x3FB5] =	sst s0;
	s0 =	simm.s32 @!p2 $0x0  }
0x16: {  	s3 =	sld [smem:$0x3FDB];
	s0 =	simm.s32 @p2 $0x1  }
0x17: {  	s4 =	simm.s32 $0x1BF5;
	[smem:$0x3FB7] =	sst s0  }
0x18: {  	s0 =	sld [smem:$0x3F9A];
	_ =	swait.ge [sflag:s4], $0x0  }
0x19: {  	s7 =	sld [smem:$0x3F9B]  }
0x1a: {  	s8 =	sadd.s32 $0xFFFFE003, lr  }
0x1b: {  	s9 =	sadd.s32 $0xFFFFFEF7, lr;
	s5 =	simm.s32 $0xFFFFFFFF;
	p2 =	slt.u32 s8, $0xFFFFF086  }
0x1c: {  	p1 =	slt.u32 s9, $0xF7A;
	s5 =	simm.s32 @!p2 $0x0  }
0x1d: {  	s5 =	simm.s32 @p1 $0x1;
	p0 =	seq.s32 s7, s2  }
0x1e: {  	s7 =	smul.u32 @!p0 $0xF7A, s2;
	p2 =	seq.s32 @!p0 s5, $0x0  }
0x1f: {  	s9 =	smul.u32 $0xF7A, s1;
	s8 =	simm.s32 @!p0 $0x1BF5;
	p2 =	por !p2, p0  }
0x20: {  	[sflag:s8] =	ssyncset.s32 @!p0 $0xFFFFF086;
	s6 =	sadd.s32 @!p0 s3, s7;
	s7 =	simm.s32 @!p0 $0x108  }
0x21: {  	s3 =	sadd.s32 s3, s9;
	s6 =	sadd.s32 @!p0 $0x88, s6;
	s7 =	simm.s32 @p2 $0x1082  }
0x22: {  	[simem:s7], [sflag:s8] =	dma.local @!p0 [hbm:s6], $0xF7A  }
0x23: {  	s9 =	sor.u32 $0xD0000000, s2;
	s6 =	simm.s32 $0x108;
	_ =	swait.ge @!p0 [sflag:s8], $0x0  }
0x24: {  	s3 =	sadd.s32 $0x88, s3;
	s6 =	simm.s32 @!p1 $0x1082;
	[sflag:s4] =	ssyncset.s32 $0xFFFFF086  }
0x25: {  	[simem:s6], [sflag:s4] =	dma.local [hbm:s3], $0xF7A  }
0x26: {  	[smem:$0x3F9B] =	sst s1;
	(tag) =	ssettag s2;
	_ =	strace s9  }
0x27: {  	s1 =	sld [smem:$0x3FAB]  }
0x28: {  	s2 =	sld [smem:$0x3FAC]  }
0x29: {  	s4 =	sld [smem:$0x3FAE]  }
0x2a: {  	p0 =	seq.s32 s5, $0x0;
	s5 =	sld [smem:$0x3FAF]  }
0x2b: {  	s6 =	sld [smem:$0x3FB0]  }
0x2c: {  	s7 =	sld [smem:$0x3FB1]  }
0x2d: {  	s3 =	simm.s32 $0x108;
	s8 =	sld [smem:$0x3FB2]  }
0x2e: {  	s3 =	simm.s32 @!p0 $0x1082;
	s9 =	sld [smem:$0x3FB3]  }
0x2f: {  	lr =	sadd.s32 s0, s3;
	s0 =	sld [smem:$0x3FAA]  }
0x30: {  	s3 =	sld [smem:$0x3FAD]  }
0x31: {  	[smem:$0x3FB6] =	sst s10  }
0x32: {  	s10 =	sld [smem:$0x3FB4];
	_ =	sdelay $0x3  }
0x33: {  	p0 =	seq.s32 s10, $0x1;
	s10 =	sld [smem:$0x3FB6];
	_ =	sdelay $0x3  }
0x34: {  	[smem:$0x3FB6] =	sst s10  }
0x35: {  	s10 =	sld [smem:$0x3FB5];
	_ =	sdelay $0x3  }
0x36: {  	p1 =	seq.s32 s10, $0x1;
	s10 =	sld [smem:$0x3FB6];
	_ =	sdelay $0x3  }
0x37: {  	[smem:$0x3FB6] =	sst s10  }
0x38: {  	s10 =	sld [smem:$0x3FB7]  }
0x39: {  	_ = 	snop;
	(pc) =	sbr.ind lr, $3  }
0x3a: {  	_ = 	snop  }
0x3b: {  	_ = 	snop  }
0x3c: {  	p2 =	seq.s32 s10, $0x1;
	s10 =	sld [smem:$0x3FB6]  }
0x3d: {  	_ =	shalt  }
0x3e: {  	_ =	shalt  }
0x3f: {  	_ =	shalt  }
0x40: {  	_ =	shalt  }
0x41: {  	_ =	shalt  }
0x42: {  	_ =	shalt  }
0x43: {  	_ =	shalt  }
0x44: {  	_ =	shalt  }
0x45: {  	_ =	shalt  }
0x46: {  	_ =	shalt  }
0x47: {  	_ =	shalt  }
0x48: {  	_ =	shalt  }
0x49: {  	_ =	shalt  }
0x4a: {  	_ =	shalt  }
0x4b: {  	_ =	shalt  }
0x4c: {  	_ =	shalt  }
0x4d: {  	_ =	shalt  }
0x4e: {  	_ =	shalt  }
0x4f: {  	_ =	shalt  }
0x50: {  	_ =	shalt  }
0x51: {  	_ =	shalt  }
0x52: {  	_ =	shalt  }
0x53: {  	_ =	shalt  }
0x54: {  	_ =	shalt  }
0x55: {  	_ =	shalt  }
0x56: {  	_ =	shalt  }
0x57: {  	_ =	shalt  }
0x58: {  	_ =	shalt  }
0x59: {  	_ =	shalt  }
0x5a: {  	_ =	shalt  }
0x5b: {  	_ =	shalt  }
0x5c: {  	_ =	shalt  }
0x5d: {  	_ =	shalt  }
0x5e: {  	_ =	shalt  }
0x5f: {  	_ =	shalt  }
0x60: {  	_ =	shalt  }
0x61: {  	_ =	shalt  }
0x62: {  	_ =	shalt  }
0x63: {  	_ =	shalt  }
0x64: {  	_ =	shalt  }
0x65: {  	_ =	shalt  }
0x66: {  	_ =	shalt  }
0x67: {  	_ =	shalt  }
0x68: {  	_ =	shalt  }
0x69: {  	_ =	shalt  }
0x6a: {  	_ =	shalt  }
0x6b: {  	_ =	shalt  }
0x6c: {  	_ =	shalt  }
0x6d: {  	_ =	shalt  }
0x6e: {  	_ =	shalt  }
0x6f: {  	_ =	shalt  }
0x70: {  	_ =	shalt  }
0x71: {  	_ =	shalt  }
0x72: {  	_ =	shalt  }
0x73: {  	_ =	shalt  }
0x74: {  	_ =	shalt  }
0x75: {  	_ =	shalt  }
0x76: {  	_ =	shalt  }
0x77: {  	_ =	shalt  }
0x78: {  	_ =	shalt  }
0x79: {  	_ =	shalt  }
0x7a: {  	_ =	shalt  }
0x7b: {  	_ =	shalt  }
0x7c: {  	_ =	shalt  }
0x7d: {  	_ =	shalt  }
0x7e: {  	_ =	shalt  }
0x7f: {  	_ =	shalt  }
0x80: {  	_ =	shalt  }
0x81: {  	_ =	shalt  }
0x82: {  	_ =	shalt  }
0x83: {  	_ =	shalt  }
0x84: {  	_ =	shalt  }
0x85: {  	_ =	shalt  }
0x86: {  	_ =	shalt  }
0x87: {  	_ =	shalt  }
.Lfunc_end0:
.L_simem_size_0:
called_computation.1_lowered:
.L_overlay_start_0:
0x88: {  	s2 =	sld [smem:$0x3FD9]  }
0x89: {  	s3 =	sld [smem:$0x3FFE];
	_ =	sdelay $0x1  }
0x8a: {  	s1 =	srdreg.scid  }
0x8b: {  	s0 =	sand.u32 $0x1, s1  }
0x8c: {  	s17 =	sshll.u32 s0, $0xA;
	s2 =	sadd.s32 s3, s2  }
0x8d: {  	s2 =	sadd.s32 s2, s17  }
0x8e: {  	[smem:$0x3FC2] =	sst s2  }
0x8f: {  	_ = 	snop  }
0x90: {  	s2 =	sld [smem:$0x3FD0];
	(tm) =	ssettm $0x1  }
0x91: {  	s18 =	sld [smem:$0x3FFB];
	_ =	sdelay $0x3  }
0x92: {  	_ =	strace s18  }
0x93: {  	s3 =	sld [smem:$0x3FFC];
	_ =	sdelay $0x3  }
0x94: {  	_ =	strace s3  }
0x95: {  	s3 =	sld [smem:$0x3FFD];
	_ =	sdelay $0x3  }
0x96: {  	_ =	strace s3  }
0x97: {  	_ =	strace $0x8FFFFFFF  }
0x98: {  	s19 =	sld [smem:$0x3FDB];
	_ =	sdelay $0x1  }
0x99: {  	s4 =	simm.s32 $_scs_section_size  }
0x9a: {  	s5 =	simm.s32 $_size__tile_overlayer_lowered;
	s6 =	simm.s32 $_tile_overlayer_lowered  }
0x9b: {  	s22 =	simm.s32 $0x1BFF;
	s21 =	sshll.u32 s6, $0x1;
	s3 =	sadd.s32 s4, s19  }
0x9c: {  	s7 =	simm.s32 $0x0;
	s20 =	sshll.u32 s5, $0x1;
	s5 =	sadd.s32 s21, s3  }
0x9d: {  	[timem:s7], [sflag:s22] =	dma.local [hbm:s5], s20  }
0x9e: {  	_ =	swait.ge [sflag:s22], s20  }
0x9f: {  	s4 =	ssub.s32 $0x0, s20;
	[sflag:s22] =	ssyncset.done $0x0  }
0xa0: {  	[sflag:s22] =	ssyncadd.s32 s4;
	_ =	sdelay $0x1  }
0xa1: {  	s23 =	simm.s32 $0x1B8B  }
0xa2: {  	_ =	swait.ge [sflag:s23], $0x1  }
0xa3: {  	[sflag:s23] =	ssyncset.done $0x0  }
0xa4: {  	s25 =	simm.s32 $0x1B8E;
	s24 =	sld [smem:$0x3FFE];
	[sflag:s23] =	ssyncadd.s32 $0xFFFFFFFF  }
0xa5: {  	s26 =	simm.s32 $execute0_lowered;
	[smem:$0x3FD2] =	sst s25  }
0xa6: {  	s5 =	sshll.u32 s26, $0x1;
	_ =	strace $0x80000049;
	[dreg:$0x1] =	wrdreg $0xFFFFFFFF  }
0xa7: {  	s28 =	simm.s32 $_size_execute0_lowered;
	s3 =	sadd.s32 s3, s5;
	[dreg:$0x0] =	wrdreg $0x0  }
0xa8: {  	s5 =	sshll.u32 s28, $0x1;
	[dreg:$0x2] =	wrdreg s3  }
0xa9: {  	[dreg:$0x3] =	wrdreg s5  }
0xaa: {  	[dreg:$0x4] =	wrdreg $0xC0  }
0xab: {  	_ =	task [dreg:s7], $0x5FFFF  }
0xac: {  	[dreg:$0x1] =	wrdreg $0xFFFFFFFF  }
0xad: {  	[dreg:$0x0] =	wrdreg $0x60  }
0xae: {  	[dreg:$0x2] =	wrdreg s24  }
0xaf: {  	[dreg:$0x3] =	wrdreg s2  }
0xb0: {  	[dreg:$0x4] =	wrdreg $0x48000  }
0xb1: {  	[dreg:$0x5] =	wrdreg $0x9  }
0xb2: {  	_ =	task.clear_ibuf [dreg:s7], $0x6FFFF;
	_ =	strace $0x90000049  }
0xb3: {  	s29 =	simm.s32 $0x9;
	_ =	strace $0x8000004B  }
0xb4: {  	_ =	swait.ge [sflag:s29], $0x1  }
0xb5: {  	[sflag:s29] =	ssyncadd.s32 $0xFFFFFFFF  }
0xb6: {  	_ =	strace $0x9000004B  }
0xb7: {  	_ =	sfence  }
0xb8: {  	s30 =	sld [smem:$0x0];
	_ =	sdelay $0x2  }
0xb9: {  	s31 =	sshll.u32 s1, $0xD;
	s1 =	sshrl.u32 s1, $0x2  }
0xba: {  	s3 =	sand.u32 $0x4000, s31;
	s1 =	sadd.s32 s1, s30  }
0xbb: {  	s0 =	sor.u32 s3, s0;
	s1 =	sshll.u32 s1, $0x11  }
0xbc: {  	s0 =	sor.u32 s1, s0  }
0xbd: {  	s0 =	sadd.s32 $0x8F2B, s0  }
0xbe: {  	[sflag:s0] =	ssyncadd.remote.s32 $0x1  }
0xbf: {  	_ =	sfence.sel $0xFFFF  }
0xc0: {  	[dreg:$0x0] =	wrdreg $0xFFFFFFFF;
	(pc) =	sbr.abs _section_cstart, $3  }
0xc1: {  	[dreg:$0x1] =	wrdreg $0xFFFFFFFF  }
0xc2: {  	_ =	task.clear_ibuf [dreg:s7], $0x2FFFF;
	_ =	strace $0x9FFFFFFF  }
0xc3: {  	(tm) =	ssettm $0x7FFFFFFF  }
tec
execute0_lowered:
.L_overlay_start_1:
0x0: {  	(tag) =	ssettag $0x1  }
0x1: {  	s0 =	rddreg [dreg:$0x0]  }
0x2: {  	s2 =	rddreg [dreg:$0x2];
	s3 =	simm.s32 $0x0  }
0x3: {  	s1 =	srdreg.scid;
	s12 =	stileid.u32;
	s29 =	simm.s32 $0x800  }
0x4: {  	s30 =	simm.s32 $0x3;
	s31 =	simm.s32 $0x2;
	[smem:$0x7FF] =	sst s3  }
0x5: {  	s1 =	sand.u32 $0x1, s1;
	s6 =	sadd.s32 $0x102600, s0;
	s11 =	smul.u32 $0x64000, s12  }
0x6: {  	s8 =	sadd.s32 $0x9D600, s0;
	s5 =	sadd.s32 $0x65200, s0;
	s19 =	smul.u32 $0x19400, s12  }
0x7: {  	s26 =	smul.u32 $0x3200, s12;
	_ =	strace $0x8000004A;
	s9 =	ssub.s32 $0x2, s1  }
0x8: {  	s4 =	sshll.u32 s1, $0x4;
	s7 =	smul.u32 $0x32000, s1;
	s10 =	sshrl.u32 s9, $0x1  }
0x9: {  	s1 =	smul.u32 $0x194000, s1;
	s17 =	sshrl.u32 s11, $0x2;
	s15 =	ssub.s32 s9, s10  }
0xa: {  	s0 =	sadd.s32 s7, s0;
	s9 =	sadd.s32 s17, s2;
	s7 =	smax.u32 s15, $0x1  }
0xb: {  	s4 =	sor.u32 s12, s4;
	s18 =	sadd.s32 $0x3200, s9;
	[dreg:$0x6] =	wrdreg s7  }
0xc: {  	s4 =	smul.u32 $0x3280, s4;
	s20 =	sadd.s32 $0x4B00, s9;
	[dreg:$0x8] =	wrdreg s18  }
0xd: {  	s1 =	sadd.s32 s19, s1;
	s21 =	sadd.s32 $0x6400, s9;
	[dreg:$0x9] =	wrdreg s20  }
0xe: {  	s0 =	sadd.s32 $0x167600, s0;
	s22 =	sadd.s32 $0x7D00, s9;
	[dreg:$0xa] =	wrdreg s21  }
0xf: {  	s23 =	sadd.s32 $0x9600, s9;
	s24 =	sadd.s32 $0xAF00, s9;
	[dreg:$0xb] =	wrdreg s22  }
0x10: {  	s25 =	sadd.s32 $0xC800, s9;
	s1 =	sor.u32 $0x200, s1;
	[dreg:$0xc] =	wrdreg s23  }
0x11: {  	s19 =	sadd.s32 $0xFA00, s9;
	s28 =	sadd.s32 $0x17700, s9;
	[dreg:$0xd] =	wrdreg s24  }
0x12: {  	s16 =	sadd.s32 s6, s4;
	s4 =	sadd.s32 s8, s4;
	[dreg:$0xe] =	wrdreg s25  }
0x13: {  	s18 =	sadd.s32 $0xE100, s9;
	s1 =	sshrl.u32 s1, $0x3;
	s20 =	sadd.s32 $0x11300, s9  }
0x14: {  	s23 =	sadd.s32 $0x12C00, s9;
	s24 =	sadd.s32 s0, s26;
	s25 =	sadd.s32 $0x14500, s9  }
0x15: {  	s26 =	sadd.s32 $0x15E00, s9;
	s0 =	simm.s32 $0x80;
	[dreg:$0x4] =	wrdreg s16  }
0x16: {  	[dreg:$0x5] =	wrdreg s4;
	s4 =	sadd.s32 $0x1900, s9;
	s21 =	sadd.s32 s1, s8  }
0x17: {  	s22 =	sadd.s32 s1, s6;
	[dreg:$0x7] =	wrdreg s4;
	s4 =	simm.s32 $0x0  }
.LBB2_1:
0x18: {  	s1 =	rddreg [dreg:$0x1]  }
0x19: {  	[tilespmem:s29], [sflag:$0x3] =	stream.linear.gather [hbm4b:s1+s3], $0x1900, $0x38;
	[tilespmem:$0x1D800] =	vst v63  }
0x1a: {  	_ =	swait.ge [sflag:s30], $0x1900  }
0x1b: {  	[sflag:s30] =	ssyncset.done $0x0  }
0x1c: {  	[sflag:s30] =	ssyncadd.s32 $0xFFFFE700  }
0x1d: {  	[spmem:s9] =	stream.linear.scatter [tilespmem:s29], [sflag:$0x3], $0x1900, $0x38;
	[tilespmem:$0x1D800] =	vst v63  }
0x1e: {  	_ =	swait.ge [sflag:s30], $0x1900  }
0x1f: {  	[sflag:s30] =	ssyncset.done $0x0  }
0x20: {  	s7 =	rddreg [dreg:$0x7];
	[sflag:s30] =	ssyncadd.s32 $0xFFFFE700  }
0x21: {  	[spmem:s7] =	stream.linear.scatter [tilespmem:s29], [sflag:$0x3], $0x1900, $0x38;
	[tilespmem:$0x1D800] =	vst v63  }
0x22: {  	_ =	swait.ge [sflag:s30], $0x1900  }
0x23: {  	[sflag:s30] =	ssyncset.done $0x0  }
0x24: {  	s8 =	rddreg [dreg:$0x8];
	[sflag:s30] =	ssyncadd.s32 $0xFFFFE700  }
0x25: {  	[spmem:s8] =	stream.linear.scatter [tilespmem:s29], [sflag:$0x3], $0x1900, $0x38;
	[tilespmem:$0x1D800] =	vst v63  }
0x26: {  	_ =	swait.ge [sflag:s30], $0x1900  }
0x27: {  	[sflag:s30] =	ssyncset.done $0x0  }
0x28: {  	s10 =	rddreg [dreg:$0x9];
	[sflag:s30] =	ssyncadd.s32 $0xFFFFE700  }
0x29: {  	[spmem:s10] =	stream.linear.scatter [tilespmem:s29], [sflag:$0x3], $0x1900, $0x38;
	[tilespmem:$0x1D800] =	vst v63  }
0x2a: {  	_ =	swait.ge [sflag:s30], $0x1900  }
0x2b: {  	[sflag:s30] =	ssyncset.done $0x0  }
0x2c: {  	s11 =	rddreg [dreg:$0xa];
	[sflag:s30] =	ssyncadd.s32 $0xFFFFE700  }
0x2d: {  	[spmem:s11] =	stream.linear.scatter [tilespmem:s29], [sflag:$0x3], $0x1900, $0x38;
	[tilespmem:$0x1D800] =	vst v63  }
0x2e: {  	_ =	swait.ge [sflag:s30], $0x1900  }
0x2f: {  	[sflag:s30] =	ssyncset.done $0x0  }
0x30: {  	s12 =	rddreg [dreg:$0xb];
	[sflag:s30] =	ssyncadd.s32 $0xFFFFE700  }
0x31: {  	[spmem:s12] =	stream.linear.scatter [tilespmem:s29], [sflag:$0x3], $0x1900, $0x38;
	[tilespmem:$0x1D800] =	vst v63  }
0x32: {  	_ =	swait.ge [sflag:s30], $0x1900  }
0x33: {  	[sflag:s30] =	ssyncset.done $0x0  }
0x34: {  	s13 =	rddreg [dreg:$0xc];
	[sflag:s30] =	ssyncadd.s32 $0xFFFFE700  }
0x35: {  	[spmem:s13] =	stream.linear.scatter [tilespmem:s29], [sflag:$0x3], $0x1900, $0x38;
	[tilespmem:$0x1D800] =	vst v63  }
0x36: {  	_ =	swait.ge [sflag:s30], $0x1900  }
0x37: {  	[sflag:s30] =	ssyncset.done $0x0  }
0x38: {  	s14 =	rddreg [dreg:$0xd];
	[sflag:s30] =	ssyncadd.s32 $0xFFFFE700  }
0x39: {  	[spmem:s14] =	stream.linear.scatter [tilespmem:s29], [sflag:$0x3], $0x1900, $0x38;
	[tilespmem:$0x1D800] =	vst v63  }
0x3a: {  	_ =	swait.ge [sflag:s30], $0x1900  }
0x3b: {  	[sflag:s30] =	ssyncset.done $0x0  }
0x3c: {  	s15 =	rddreg [dreg:$0xe];
	[sflag:s30] =	ssyncadd.s32 $0xFFFFE700  }
0x3d: {  	[spmem:s15] =	stream.linear.scatter [tilespmem:s29], [sflag:$0x3], $0x1900, $0x38;
	[tilespmem:$0x1D800] =	vst v63  }
0x3e: {  	_ =	swait.ge [sflag:s30], $0x1900  }
0x3f: {  	[sflag:s30] =	ssyncset.done $0x0  }
0x40: {  	[sflag:s30] =	ssyncadd.s32 $0xFFFFE700  }
0x41: {  	[spmem:s18] =	stream.linear.scatter [tilespmem:s29], [sflag:$0x3], $0x1900, $0x38;
	[tilespmem:$0x1D800] =	vst v63  }
0x42: {  	_ =	swait.ge [sflag:s30], $0x1900  }
0x43: {  	[sflag:s30] =	ssyncset.done $0x0  }
0x44: {  	[sflag:s30] =	ssyncadd.s32 $0xFFFFE700  }
0x45: {  	[spmem:s19] =	stream.linear.scatter [tilespmem:s29], [sflag:$0x3], $0x1900, $0x38;
	[tilespmem:$0x1D800] =	vst v63  }
0x46: {  	_ =	swait.ge [sflag:s30], $0x1900  }
0x47: {  	[sflag:s30] =	ssyncset.done $0x0  }
0x48: {  	[sflag:s30] =	ssyncadd.s32 $0xFFFFE700  }
0x49: {  	[spmem:s20] =	stream.linear.scatter [tilespmem:s29], [sflag:$0x3], $0x1900, $0x38;
	[tilespmem:$0x1D800] =	vst v63  }
0x4a: {  	_ =	swait.ge [sflag:s30], $0x1900  }
0x4b: {  	[sflag:s30] =	ssyncset.done $0x0  }
0x4c: {  	[sflag:s30] =	ssyncadd.s32 $0xFFFFE700  }
0x4d: {  	[spmem:s23] =	stream.linear.scatter [tilespmem:s29], [sflag:$0x3], $0x1900, $0x38;
	[tilespmem:$0x1D800] =	vst v63  }
0x4e: {  	_ =	swait.ge [sflag:s30], $0x1900  }
0x4f: {  	[sflag:s30] =	ssyncset.done $0x0  }
0x50: {  	[sflag:s30] =	ssyncadd.s32 $0xFFFFE700  }
0x51: {  	[spmem:s25] =	stream.linear.scatter [tilespmem:s29], [sflag:$0x3], $0x1900, $0x38;
	[tilespmem:$0x1D800] =	vst v63  }
0x52: {  	_ =	swait.ge [sflag:s30], $0x1900  }
0x53: {  	[sflag:s30] =	ssyncset.done $0x0  }
0x54: {  	[sflag:s30] =	ssyncadd.s32 $0xFFFFE700  }
0x55: {  	[spmem:s26] =	stream.linear.scatter [tilespmem:s29], [sflag:$0x3], $0x1900, $0x38;
	[tilespmem:$0x1D800] =	vst v63  }
0x56: {  	_ =	swait.ge [sflag:s30], $0x1900  }
0x57: {  	[sflag:s30] =	ssyncset.done $0x0  }
0x58: {  	[sflag:s30] =	ssyncadd.s32 $0xFFFFE700  }
0x59: {  	[spmem:s28] =	stream.linear.scatter [tilespmem:s29], [sflag:$0x3], $0x1900, $0x38;
	[tilespmem:$0x1D800] =	vst v63  }
0x5a: {  	_ =	swait.ge [sflag:s30], $0x1900  }
0x5b: {  	[sflag:s30] =	ssyncset.done $0x0  }
0x5c: {  	[sflag:s30] =	ssyncadd.s32 $0xFFFFE700  }
0x5d: {  	[bflag:$0x0] =	sbarrier.arrive $0xFFFF  }
0x5e: {  	s16 =	rddreg [dreg:$0x4]  }
0x5f: {  	[tilespmem:s3], [sflag:$0x3] =	stream.linear.gather [hbm4b:s16+s3], $0x200, $0x38;
	[tilespmem:$0x1D800] =	vst v63  }
0x60: {  	_ =	swait.ge [sflag:s30], $0x200  }
0x61: {  	[sflag:s30] =	ssyncset.done $0x0  }
0x62: {  	s6 =	simm.s32 $0x400;
	s17 =	rddreg [dreg:$0x5];
	[sflag:s30] =	ssyncadd.s32 $0xFFFFFE00  }
0x63: {  	[tilespmem:s6], [sflag:$0x3] =	stream.linear.gather [hbm4b:s17+s3], $0x200, $0x38;
	[tilespmem:$0x1D800] =	vst v63  }
0x64: {  	_ =	swait.ge [sflag:s30], $0x200  }
0x65: {  	[sflag:s30] =	ssyncset.done $0x0  }
0x66: {  	[sflag:s30] =	ssyncadd.s32 $0xFFFFFE00  }
0x67: {  	[tilespmem:s29], [sflag:$0x1] =	stream.indirect.gather [hbm4b:s5+s0], $0x10, s3, s0, $0xb8;
	[tilespmem:$0x1D800] =	vst v63  }
0x68: {  	s6 =	simm.s32 $0x1000  }
0x69: {  	[tilespmem:s6], [sflag:$0x1] =	stream.indirect.gather [hbm4b:s5+s0], $0x10, s0, s0, $0xb8;
	[tilespmem:$0x1D800] =	vst v63  }
0x6a: {  	s1 =	sand.u32 $0x1, s3;
	s7 =	simm.s32 $0x100;
	s8 =	simm.s32 $0x1800  }
0x6b: {  	[tilespmem:s8], [sflag:$0x1] =	stream.indirect.gather [hbm4b:s5+s0], $0x10, s7, s0, $0xb8;
	[tilespmem:$0x1D800] =	vst v63  }
0x6c: {  	s10 =	simm.s32 $0x180;
	s11 =	simm.s32 $0x2000;
	s12 =	sxor.u32 $0x1, s1  }
0x6d: {  	[tilespmem:s11], [sflag:$0x1] =	stream.indirect.gather [hbm4b:s5+s0], $0x10, s10, s0, $0xb8;
	[tilespmem:$0x1D800] =	vst v63  }
0x6e: {  	s7 =	sshll.u32 s12, $0x9  }
0x6f: {  	[tilespmem:s7], [sflag:$0x3] =	stream.linear.gather [hbm4b:s22+s3], $0x200, $0x38;
	[tilespmem:$0x1D800] =	vst v63  }
0x70: {  	_ =	swait.ge [sflag:s30], $0x200  }
0x71: {  	[sflag:s30] =	ssyncset.done $0x0  }
0x72: {  	s8 =	sor.u32 $0x400, s7;
	[sflag:s30] =	ssyncadd.s32 $0xFFFFFE00  }
0x73: {  	[tilespmem:s8], [sflag:$0x3] =	stream.linear.gather [hbm4b:s21+s3], $0x200, $0x38;
	[tilespmem:$0x1D800] =	vst v63  }
0x74: {  	_ =	swait.ge [sflag:s30], $0x200  }
0x75: {  	s13 =	sshll.u32 s12, $0xD;
	[sflag:s30] =	ssyncset.done $0x0  }
0x76: {  	s6 =	sadd.s32 $0x1, s12;
	s10 =	sor.u32 $0x800, s13;
	[sflag:s30] =	ssyncadd.s32 $0xFFFFFE00  }
0x77: {  	[tilespmem:s10], [sflag:s6] =	stream.indirect.gather [hbm4b:s5+s0], $0x10, s7, s0, $0xb8;
	[tilespmem:$0x1D800] =	vst v63  }
0x78: {  	s14 =	sor.u32 $0x1000, s13;
	s11 =	sor.u32 $0x80, s7  }
0x79: {  	[tilespmem:s14], [sflag:s6] =	stream.indirect.gather [hbm4b:s5+s0], $0x10, s11, s0, $0xb8;
	[tilespmem:$0x1D800] =	vst v63  }
0x7a: {  	s15 =	sor.u32 $0x1800, s13;
	s16 =	sor.u32 $0x100, s7  }
0x7b: {  	[tilespmem:s15], [sflag:s6] =	stream.indirect.gather [hbm4b:s5+s0], $0x10, s16, s0, $0xb8;
	[tilespmem:$0x1D800] =	vst v63  }
0x7c: {  	s17 =	sadd.s32 $0x1, s1;
	s8 =	sadd.s32 $0x2000, s13;
	s7 =	sor.u32 $0x180, s7  }
0x7d: {  	[tilespmem:s8], [sflag:s6] =	stream.indirect.gather [hbm4b:s5+s0], $0x10, s7, s0, $0xb8;
	[tilespmem:$0x1D800] =	vst v63  }
0x7e: {  	_ =	swait.ge [sflag:s17], $0x2000  }
0x7f: {  	s8 =	sshll.u32 s1, $0xD;
	s1 =	sshll.u32 s1, $0x9;
	[sflag:s17] =	ssyncset.done $0x0  }
0x80: {  	s11 =	sor.u32 $0x800, s8;
	s12 =	sor.u32 $0x400, s1;
	[sflag:s17] =	ssyncadd.s32 $0xFFFFE000  }
0x81: {  	[spmem:s2] =	stream.indirect.scatter.add.f32 [tilespmem:s11], [sflag:$0x3], $0x10, s12, s0, $0xb8;
	[tilespmem:$0x1D800] =	vst v63  }
0x82: {  	_ =	swait.ge [sflag:s30], $0x800  }
0x83: {  	[sflag:s30] =	ssyncset.done $0x0  }
0x84: {  	s13 =	sor.u32 $0x1000, s8;
	s14 =	sor.u32 $0x480, s1;
	[sflag:s30] =	ssyncadd.s32 $0xFFFFF800  }
0x85: {  	[spmem:s2] =	stream.indirect.scatter.add.f32 [tilespmem:s13], [sflag:$0x3], $0x10, s14, s0, $0xb8;
	[tilespmem:$0x1D800] =	vst v63  }
0x86: {  	_ =	swait.ge [sflag:s30], $0x800  }
0x87: {  	[sflag:s30] =	ssyncset.done $0x0  }
0x88: {  	s15 =	sor.u32 $0x1800, s8;
	s16 =	sor.u32 $0x500, s1;
	[sflag:s30] =	ssyncadd.s32 $0xFFFFF800  }
0x89: {  	[spmem:s2] =	stream.indirect.scatter.add.f32 [tilespmem:s15], [sflag:$0x3], $0x10, s16, s0, $0xb8;
	[tilespmem:$0x1D800] =	vst v63  }
0x8a: {  	s7 =	simm.s32 $0x2;
	_ =	swait.ge [sflag:s30], $0x800  }
0x8b: {  	s8 =	sadd.s32 $0x2000, s8;
	s17 =	simm.s32 $0x1;
	[sflag:s30] =	ssyncset.done $0x0  }
0x8c: {  	s1 =	sor.u32 $0x580, s1;
	s10 =	sand.u32 $0x1, s17;
	[sflag:s30] =	ssyncadd.s32 $0xFFFFF800  }
0x8d: {  	[spmem:s2] =	stream.indirect.scatter.add.f32 [tilespmem:s8], [sflag:$0x3], $0x10, s1, s0, $0xb8;
	[tilespmem:$0x1D800] =	vst v63  }
0x8e: {  	s6 =	sadd.s32 $0x40, s22;
	s13 =	sxor.u32 $0x1, s10;
	_ =	swait.ge [sflag:s30], $0x800  }
0x8f: {  	s8 =	sadd.s32 $0x40, s21;
	s1 =	sshll.u32 s10, $0xD;
	[sflag:s30] =	ssyncset.done $0x0  }
.LBB2_2:
0x90: {  	s14 =	sshll.u32 s13, $0x9  }
0x91: {  	s12 =	sshll.u32 s10, $0x9;
	[sflag:s30] =	ssyncadd.s32 $0xFFFFF800;
	s11 =	smov.u32 s7  }
0x92: {  	[tilespmem:s14], [sflag:$0x3] =	stream.linear.gather [hbm4b:s6+s3], $0x200, $0x38;
	[tilespmem:$0x1D800] =	vst v63  }
0x93: {  	p0 =	sne.s32 s7, $0xC8;
	s7 =	sadd.s32 $0x1, s7;
	_ =	swait.ge [sflag:s30], $0x200  }
0x94: {  	[sflag:s30] =	ssyncset.done $0x0  }
0x95: {  	s15 =	sor.u32 $0x400, s14;
	[sflag:s30] =	ssyncadd.s32 $0xFFFFFE00  }
0x96: {  	[tilespmem:s15], [sflag:$0x3] =	stream.linear.gather [hbm4b:s8+s3], $0x200, $0x38;
	[tilespmem:$0x1D800] =	vst v63  }
0x97: {  	_ =	swait.ge [sflag:s30], $0x200  }
0x98: {  	s15 =	sshll.u32 s13, $0xD;
	[sflag:s30] =	ssyncset.done $0x0  }
0x99: {  	s13 =	sadd.s32 $0x1, s13;
	s16 =	sor.u32 $0x800, s15;
	[sflag:s30] =	ssyncadd.s32 $0xFFFFFE00  }
0x9a: {  	[tilespmem:s16], [sflag:s13] =	stream.indirect.gather [hbm4b:s5+s0], $0x10, s14, s0, $0xb8;
	[tilespmem:$0x1D800] =	vst v63  }
0x9b: {  	s17 =	sor.u32 $0x80, s14;
	s16 =	sor.u32 $0x1000, s15  }
0x9c: {  	[tilespmem:s16], [sflag:s13] =	stream.indirect.gather [hbm4b:s5+s0], $0x10, s17, s0, $0xb8;
	[tilespmem:$0x1D800] =	vst v63  }
0x9d: {  	s16 =	sor.u32 $0x1800, s15;
	s17 =	sor.u32 $0x100, s14  }
0x9e: {  	[tilespmem:s16], [sflag:s13] =	stream.indirect.gather [hbm4b:s5+s0], $0x10, s17, s0, $0xb8;
	[tilespmem:$0x1D800] =	vst v63  }
0x9f: {  	s10 =	sadd.s32 $0x1, s10;
	s15 =	sadd.s32 $0x2000, s15;
	s14 =	sor.u32 $0x180, s14  }
0xa0: {  	[tilespmem:s15], [sflag:s13] =	stream.indirect.gather [hbm4b:s5+s0], $0x10, s14, s0, $0xb8;
	[tilespmem:$0x1D800] =	vst v63  }
0xa1: {  	_ =	swait.ge [sflag:s10], $0x2000  }
0xa2: {  	[sflag:s10] =	ssyncset.done $0x0  }
0xa3: {  	s13 =	sor.u32 $0x800, s1;
	[sflag:s10] =	ssyncadd.s32 $0xFFFFE000;
	s10 =	sor.u32 $0x400, s12  }
0xa4: {  	[spmem:s2] =	stream.indirect.scatter.add.f32 [tilespmem:s13], [sflag:$0x3], $0x10, s10, s0, $0xb8;
	[tilespmem:$0x1D800] =	vst v63  }
0xa5: {  	_ =	swait.ge [sflag:s30], $0x800  }
0xa6: {  	[sflag:s30] =	ssyncset.done $0x0  }
0xa7: {  	s10 =	sor.u32 $0x1000, s1;
	s13 =	sor.u32 $0x480, s12;
	[sflag:s30] =	ssyncadd.s32 $0xFFFFF800  }
0xa8: {  	[spmem:s2] =	stream.indirect.scatter.add.f32 [tilespmem:s10], [sflag:$0x3], $0x10, s13, s0, $0xb8;
	[tilespmem:$0x1D800] =	vst v63  }
0xa9: {  	_ =	swait.ge [sflag:s30], $0x800  }
0xaa: {  	[sflag:s30] =	ssyncset.done $0x0  }
0xab: {  	s10 =	sor.u32 $0x1800, s1;
	s13 =	sor.u32 $0x500, s12;
	[sflag:s30] =	ssyncadd.s32 $0xFFFFF800  }
0xac: {  	[spmem:s2] =	stream.indirect.scatter.add.f32 [tilespmem:s10], [sflag:$0x3], $0x10, s13, s0, $0xb8;
	[tilespmem:$0x1D800] =	vst v63  }
0xad: {  	_ =	swait.ge [sflag:s30], $0x800  }
.Ltmp0:
0xae: {  	s6 =	sadd.s32 $0x40, s6;
	[sflag:s30] =	ssyncset.done $0x0;
	(pc) =	sbr.rel @p0 .LBB2_2-.Ltmp0, $4  }
0xaf: {  	s1 =	sadd.s32 $0x2000, s1;
	s10 =	sor.u32 $0x580, s12;
	[sflag:s30] =	ssyncadd.s32 $0xFFFFF800  }
0xb0: {  	[spmem:s2] =	stream.indirect.scatter.add.f32 [tilespmem:s1], [sflag:$0x3], $0x10, s10, s0, $0xb8;
	[tilespmem:$0x1D800] =	vst v63  }
0xb1: {  	s8 =	sadd.s32 $0x40, s8;
	s10 =	sand.u32 $0x1, s11;
	_ =	swait.ge [sflag:s30], $0x800  }
0xb2: {  	s13 =	sxor.u32 $0x1, s10;
	s1 =	sshll.u32 s10, $0xD;
	[sflag:s30] =	ssyncset.done $0x0  }
0xb3: {  	s7 =	sshll.u32 s13, $0x9;
	[sflag:s30] =	ssyncadd.s32 $0xFFFFF800  }
0xb4: {  	[tilespmem:s7], [sflag:$0x3] =	stream.linear.gather [hbm4b:s6+s3], $0x200, $0x38;
	[tilespmem:$0x1D800] =	vst v63  }
0xb5: {  	_ =	swait.ge [sflag:s30], $0x200  }
0xb6: {  	[sflag:s30] =	ssyncset.done $0x0  }
0xb7: {  	s16 =	sor.u32 $0x400, s7;
	[sflag:s30] =	ssyncadd.s32 $0xFFFFFE00  }
0xb8: {  	[tilespmem:s16], [sflag:$0x3] =	stream.linear.gather [hbm4b:s8+s3], $0x200, $0x38;
	[tilespmem:$0x1D800] =	vst v63  }
0xb9: {  	_ =	swait.ge [sflag:s30], $0x200  }
0xba: {  	s17 =	sshll.u32 s13, $0xD;
	[sflag:s30] =	ssyncset.done $0x0  }
0xbb: {  	s11 =	sadd.s32 $0x1, s13;
	s12 =	sor.u32 $0x800, s17;
	[sflag:s30] =	ssyncadd.s32 $0xFFFFFE00  }
0xbc: {  	[tilespmem:s12], [sflag:s11] =	stream.indirect.gather [hbm4b:s5+s0], $0x10, s7, s0, $0xb8;
	[tilespmem:$0x1D800] =	vst v63  }
0xbd: {  	s14 =	sor.u32 $0x1000, s17;
	s12 =	sor.u32 $0x80, s7  }
0xbe: {  	[tilespmem:s14], [sflag:s11] =	stream.indirect.gather [hbm4b:s5+s0], $0x10, s12, s0, $0xb8;
	[tilespmem:$0x1D800] =	vst v63  }
0xbf: {  	s15 =	sor.u32 $0x1800, s17;
	s16 =	sor.u32 $0x100, s7  }
0xc0: {  	[tilespmem:s15], [sflag:s11] =	stream.indirect.gather [hbm4b:s5+s0], $0x10, s16, s0, $0xb8;
	[tilespmem:$0x1D800] =	vst v63  }
0xc1: {  	s6 =	sadd.s32 $0x2000, s17;
	s17 =	sadd.s32 $0x1, s10;
	s7 =	sor.u32 $0x180, s7  }
0xc2: {  	[tilespmem:s6], [sflag:s11] =	stream.indirect.gather [hbm4b:s5+s0], $0x10, s7, s0, $0xb8;
	[tilespmem:$0x1D800] =	vst v63  }
0xc3: {  	_ =	swait.ge [sflag:s17], $0x2000  }
0xc4: {  	s11 =	sshll.u32 s10, $0x9;
	[sflag:s17] =	ssyncset.done $0x0  }
0xc5: {  	s12 =	sor.u32 $0x800, s1;
	s13 =	sor.u32 $0x400, s11;
	[sflag:s17] =	ssyncadd.s32 $0xFFFFE000  }
0xc6: {  	[spmem:s2] =	stream.indirect.scatter.add.f32 [tilespmem:s12], [sflag:$0x3], $0x10, s13, s0, $0xb8;
	[tilespmem:$0x1D800] =	vst v63  }
0xc7: {  	_ =	swait.ge [sflag:s30], $0x800  }
0xc8: {  	[sflag:s30] =	ssyncset.done $0x0  }
0xc9: {  	s14 =	sor.u32 $0x1000, s1;
	s15 =	sor.u32 $0x480, s11;
	[sflag:s30] =	ssyncadd.s32 $0xFFFFF800  }
0xca: {  	[spmem:s2] =	stream.indirect.scatter.add.f32 [tilespmem:s14], [sflag:$0x3], $0x10, s15, s0, $0xb8;
	[tilespmem:$0x1D800] =	vst v63  }
0xcb: {  	_ =	swait.ge [sflag:s30], $0x800  }
0xcc: {  	[sflag:s30] =	ssyncset.done $0x0  }
0xcd: {  	s16 =	sor.u32 $0x1800, s1;
	s17 =	sor.u32 $0x500, s11;
	[sflag:s30] =	ssyncadd.s32 $0xFFFFF800  }
0xce: {  	[spmem:s2] =	stream.indirect.scatter.add.f32 [tilespmem:s16], [sflag:$0x3], $0x10, s17, s0, $0xb8;
	[tilespmem:$0x1D800] =	vst v63  }
0xcf: {  	_ =	swait.ge [sflag:s30], $0x800  }
0xd0: {  	[sflag:s30] =	ssyncset.done $0x0  }
0xd1: {  	s7 =	sadd.s32 $0x2000, s1;
	s6 =	sor.u32 $0x580, s11;
	[sflag:s30] =	ssyncadd.s32 $0xFFFFF800  }
0xd2: {  	[spmem:s2] =	stream.indirect.scatter.add.f32 [tilespmem:s7], [sflag:$0x3], $0x10, s6, s0, $0xb8;
	[tilespmem:$0x1D800] =	vst v63  }
0xd3: {  	_ =	swait.ge [sflag:s30], $0x800  }
0xd4: {  	[sflag:s30] =	ssyncset.done $0x0  }
0xd5: {  	[sflag:s30] =	ssyncadd.s32 $0xFFFFF800  }
0xd6: {  	_ =	swait.ge [sflag:s31], $0x2000  }
0xd7: {  	[sflag:s31] =	ssyncset.done $0x0  }
0xd8: {  	s8 =	simm.s32 $0x600;
	s10 =	simm.s32 $0x2800;
	[sflag:s31] =	ssyncadd.s32 $0xFFFFE000  }
0xd9: {  	[spmem:s2] =	stream.indirect.scatter.add.f32 [tilespmem:s10], [sflag:$0x3], $0x10, s8, s0, $0xb8;
	[tilespmem:$0x1D800] =	vst v63  }
0xda: {  	_ =	swait.ge [sflag:s30], $0x800  }
0xdb: {  	[sflag:s30] =	ssyncset.done $0x0  }
0xdc: {  	s11 =	simm.s32 $0x680;
	s12 =	simm.s32 $0x3000;
	[sflag:s30] =	ssyncadd.s32 $0xFFFFF800  }
0xdd: {  	[spmem:s2] =	stream.indirect.scatter.add.f32 [tilespmem:s12], [sflag:$0x3], $0x10, s11, s0, $0xb8;
	[tilespmem:$0x1D800] =	vst v63  }
0xde: {  	_ =	swait.ge [sflag:s30], $0x800  }
0xdf: {  	[sflag:s30] =	ssyncset.done $0x0  }
0xe0: {  	s13 =	simm.s32 $0x700;
	s14 =	simm.s32 $0x3800;
	[sflag:s30] =	ssyncadd.s32 $0xFFFFF800  }
0xe1: {  	[spmem:s2] =	stream.indirect.scatter.add.f32 [tilespmem:s14], [sflag:$0x3], $0x10, s13, s0, $0xb8;
	[tilespmem:$0x1D800] =	vst v63  }
0xe2: {  	_ =	swait.ge [sflag:s30], $0x800  }
0xe3: {  	[sflag:s30] =	ssyncset.done $0x0  }
0xe4: {  	s15 =	simm.s32 $0x780;
	s16 =	simm.s32 $0x4000;
	[sflag:s30] =	ssyncadd.s32 $0xFFFFF800  }
0xe5: {  	[spmem:s2] =	stream.indirect.scatter.add.f32 [tilespmem:s16], [sflag:$0x3], $0x10, s15, s0, $0xb8;
	[tilespmem:$0x1D800] =	vst v63  }
0xe6: {  	_ =	swait.ge [sflag:s30], $0x800  }
0xe7: {  	[sflag:s30] =	ssyncset.done $0x0  }
0xe8: {  	[sflag:s30] =	ssyncadd.s32 $0xFFFFF800  }
0xe9: {  	[bflag:$0x0] =	sbarrier.arrive $0xFFFF  }
0xea: {  	[tilespmem:s29], [sflag:$0x3] =	stream.linear.gather [spmem:s9], $0x1900, $0x38;
	[tilespmem:$0x1D800] =	vst v63  }
0xeb: {  	_ =	swait.ge [sflag:s30], $0x1900  }
0xec: {  	[sflag:s30] =	ssyncset.done $0x0  }
0xed: {  	s17 =	sadd.s32 $0x0, s24;
	[sflag:s30] =	ssyncadd.s32 $0xFFFFE700  }
0xee: {  	[hbm4b:s17+s3] =	stream.linear.scatter [tilespmem:s29], [sflag:$0x3], $0x1900, $0x38;
	[tilespmem:$0x1D800] =	vst v63  }
0xef: {  	_ =	swait.ge [sflag:s30], $0x1900  }
0xf0: {  	s1 =	simm.s32 $0x320;
	s6 =	smov.u32 s9;
	[sflag:s30] =	ssyncset.done $0x0  }
.LBB2_4:
0xf1: {  	p0 =	sne.s32 s1, $0x2EE0;
	[sflag:s30] =	ssyncadd.s32 $0xFFFFE700;
	s6 =	sadd.s32 $0x1900, s6  }
0xf2: {  	[tilespmem:s29], [sflag:$0x3] =	stream.linear.gather [spmem:s6], $0x1900, $0x38;
	[tilespmem:$0x1D800] =	vst v63  }
0xf3: {  	s7 =	smov.u32 s1;
	s1 =	sadd.s32 $0x320, s1;
	_ =	swait.ge [sflag:s30], $0x1900  }
.Ltmp1:
0xf4: {  	[sflag:s30] =	ssyncset.done $0x0;
	(pc) =	sbr.rel @p0 .LBB2_4-.Ltmp1, $4  }
0xf5: {  	s7 =	sadd.s32 s7, s24;
	[sflag:s30] =	ssyncadd.s32 $0xFFFFE700  }
0xf6: {  	[hbm4b:s7+s3] =	stream.linear.scatter [tilespmem:s29], [sflag:$0x3], $0x1900, $0x38;
	[tilespmem:$0x1D800] =	vst v63  }
0xf7: {  	_ =	swait.ge [sflag:s30], $0x1900  }
0xf8: {  	[sflag:s30] =	ssyncset.done $0x0  }
0xf9: {  	s4 =	sadd.s32 $0x1, s4;
	s1 =	rddreg [dreg:$0x6]  }
0xfa: {  	p0 =	sne.s32 s4, s1  }
.Ltmp2:
0xfb: {  	_ = 	snop;
	(pc) =	sbr.rel @p0 .LBB2_1-.Ltmp2, $2  }
0xfc: {  	_ =	sdelay $0x2  }
0xfd: {  	[sflag:s30] =	ssyncadd.s32 $0xFFFFE700  }
0xfe: {  	_ =	sfence.sel $0x180000  }
0xff: {  	[bflag:$0x0] =	sbarrier.arrive $0xFFFF  }
0x100: {  	_ =	strace $0x9000004A  }
0x101: {  	s0 =	stileid.u32;
	[bflag:$0x2] =	sbarrier.arrive $0xFFFF  }
0x102: {  	p0 =	sne.s32 s0, $0x0;
	s0 =	rddreg [dreg:$0x3]  }
0x103: {  	s0 =	sadd.s32 @!p0 $0x100000, s0  }
0x104: {  	[sflag:s0] =	ssyncadd.tile.s32 @!p0 $0x1;
	_ =	shalt  }
.Lfunc_end2:
_tile_overlayer_lowered:
.L_overlay_start_2:
0x105: {  	(tag) =	ssettag $0x2  }
0x106: {  	s0 =	rddreg [dreg:$0x0];
	s2 =	stileid.u32  }
0x107: {  	s1 =	rddreg [dreg:$0x1];
	p0 =	sne.s32 s2, $0x0  }
0x108: {  	s3 =	rddreg [dreg:$0x2];
	[bflag:$0x3] =	sbarrier.arrive $0xFFFF;
	s2 =	simm.s32 @!p0 $0x1C03  }
0x109: {  	[timem:s3], [sflag:s2] =	dma.local @!p0 [hbm:s0], s1  }
0x10a: {  	s0 =	simm.s32 @!p0 $0x3  }
0x10b: {  	_ =	swait.ge @!p0 [sflag:s0], s1  }
0x10c: {  	s1 =	ssub.s32 @!p0 $0x0, s1;
	[sflag:s0] =	ssyncset.done @!p0 $0x0  }
0x10d: {  	[sflag:s0] =	ssyncadd.s32 @!p0 s1  }
0x10e: {  	[bflag:$0x3] =	sbarrier.arrive $0xFFFF  }
0x10f: {  	_ =	shalt  }

// kernel: kernel.15.cloned.1.call-start
scs
__scs_entry_jumppad:
0x0: {  	(pc) =	sbr.rel $0x88, $3  }
0x1: {  	(tag) =	ssettag $0x0;
	lr =	simm.s32 $0x1  }
0x2: {  	[smem:$0x3F9B] =	sst lr;
	_ =	strace $0xD0000000  }
0x3: {  	_ = 	snop  }
0x4: {  	_ = 	snop  }
0x5: {  	_ = 	snop  }
0x6: {  	_ = 	snop  }
0x7: {  	_ = 	snop  }
__scs_overlays_trampoline_lowered:
0x8: {  	[smem:$0x3FAA] =	sst s0  }
0x9: {  	[smem:$0x3FAB] =	sst s1  }
0xa: {  	[smem:$0x3FAC] =	sst s2  }
0xb: {  	[smem:$0x3FAD] =	sst s3  }
0xc: {  	[smem:$0x3FAE] =	sst s4  }
0xd: {  	[smem:$0x3FAF] =	sst s5  }
0xe: {  	[smem:$0x3FB0] =	sst s6  }
0xf: {  	[smem:$0x3FB1] =	sst s7  }
0x10: {  	[smem:$0x3FB2] =	sst s8  }
0x11: {  	[smem:$0x3FB3] =	sst s9;
	s0 =	simm.s32 @!p0 $0x0  }
0x12: {  	s1 =	sld [smem:$0x3F99];
	s0 =	simm.s32 @p0 $0x1  }
0x13: {  	[smem:$0x3FB4] =	sst s0;
	s0 =	simm.s32 @!p1 $0x0  }
0x14: {  	s2 =	sld [smem:$0x3F98];
	s0 =	simm.s32 @p1 $0x1  }
0x15: {  	[smem:$0x3FB5] =	sst s0;
	s0 =	simm.s32 @!p2 $0x0  }
0x16: {  	s3 =	sld [smem:$0x3FDB];
	s0 =	simm.s32 @p2 $0x1  }
0x17: {  	s4 =	simm.s32 $0x1BF5;
	[smem:$0x3FB7] =	sst s0  }
0x18: {  	s0 =	sld [smem:$0x3F9A];
	_ =	swait.ge [sflag:s4], $0x0  }
0x19: {  	s7 =	sld [smem:$0x3F9B]  }
0x1a: {  	s8 =	sadd.s32 $0xFFFFE003, lr  }
0x1b: {  	s9 =	sadd.s32 $0xFFFFFEF7, lr;
	s5 =	simm.s32 $0xFFFFFFFF;
	p2 =	slt.u32 s8, $0xFFFFF086  }
0x1c: {  	p1 =	slt.u32 s9, $0xF7A;
	s5 =	simm.s32 @!p2 $0x0  }
0x1d: {  	s5 =	simm.s32 @p1 $0x1;
	p0 =	seq.s32 s7, s2  }
0x1e: {  	s7 =	smul.u32 @!p0 $0xF7A, s2;
	p2 =	seq.s32 @!p0 s5, $0x0  }
0x1f: {  	s9 =	smul.u32 $0xF7A, s1;
	s8 =	simm.s32 @!p0 $0x1BF5;
	p2 =	por !p2, p0  }
0x20: {  	[sflag:s8] =	ssyncset.s32 @!p0 $0xFFFFF086;
	s6 =	sadd.s32 @!p0 s3, s7;
	s7 =	simm.s32 @!p0 $0x108  }
0x21: {  	s3 =	sadd.s32 s3, s9;
	s6 =	sadd.s32 @!p0 $0x88, s6;
	s7 =	simm.s32 @p2 $0x1082  }
0x22: {  	[simem:s7], [sflag:s8] =	dma.local @!p0 [hbm:s6], $0xF7A  }
0x23: {  	s9 =	sor.u32 $0xD0000000, s2;
	s6 =	simm.s32 $0x108;
	_ =	swait.ge @!p0 [sflag:s8], $0x0  }
0x24: {  	s3 =	sadd.s32 $0x88, s3;
	s6 =	simm.s32 @!p1 $0x1082;
	[sflag:s4] =	ssyncset.s32 $0xFFFFF086  }
0x25: {  	[simem:s6], [sflag:s4] =	dma.local [hbm:s3], $0xF7A  }
0x26: {  	[smem:$0x3F9B] =	sst s1;
	(tag) =	ssettag s2;
	_ =	strace s9  }
0x27: {  	s1 =	sld [smem:$0x3FAB]  }
0x28: {  	s2 =	sld [smem:$0x3FAC]  }
0x29: {  	s4 =	sld [smem:$0x3FAE]  }
0x2a: {  	p0 =	seq.s32 s5, $0x0;
	s5 =	sld [smem:$0x3FAF]  }
0x2b: {  	s6 =	sld [smem:$0x3FB0]  }
0x2c: {  	s7 =	sld [smem:$0x3FB1]  }
0x2d: {  	s3 =	simm.s32 $0x108;
	s8 =	sld [smem:$0x3FB2]  }
0x2e: {  	s3 =	simm.s32 @!p0 $0x1082;
	s9 =	sld [smem:$0x3FB3]  }
0x2f: {  	lr =	sadd.s32 s0, s3;
	s0 =	sld [smem:$0x3FAA]  }
0x30: {  	s3 =	sld [smem:$0x3FAD]  }
0x31: {  	[smem:$0x3FB6] =	sst s10  }
0x32: {  	s10 =	sld [smem:$0x3FB4];
	_ =	sdelay $0x3  }
0x33: {  	p0 =	seq.s32 s10, $0x1;
	s10 =	sld [smem:$0x3FB6];
	_ =	sdelay $0x3  }
0x34: {  	[smem:$0x3FB6] =	sst s10  }
0x35: {  	s10 =	sld [smem:$0x3FB5];
	_ =	sdelay $0x3  }
0x36: {  	p1 =	seq.s32 s10, $0x1;
	s10 =	sld [smem:$0x3FB6];
	_ =	sdelay $0x3  }
0x37: {  	[smem:$0x3FB6] =	sst s10  }
0x38: {  	s10 =	sld [smem:$0x3FB7]  }
0x39: {  	_ = 	snop;
	(pc) =	sbr.ind lr, $3  }
0x3a: {  	_ = 	snop  }
0x3b: {  	_ = 	snop  }
0x3c: {  	p2 =	seq.s32 s10, $0x1;
	s10 =	sld [smem:$0x3FB6]  }
0x3d: {  	_ =	shalt  }
0x3e: {  	_ =	shalt  }
0x3f: {  	_ =	shalt  }
0x40: {  	_ =	shalt  }
0x41: {  	_ =	shalt  }
0x42: {  	_ =	shalt  }
0x43: {  	_ =	shalt  }
0x44: {  	_ =	shalt  }
0x45: {  	_ =	shalt  }
0x46: {  	_ =	shalt  }
0x47: {  	_ =	shalt  }
0x48: {  	_ =	shalt  }
0x49: {  	_ =	shalt  }
0x4a: {  	_ =	shalt  }
0x4b: {  	_ =	shalt  }
0x4c: {  	_ =	shalt  }
0x4d: {  	_ =	shalt  }
0x4e: {  	_ =	shalt  }
0x4f: {  	_ =	shalt  }
0x50: {  	_ =	shalt  }
0x51: {  	_ =	shalt  }
0x52: {  	_ =	shalt  }
0x53: {  	_ =	shalt  }
0x54: {  	_ =	shalt  }
0x55: {  	_ =	shalt  }
0x56: {  	_ =	shalt  }
0x57: {  	_ =	shalt  }
0x58: {  	_ =	shalt  }
0x59: {  	_ =	shalt  }
0x5a: {  	_ =	shalt  }
0x5b: {  	_ =	shalt  }
0x5c: {  	_ =	shalt  }
0x5d: {  	_ =	shalt  }
0x5e: {  	_ =	shalt  }
0x5f: {  	_ =	shalt  }
0x60: {  	_ =	shalt  }
0x61: {  	_ =	shalt  }
0x62: {  	_ =	shalt  }
0x63: {  	_ =	shalt  }
0x64: {  	_ =	shalt  }
0x65: {  	_ =	shalt  }
0x66: {  	_ =	shalt  }
0x67: {  	_ =	shalt  }
0x68: {  	_ =	shalt  }
0x69: {  	_ =	shalt  }
0x6a: {  	_ =	shalt  }
0x6b: {  	_ =	shalt  }
0x6c: {  	_ =	shalt  }
0x6d: {  	_ =	shalt  }
0x6e: {  	_ =	shalt  }
0x6f: {  	_ =	shalt  }
0x70: {  	_ =	shalt  }
0x71: {  	_ =	shalt  }
0x72: {  	_ =	shalt  }
0x73: {  	_ =	shalt  }
0x74: {  	_ =	shalt  }
0x75: {  	_ =	shalt  }
0x76: {  	_ =	shalt  }
0x77: {  	_ =	shalt  }
0x78: {  	_ =	shalt  }
0x79: {  	_ =	shalt  }
0x7a: {  	_ =	shalt  }
0x7b: {  	_ =	shalt  }
0x7c: {  	_ =	shalt  }
0x7d: {  	_ =	shalt  }
0x7e: {  	_ =	shalt  }
0x7f: {  	_ =	shalt  }
0x80: {  	_ =	shalt  }
0x81: {  	_ =	shalt  }
0x82: {  	_ =	shalt  }
0x83: {  	_ =	shalt  }
0x84: {  	_ =	shalt  }
0x85: {  	_ =	shalt  }
0x86: {  	_ =	shalt  }
0x87: {  	_ =	shalt  }
.Lfunc_end0:
.L_simem_size_0:
called_computation.2_lowered:
.L_overlay_start_0:
0x88: {  	s2 =	sld [smem:$0x3FD9]  }
0x89: {  	s3 =	sld [smem:$0x3FFE];
	_ =	sdelay $0x1  }
0x8a: {  	s1 =	srdreg.scid  }
0x8b: {  	s0 =	sand.u32 $0x1, s1  }
0x8c: {  	s16 =	sshll.u32 s0, $0xA;
	s2 =	sadd.s32 s3, s2  }
0x8d: {  	s2 =	sadd.s32 s2, s16  }
0x8e: {  	[smem:$0x3FC2] =	sst s2  }
0x8f: {  	_ = 	snop  }
0x90: {  	(tm) =	ssettm $0x1  }
0x91: {  	s17 =	sld [smem:$0x3FFB];
	_ =	sdelay $0x3  }
0x92: {  	_ =	strace s17  }
0x93: {  	s2 =	sld [smem:$0x3FFC];
	_ =	sdelay $0x3  }
0x94: {  	_ =	strace s2  }
0x95: {  	s2 =	sld [smem:$0x3FFD];
	_ =	sdelay $0x3  }
0x96: {  	_ =	strace s2  }
0x97: {  	_ =	strace $0x8FFFFFFF  }
0x98: {  	s18 =	sld [smem:$0x3FDB];
	_ =	sdelay $0x1  }
0x99: {  	s19 =	simm.s32 $_scs_section_size  }
0x9a: {  	s4 =	simm.s32 $_size__tile_overlayer_lowered;
	s5 =	simm.s32 $_tile_overlayer_lowered  }
0x9b: {  	s22 =	simm.s32 $0x1BFF;
	s21 =	sshll.u32 s5, $0x1;
	s2 =	sadd.s32 s19, s18  }
0x9c: {  	s6 =	simm.s32 $0x0;
	s20 =	sshll.u32 s4, $0x1;
	s4 =	sadd.s32 s21, s2  }
0x9d: {  	[timem:s6], [sflag:s22] =	dma.local [hbm:s4], s20  }
0x9e: {  	_ =	swait.ge [sflag:s22], s20  }
0x9f: {  	s3 =	ssub.s32 $0x0, s20;
	[sflag:s22] =	ssyncset.done $0x0  }
0xa0: {  	[sflag:s22] =	ssyncadd.s32 s3;
	_ =	sdelay $0x1  }
0xa1: {  	s23 =	simm.s32 $0x1B8B  }
0xa2: {  	_ =	swait.ge [sflag:s23], $0x1  }
0xa3: {  	[sflag:s23] =	ssyncset.done $0x0  }
0xa4: {  	s25 =	simm.s32 $0x1B8E;
	s24 =	sld [smem:$0x3FFE];
	[sflag:s23] =	ssyncadd.s32 $0xFFFFFFFF  }
0xa5: {  	s26 =	simm.s32 $execute0_lowered;
	[smem:$0x3FD2] =	sst s25  }
0xa6: {  	s4 =	sshll.u32 s26, $0x1;
	_ =	strace $0x8000004C;
	[dreg:$0x1] =	wrdreg $0xFFFFFFFF  }
0xa7: {  	s28 =	simm.s32 $_size_execute0_lowered;
	s2 =	sadd.s32 s2, s4;
	[dreg:$0x0] =	wrdreg $0x0  }
0xa8: {  	s4 =	sshll.u32 s28, $0x1;
	[dreg:$0x2] =	wrdreg s2  }
0xa9: {  	[dreg:$0x3] =	wrdreg s4  }
0xaa: {  	[dreg:$0x4] =	wrdreg $0xC0  }
0xab: {  	_ =	task [dreg:s6], $0x5FFFF  }
0xac: {  	[dreg:$0x1] =	wrdreg $0xFFFFFFFF  }
0xad: {  	[dreg:$0x0] =	wrdreg $0x60  }
0xae: {  	[dreg:$0x2] =	wrdreg s24  }
0xaf: {  	[dreg:$0x3] =	wrdreg $0x28000  }
0xb0: {  	[dreg:$0x4] =	wrdreg $0x9  }
0xb1: {  	_ =	task.clear_ibuf [dreg:s6], $0x5FFFF;
	_ =	strace $0x9000004C  }
0xb2: {  	s29 =	simm.s32 $0x9;
	_ =	strace $0x8000004E  }
0xb3: {  	_ =	swait.ge [sflag:s29], $0x1  }
0xb4: {  	[sflag:s29] =	ssyncadd.s32 $0xFFFFFFFF  }
0xb5: {  	_ =	strace $0x9000004E  }
0xb6: {  	_ =	sfence  }
0xb7: {  	s30 =	sld [smem:$0x0];
	_ =	sdelay $0x2  }
0xb8: {  	s31 =	sshll.u32 s1, $0xD;
	s1 =	sshrl.u32 s1, $0x2  }
0xb9: {  	s3 =	sand.u32 $0x4000, s31;
	s1 =	sadd.s32 s1, s30  }
0xba: {  	s0 =	sor.u32 s3, s0;
	s1 =	sshll.u32 s1, $0x11  }
0xbb: {  	s0 =	sor.u32 s1, s0  }
0xbc: {  	s0 =	sadd.s32 $0x8F2B, s0  }
0xbd: {  	[sflag:s0] =	ssyncadd.remote.s32 $0x1  }
0xbe: {  	_ =	sfence.sel $0xFFFF  }
0xbf: {  	[dreg:$0x0] =	wrdreg $0xFFFFFFFF;
	(pc) =	sbr.abs _section_cstart, $3  }
0xc0: {  	[dreg:$0x1] =	wrdreg $0xFFFFFFFF  }
0xc1: {  	_ =	task.clear_ibuf [dreg:s6], $0x2FFFF;
	_ =	strace $0x9FFFFFFF  }
0xc2: {  	(tm) =	ssettm $0x7FFFFFFF  }
0xc3: {  	_ =	shalt  }
tec
execute0_lowered:
.L_overlay_start_1:
0x0: {  	(tag) =	ssettag $0x1  }
0x1: {  	s0 =	rddreg [dreg:$0x0]  }
0x2: {  	s1 =	rddreg [dreg:$0x1]  }
0x3: {  	s2 =	simm.s32 $0x0;
	s3 =	srdreg.scid;
	s12 =	stileid.u32  }
0x4: {  	s29 =	simm.s32 $0x800;
	s30 =	simm.s32 $0x3;
	[smem:$0x7FF] =	sst s2  }
0x5: {  	s3 =	sand.u32 $0x1, s3;
	s5 =	sadd.s32 $0x1CB600, s0;
	s6 =	sadd.s32 $0x9D600, s0  }
0x6: {  	s10 =	sadd.s32 $0x65000, s0;
	s11 =	smul.u32 $0x32000, s12;
	_ =	strace $0x8000004D  }
0x7: {  	s4 =	sshll.u32 s3, $0x4;
	s7 =	smul.u32 $0x19000, s3;
	s9 =	ssub.s32 $0x2, s3  }
0x8: {  	[dreg:$0x3] =	wrdreg s10;
	s8 =	sor.u32 s12, s4;
	s13 =	sshrl.u32 s9, $0x1  }
0x9: {  	s4 =	sadd.s32 $0x65200, s0;
	s8 =	smul.u32 $0x3280, s8;
	s14 =	ssub.s32 s9, s13  }
0xa: {  	s17 =	sshrl.u32 s11, $0x2;
	s0 =	sadd.s32 s7, s0;
	s7 =	smax.u32 s14, $0x1  }
0xb: {  	s16 =	sadd.s32 s5, s8;
	s8 =	sadd.s32 s6, s8;
	[dreg:$0x6] =	wrdreg s7  }
0xc: {  	s31 =	simm.s32 $0x2;
	[dreg:$0x5] =	wrdreg s8;
	s8 =	sadd.s32 s17, s1  }
0xd: {  	s19 =	smul.u32 $0x19400, s12;
	[dreg:$0x4] =	wrdreg s16;
	s18 =	sadd.s32 $0xC80, s8  }
0xe: {  	s3 =	smul.u32 $0x194000, s3;
	s20 =	sadd.s32 $0x1900, s8;
	[dreg:$0x7] =	wrdreg s18  }
0xf: {  	s15 =	smul.u32 $0x1900, s12;
	s21 =	sadd.s32 $0x2580, s8;
	[dreg:$0x8] =	wrdreg s20  }
0x10: {  	s3 =	sadd.s32 s19, s3;
	s22 =	sadd.s32 $0x3200, s8;
	[dreg:$0x9] =	wrdreg s21  }
0x11: {  	s0 =	sadd.s32 $0x3400, s0;
	s23 =	sadd.s32 $0x3E80, s8;
	[dreg:$0xa] =	wrdreg s22  }
0x12: {  	s3 =	sor.u32 $0x200, s3;
	s24 =	sadd.s32 $0x4B00, s8;
	[dreg:$0xb] =	wrdreg s23  }
0x13: {  	s3 =	sshrl.u32 s3, $0x3;
	s25 =	sadd.s32 $0x5780, s8;
	[dreg:$0xc] =	wrdreg s24  }
0x14: {  	s26 =	sadd.s32 $0x6400, s8;
	s19 =	sadd.s32 $0x7D00, s8;
	[dreg:$0xd] =	wrdreg s25  }
0x15: {  	s28 =	sadd.s32 $0xBB80, s8;
	[dreg:$0xe] =	wrdreg s26;
	s18 =	sadd.s32 $0x7080, s8  }
0x16: {  	s20 =	sadd.s32 $0x8980, s8;
	s21 =	sadd.s32 s3, s6;
	s22 =	sadd.s32 s3, s5  }
0x17: {  	s23 =	sadd.s32 $0x9600, s8;
	s24 =	sadd.s32 s0, s15;
	s25 =	sadd.s32 $0xA280, s8  }
0x18: {  	s26 =	sadd.s32 $0xAF00, s8;
	s0 =	simm.s32 $0x80;
	s3 =	simm.s32 $0x0  }
.LBB2_1:
0x19: {  	s5 =	rddreg [dreg:$0x3]  }
0x1a: {  	[tilespmem:s29], [sflag:$0x3] =	stream.linear.gather [hbm4b:s5+s2], $0xC80, $0x38;
	[tilespmem:$0xF000] =	vst v63  }
0x1b: {  	_ =	swait.ge [sflag:s30], $0xC80  }
0x1c: {  	[sflag:s30] =	ssyncset.done $0x0  }
0x1d: {  	[sflag:s30] =	ssyncadd.s32 $0xFFFFF380  }
0x1e: {  	[spmem:s8] =	stream.linear.scatter [tilespmem:s29], [sflag:$0x3], $0xC80, $0x38;
	[tilespmem:$0xF000] =	vst v63  }
0x1f: {  	_ =	swait.ge [sflag:s30], $0xC80  }
0x20: {  	[sflag:s30] =	ssyncset.done $0x0  }
0x21: {  	s7 =	rddreg [dreg:$0x7];
	[sflag:s30] =	ssyncadd.s32 $0xFFFFF380  }
0x22: {  	[spmem:s7] =	stream.linear.scatter [tilespmem:s29], [sflag:$0x3], $0xC80, $0x38;
	[tilespmem:$0xF000] =	vst v63  }
0x23: {  	_ =	swait.ge [sflag:s30], $0xC80  }
0x24: {  	[sflag:s30] =	ssyncset.done $0x0  }
0x25: {  	s9 =	rddreg [dreg:$0x8];
	[sflag:s30] =	ssyncadd.s32 $0xFFFFF380  }
0x26: {  	[spmem:s9] =	stream.linear.scatter [tilespmem:s29], [sflag:$0x3], $0xC80, $0x38;
	[tilespmem:$0xF000] =	vst v63  }
0x27: {  	_ =	swait.ge [sflag:s30], $0xC80  }
0x28: {  	[sflag:s30] =	ssyncset.done $0x0  }
0x29: {  	s10 =	rddreg [dreg:$0x9];
	[sflag:s30] =	ssyncadd.s32 $0xFFFFF380  }
0x2a: {  	[spmem:s10] =	stream.linear.scatter [tilespmem:s29], [sflag:$0x3], $0xC80, $0x38;
	[tilespmem:$0xF000] =	vst v63  }
0x2b: {  	_ =	swait.ge [sflag:s30], $0xC80  }
0x2c: {  	[sflag:s30] =	ssyncset.done $0x0  }
0x2d: {  	s11 =	rddreg [dreg:$0xa];
	[sflag:s30] =	ssyncadd.s32 $0xFFFFF380  }
0x2e: {  	[spmem:s11] =	stream.linear.scatter [tilespmem:s29], [sflag:$0x3], $0xC80, $0x38;
	[tilespmem:$0xF000] =	vst v63  }
0x2f: {  	_ =	swait.ge [sflag:s30], $0xC80  }
0x30: {  	[sflag:s30] =	ssyncset.done $0x0  }
0x31: {  	s12 =	rddreg [dreg:$0xb];
	[sflag:s30] =	ssyncadd.s32 $0xFFFFF380  }
0x32: {  	[spmem:s12] =	stream.linear.scatter [tilespmem:s29], [sflag:$0x3], $0xC80, $0x38;
	[tilespmem:$0xF000] =	vst v63  }
0x33: {  	_ =	swait.ge [sflag:s30], $0xC80  }
0x34: {  	[sflag:s30] =	ssyncset.done $0x0  }
0x35: {  	s13 =	rddreg [dreg:$0xc];
	[sflag:s30] =	ssyncadd.s32 $0xFFFFF380  }
0x36: {  	[spmem:s13] =	stream.linear.scatter [tilespmem:s29], [sflag:$0x3], $0xC80, $0x38;
	[tilespmem:$0xF000] =	vst v63  }
0x37: {  	_ =	swait.ge [sflag:s30], $0xC80  }
0x38: {  	[sflag:s30] =	ssyncset.done $0x0  }
0x39: {  	s14 =	rddreg [dreg:$0xd];
	[sflag:s30] =	ssyncadd.s32 $0xFFFFF380  }
0x3a: {  	[spmem:s14] =	stream.linear.scatter [tilespmem:s29], [sflag:$0x3], $0xC80, $0x38;
	[tilespmem:$0xF000] =	vst v63  }
0x3b: {  	_ =	swait.ge [sflag:s30], $0xC80  }
0x3c: {  	[sflag:s30] =	ssyncset.done $0x0  }
0x3d: {  	s15 =	rddreg [dreg:$0xe];
	[sflag:s30] =	ssyncadd.s32 $0xFFFFF380  }
0x3e: {  	[spmem:s15] =	stream.linear.scatter [tilespmem:s29], [sflag:$0x3], $0xC80, $0x38;
	[tilespmem:$0xF000] =	vst v63  }
0x3f: {  	_ =	swait.ge [sflag:s30], $0xC80  }
0x40: {  	[sflag:s30] =	ssyncset.done $0x0  }
0x41: {  	[sflag:s30] =	ssyncadd.s32 $0xFFFFF380  }
0x42: {  	[spmem:s18] =	stream.linear.scatter [tilespmem:s29], [sflag:$0x3], $0xC80, $0x38;
	[tilespmem:$0xF000] =	vst v63  }
0x43: {  	_ =	swait.ge [sflag:s30], $0xC80  }
0x44: {  	[sflag:s30] =	ssyncset.done $0x0  }
0x45: {  	[sflag:s30] =	ssyncadd.s32 $0xFFFFF380  }
0x46: {  	[spmem:s19] =	stream.linear.scatter [tilespmem:s29], [sflag:$0x3], $0xC80, $0x38;
	[tilespmem:$0xF000] =	vst v63  }
0x47: {  	_ =	swait.ge [sflag:s30], $0xC80  }
0x48: {  	[sflag:s30] =	ssyncset.done $0x0  }
0x49: {  	[sflag:s30] =	ssyncadd.s32 $0xFFFFF380  }
0x4a: {  	[spmem:s20] =	stream.linear.scatter [tilespmem:s29], [sflag:$0x3], $0xC80, $0x38;
	[tilespmem:$0xF000] =	vst v63  }
0x4b: {  	_ =	swait.ge [sflag:s30], $0xC80  }
0x4c: {  	[sflag:s30] =	ssyncset.done $0x0  }
0x4d: {  	[sflag:s30] =	ssyncadd.s32 $0xFFFFF380  }
0x4e: {  	[spmem:s23] =	stream.linear.scatter [tilespmem:s29], [sflag:$0x3], $0xC80, $0x38;
	[tilespmem:$0xF000] =	vst v63  }
0x4f: {  	_ =	swait.ge [sflag:s30], $0xC80  }
0x50: {  	[sflag:s30] =	ssyncset.done $0x0  }
0x51: {  	[sflag:s30] =	ssyncadd.s32 $0xFFFFF380  }
0x52: {  	[spmem:s25] =	stream.linear.scatter [tilespmem:s29], [sflag:$0x3], $0xC80, $0x38;
	[tilespmem:$0xF000] =	vst v63  }
0x53: {  	_ =	swait.ge [sflag:s30], $0xC80  }
0x54: {  	[sflag:s30] =	ssyncset.done $0x0  }
0x55: {  	[sflag:s30] =	ssyncadd.s32 $0xFFFFF380  }
0x56: {  	[spmem:s26] =	stream.linear.scatter [tilespmem:s29], [sflag:$0x3], $0xC80, $0x38;
	[tilespmem:$0xF000] =	vst v63  }
0x57: {  	_ =	swait.ge [sflag:s30], $0xC80  }
0x58: {  	[sflag:s30] =	ssyncset.done $0x0  }
0x59: {  	[sflag:s30] =	ssyncadd.s32 $0xFFFFF380  }
0x5a: {  	[spmem:s28] =	stream.linear.scatter [tilespmem:s29], [sflag:$0x3], $0xC80, $0x38;
	[tilespmem:$0xF000] =	vst v63  }
0x5b: {  	_ =	swait.ge [sflag:s30], $0xC80  }
0x5c: {  	[sflag:s30] =	ssyncset.done $0x0  }
0x5d: {  	[sflag:s30] =	ssyncadd.s32 $0xFFFFF380  }
0x5e: {  	[bflag:$0x0] =	sbarrier.arrive $0xFFFF  }
0x5f: {  	s16 =	rddreg [dreg:$0x4]  }
0x60: {  	[tilespmem:s2], [sflag:$0x3] =	stream.linear.gather [hbm4b:s16+s2], $0x200, $0x38;
	[tilespmem:$0xF000] =	vst v63  }
0x61: {  	_ =	swait.ge [sflag:s30], $0x200  }
0x62: {  	[sflag:s30] =	ssyncset.done $0x0  }
0x63: {  	s6 =	simm.s32 $0x400;
	s17 =	rddreg [dreg:$0x5];
	[sflag:s30] =	ssyncadd.s32 $0xFFFFFE00  }
0x64: {  	[tilespmem:s6], [sflag:$0x3] =	stream.linear.gather [hbm4b:s17+s2], $0x200, $0x38;
	[tilespmem:$0xF000] =	vst v63  }
0x65: {  	_ =	swait.ge [sflag:s30], $0x200  }
0x66: {  	[sflag:s30] =	ssyncset.done $0x0  }
0x67: {  	[sflag:s30] =	ssyncadd.s32 $0xFFFFFE00  }
0x68: {  	[tilespmem:s29], [sflag:$0x1] =	stream.indirect.gather [hbm4b:s4+s0], $0x8, s2, s0, $0xb8;
	[tilespmem:$0xF000] =	vst v63  }
0x69: {  	s6 =	simm.s32 $0xC00  }
0x6a: {  	[tilespmem:s6], [sflag:$0x1] =	stream.indirect.gather [hbm4b:s4+s0], $0x8, s0, s0, $0xb8;
	[tilespmem:$0xF000] =	vst v63  }
0x6b: {  	s5 =	sand.u32 $0x1, s2;
	s7 =	simm.s32 $0x100;
	s9 =	simm.s32 $0x1000  }
0x6c: {  	[tilespmem:s9], [sflag:$0x1] =	stream.indirect.gather [hbm4b:s4+s0], $0x8, s7, s0, $0xb8;
	[tilespmem:$0xF000] =	vst v63  }
0x6d: {  	s10 =	simm.s32 $0x180;
	s11 =	simm.s32 $0x1400;
	s12 =	sxor.u32 $0x1, s5  }
0x6e: {  	[tilespmem:s11], [sflag:$0x1] =	stream.indirect.gather [hbm4b:s4+s0], $0x8, s10, s0, $0xb8;
	[tilespmem:$0xF000] =	vst v63  }
0x6f: {  	s7 =	sshll.u32 s12, $0x9  }
0x70: {  	[tilespmem:s7], [sflag:$0x3] =	stream.linear.gather [hbm4b:s22+s2], $0x200, $0x38;
	[tilespmem:$0xF000] =	vst v63  }
0x71: {  	_ =	swait.ge [sflag:s30], $0x200  }
0x72: {  	[sflag:s30] =	ssyncset.done $0x0  }
0x73: {  	s9 =	sor.u32 $0x400, s7;
	[sflag:s30] =	ssyncadd.s32 $0xFFFFFE00  }
0x74: {  	[tilespmem:s9], [sflag:$0x3] =	stream.linear.gather [hbm4b:s21+s2], $0x200, $0x38;
	[tilespmem:$0xF000] =	vst v63  }
0x75: {  	_ =	swait.ge [sflag:s30], $0x200  }
0x76: {  	s13 =	sshll.u32 s12, $0xC;
	[sflag:s30] =	ssyncset.done $0x0  }
0x77: {  	s6 =	sadd.s32 $0x1, s12;
	s10 =	sor.u32 $0x800, s13;
	[sflag:s30] =	ssyncadd.s32 $0xFFFFFE00  }
0x78: {  	[tilespmem:s10], [sflag:s6] =	stream.indirect.gather [hbm4b:s4+s0], $0x8, s7, s0, $0xb8;
	[tilespmem:$0xF000] =	vst v63  }
0x79: {  	s14 =	sor.u32 $0xC00, s13;
	s11 =	sor.u32 $0x80, s7  }
0x7a: {  	[tilespmem:s14], [sflag:s6] =	stream.indirect.gather [hbm4b:s4+s0], $0x8, s11, s0, $0xb8;
	[tilespmem:$0xF000] =	vst v63  }
0x7b: {  	s15 =	sadd.s32 $0x1000, s13;
	s16 =	sor.u32 $0x100, s7  }
0x7c: {  	[tilespmem:s15], [sflag:s6] =	stream.indirect.gather [hbm4b:s4+s0], $0x8, s16, s0, $0xb8;
	[tilespmem:$0xF000] =	vst v63  }
0x7d: {  	s17 =	sadd.s32 $0x1, s5;
	s9 =	sadd.s32 $0x1400, s13;
	s7 =	sor.u32 $0x180, s7  }
0x7e: {  	[tilespmem:s9], [sflag:s6] =	stream.indirect.gather [hbm4b:s4+s0], $0x8, s7, s0, $0xb8;
	[tilespmem:$0xF000] =	vst v63  }
0x7f: {  	_ =	swait.ge [sflag:s17], $0x1000  }
0x80: {  	s9 =	sshll.u32 s5, $0xC;
	s5 =	sshll.u32 s5, $0x9;
	[sflag:s17] =	ssyncset.done $0x0  }
0x81: {  	s11 =	sor.u32 $0x800, s9;
	s12 =	sor.u32 $0x400, s5;
	[sflag:s17] =	ssyncadd.s32 $0xFFFFF000  }
0x82: {  	[spmem:s1] =	stream.indirect.scatter.add.f32 [tilespmem:s11], [sflag:$0x3], $0x8, s12, s0, $0xb8;
	[tilespmem:$0xF000] =	vst v63  }
0x83: {  	_ =	swait.ge [sflag:s30], $0x400  }
0x84: {  	[sflag:s30] =	ssyncset.done $0x0  }
0x85: {  	s13 =	sor.u32 $0xC00, s9;
	s14 =	sor.u32 $0x480, s5;
	[sflag:s30] =	ssyncadd.s32 $0xFFFFFC00  }
0x86: {  	[spmem:s1] =	stream.indirect.scatter.add.f32 [tilespmem:s13], [sflag:$0x3], $0x8, s14, s0, $0xb8;
	[tilespmem:$0xF000] =	vst v63  }
0x87: {  	_ =	swait.ge [sflag:s30], $0x400  }
0x88: {  	[sflag:s30] =	ssyncset.done $0x0  }
0x89: {  	s15 =	sadd.s32 $0x1000, s9;
	s16 =	sor.u32 $0x500, s5;
	[sflag:s30] =	ssyncadd.s32 $0xFFFFFC00  }
0x8a: {  	[spmem:s1] =	stream.indirect.scatter.add.f32 [tilespmem:s15], [sflag:$0x3], $0x8, s16, s0, $0xb8;
	[tilespmem:$0xF000] =	vst v63  }
0x8b: {  	s7 =	simm.s32 $0x2;
	_ =	swait.ge [sflag:s30], $0x400  }
0x8c: {  	s9 =	sadd.s32 $0x1400, s9;
	s17 =	simm.s32 $0x1;
	[sflag:s30] =	ssyncset.done $0x0  }
0x8d: {  	s5 =	sor.u32 $0x580, s5;
	s10 =	sand.u32 $0x1, s17;
	[sflag:s30] =	ssyncadd.s32 $0xFFFFFC00  }
0x8e: {  	[spmem:s1] =	stream.indirect.scatter.add.f32 [tilespmem:s9], [sflag:$0x3], $0x8, s5, s0, $0xb8;
	[tilespmem:$0xF000] =	vst v63  }
0x8f: {  	s6 =	sadd.s32 $0x40, s22;
	s13 =	sxor.u32 $0x1, s10;
	_ =	swait.ge [sflag:s30], $0x400  }
0x90: {  	s9 =	sadd.s32 $0x40, s21;
	s5 =	sshll.u32 s10, $0xC;
	[sflag:s30] =	ssyncset.done $0x0  }
.LBB2_2:
0x91: {  	s14 =	sshll.u32 s13, $0x9  }
0x92: {  	s12 =	sshll.u32 s10, $0x9;
	[sflag:s30] =	ssyncadd.s32 $0xFFFFFC00;
	s11 =	smov.u32 s7  }
0x93: {  	[tilespmem:s14], [sflag:$0x3] =	stream.linear.gather [hbm4b:s6+s2], $0x200, $0x38;
	[tilespmem:$0xF000] =	vst v63  }
0x94: {  	p0 =	sne.s32 s7, $0xC8;
	s7 =	sadd.s32 $0x1, s7;
	_ =	swait.ge [sflag:s30], $0x200  }
0x95: {  	[sflag:s30] =	ssyncset.done $0x0  }
0x96: {  	s15 =	sor.u32 $0x400, s14;
	[sflag:s30] =	ssyncadd.s32 $0xFFFFFE00  }
0x97: {  	[tilespmem:s15], [sflag:$0x3] =	stream.linear.gather [hbm4b:s9+s2], $0x200, $0x38;
	[tilespmem:$0xF000] =	vst v63  }
0x98: {  	_ =	swait.ge [sflag:s30], $0x200  }
0x99: {  	s15 =	sshll.u32 s13, $0xC;
	[sflag:s30] =	ssyncset.done $0x0  }
0x9a: {  	s13 =	sadd.s32 $0x1, s13;
	s16 =	sor.u32 $0x800, s15;
	[sflag:s30] =	ssyncadd.s32 $0xFFFFFE00  }
0x9b: {  	[tilespmem:s16], [sflag:s13] =	stream.indirect.gather [hbm4b:s4+s0], $0x8, s14, s0, $0xb8;
	[tilespmem:$0xF000] =	vst v63  }
0x9c: {  	s17 =	sor.u32 $0x80, s14;
	s16 =	sor.u32 $0xC00, s15  }
0x9d: {  	[tilespmem:s16], [sflag:s13] =	stream.indirect.gather [hbm4b:s4+s0], $0x8, s17, s0, $0xb8;
	[tilespmem:$0xF000] =	vst v63  }
0x9e: {  	s16 =	sadd.s32 $0x1000, s15;
	s17 =	sor.u32 $0x100, s14  }
0x9f: {  	[tilespmem:s16], [sflag:s13] =	stream.indirect.gather [hbm4b:s4+s0], $0x8, s17, s0, $0xb8;
	[tilespmem:$0xF000] =	vst v63  }
0xa0: {  	s10 =	sadd.s32 $0x1, s10;
	s15 =	sadd.s32 $0x1400, s15;
	s14 =	sor.u32 $0x180, s14  }
0xa1: {  	[tilespmem:s15], [sflag:s13] =	stream.indirect.gather [hbm4b:s4+s0], $0x8, s14, s0, $0xb8;
	[tilespmem:$0xF000] =	vst v63  }
0xa2: {  	_ =	swait.ge [sflag:s10], $0x1000  }
0xa3: {  	[sflag:s10] =	ssyncset.done $0x0  }
0xa4: {  	s13 =	sor.u32 $0x800, s5;
	[sflag:s10] =	ssyncadd.s32 $0xFFFFF000;
	s10 =	sor.u32 $0x400, s12  }
0xa5: {  	[spmem:s1] =	stream.indirect.scatter.add.f32 [tilespmem:s13], [sflag:$0x3], $0x8, s10, s0, $0xb8;
	[tilespmem:$0xF000] =	vst v63  }
0xa6: {  	_ =	swait.ge [sflag:s30], $0x400  }
0xa7: {  	[sflag:s30] =	ssyncset.done $0x0  }
0xa8: {  	s10 =	sor.u32 $0xC00, s5;
	s13 =	sor.u32 $0x480, s12;
	[sflag:s30] =	ssyncadd.s32 $0xFFFFFC00  }
0xa9: {  	[spmem:s1] =	stream.indirect.scatter.add.f32 [tilespmem:s10], [sflag:$0x3], $0x8, s13, s0, $0xb8;
	[tilespmem:$0xF000] =	vst v63  }
0xaa: {  	_ =	swait.ge [sflag:s30], $0x400  }
0xab: {  	[sflag:s30] =	ssyncset.done $0x0  }
0xac: {  	s10 =	sadd.s32 $0x1000, s5;
	s13 =	sor.u32 $0x500, s12;
	[sflag:s30] =	ssyncadd.s32 $0xFFFFFC00  }
0xad: {  	[spmem:s1] =	stream.indirect.scatter.add.f32 [tilespmem:s10], [sflag:$0x3], $0x8, s13, s0, $0xb8;
	[tilespmem:$0xF000] =	vst v63  }
0xae: {  	_ =	swait.ge [sflag:s30], $0x400  }
.Ltmp0:
0xaf: {  	s6 =	sadd.s32 $0x40, s6;
	[sflag:s30] =	ssyncset.done $0x0;
	(pc) =	sbr.rel @p0 .LBB2_2-.Ltmp0, $4  }
0xb0: {  	s5 =	sadd.s32 $0x1400, s5;
	s10 =	sor.u32 $0x580, s12;
	[sflag:s30] =	ssyncadd.s32 $0xFFFFFC00  }
0xb1: {  	[spmem:s1] =	stream.indirect.scatter.add.f32 [tilespmem:s5], [sflag:$0x3], $0x8, s10, s0, $0xb8;
	[tilespmem:$0xF000] =	vst v63  }
0xb2: {  	s9 =	sadd.s32 $0x40, s9;
	s10 =	sand.u32 $0x1, s11;
	_ =	swait.ge [sflag:s30], $0x400  }
0xb3: {  	s13 =	sxor.u32 $0x1, s10;
	s5 =	sshll.u32 s10, $0xC;
	[sflag:s30] =	ssyncset.done $0x0  }
0xb4: {  	s7 =	sshll.u32 s13, $0x9;
	[sflag:s30] =	ssyncadd.s32 $0xFFFFFC00  }
0xb5: {  	[tilespmem:s7], [sflag:$0x3] =	stream.linear.gather [hbm4b:s6+s2], $0x200, $0x38;
	[tilespmem:$0xF000] =	vst v63  }
0xb6: {  	_ =	swait.ge [sflag:s30], $0x200  }
0xb7: {  	[sflag:s30] =	ssyncset.done $0x0  }
0xb8: {  	s16 =	sor.u32 $0x400, s7;
	[sflag:s30] =	ssyncadd.s32 $0xFFFFFE00  }
0xb9: {  	[tilespmem:s16], [sflag:$0x3] =	stream.linear.gather [hbm4b:s9+s2], $0x200, $0x38;
	[tilespmem:$0xF000] =	vst v63  }
0xba: {  	_ =	swait.ge [sflag:s30], $0x200  }
0xbb: {  	s17 =	sshll.u32 s13, $0xC;
	[sflag:s30] =	ssyncset.done $0x0  }
0xbc: {  	s11 =	sadd.s32 $0x1, s13;
	s12 =	sor.u32 $0x800, s17;
	[sflag:s30] =	ssyncadd.s32 $0xFFFFFE00  }
0xbd: {  	[tilespmem:s12], [sflag:s11] =	stream.indirect.gather [hbm4b:s4+s0], $0x8, s7, s0, $0xb8;
	[tilespmem:$0xF000] =	vst v63  }
0xbe: {  	s14 =	sor.u32 $0xC00, s17;
	s12 =	sor.u32 $0x80, s7  }
0xbf: {  	[tilespmem:s14], [sflag:s11] =	stream.indirect.gather [hbm4b:s4+s0], $0x8, s12, s0, $0xb8;
	[tilespmem:$0xF000] =	vst v63  }
0xc0: {  	s15 =	sadd.s32 $0x1000, s17;
	s16 =	sor.u32 $0x100, s7  }
0xc1: {  	[tilespmem:s15], [sflag:s11] =	stream.indirect.gather [hbm4b:s4+s0], $0x8, s16, s0, $0xb8;
	[tilespmem:$0xF000] =	vst v63  }
0xc2: {  	s6 =	sadd.s32 $0x1400, s17;
	s17 =	sadd.s32 $0x1, s10;
	s7 =	sor.u32 $0x180, s7  }
0xc3: {  	[tilespmem:s6], [sflag:s11] =	stream.indirect.gather [hbm4b:s4+s0], $0x8, s7, s0, $0xb8;
	[tilespmem:$0xF000] =	vst v63  }
0xc4: {  	_ =	swait.ge [sflag:s17], $0x1000  }
0xc5: {  	s11 =	sshll.u32 s10, $0x9;
	[sflag:s17] =	ssyncset.done $0x0  }
0xc6: {  	s12 =	sor.u32 $0x800, s5;
	s13 =	sor.u32 $0x400, s11;
	[sflag:s17] =	ssyncadd.s32 $0xFFFFF000  }
0xc7: {  	[spmem:s1] =	stream.indirect.scatter.add.f32 [tilespmem:s12], [sflag:$0x3], $0x8, s13, s0, $0xb8;
	[tilespmem:$0xF000] =	vst v63  }
0xc8: {  	_ =	swait.ge [sflag:s30], $0x400  }
0xc9: {  	[sflag:s30] =	ssyncset.done $0x0  }
0xca: {  	s14 =	sor.u32 $0xC00, s5;
	s15 =	sor.u32 $0x480, s11;
	[sflag:s30] =	ssyncadd.s32 $0xFFFFFC00  }
0xcb: {  	[spmem:s1] =	stream.indirect.scatter.add.f32 [tilespmem:s14], [sflag:$0x3], $0x8, s15, s0, $0xb8;
	[tilespmem:$0xF000] =	vst v63  }
0xcc: {  	_ =	swait.ge [sflag:s30], $0x400  }
0xcd: {  	[sflag:s30] =	ssyncset.done $0x0  }
0xce: {  	s16 =	sadd.s32 $0x1000, s5;
	s17 =	sor.u32 $0x500, s11;
	[sflag:s30] =	ssyncadd.s32 $0xFFFFFC00  }
0xcf: {  	[spmem:s1] =	stream.indirect.scatter.add.f32 [tilespmem:s16], [sflag:$0x3], $0x8, s17, s0, $0xb8;
	[tilespmem:$0xF000] =	vst v63  }
0xd0: {  	_ =	swait.ge [sflag:s30], $0x400  }
0xd1: {  	[sflag:s30] =	ssyncset.done $0x0  }
0xd2: {  	s7 =	sadd.s32 $0x1400, s5;
	s6 =	sor.u32 $0x580, s11;
	[sflag:s30] =	ssyncadd.s32 $0xFFFFFC00  }
0xd3: {  	[spmem:s1] =	stream.indirect.scatter.add.f32 [tilespmem:s7], [sflag:$0x3], $0x8, s6, s0, $0xb8;
	[tilespmem:$0xF000] =	vst v63  }
0xd4: {  	_ =	swait.ge [sflag:s30], $0x400  }
0xd5: {  	[sflag:s30] =	ssyncset.done $0x0  }
0xd6: {  	[sflag:s30] =	ssyncadd.s32 $0xFFFFFC00  }
0xd7: {  	_ =	swait.ge [sflag:s31], $0x1000  }
0xd8: {  	[sflag:s31] =	ssyncset.done $0x0  }
0xd9: {  	s9 =	simm.s32 $0x600;
	s10 =	simm.s32 $0x1800;
	[sflag:s31] =	ssyncadd.s32 $0xFFFFF000  }
0xda: {  	[spmem:s1] =	stream.indirect.scatter.add.f32 [tilespmem:s10], [sflag:$0x3], $0x8, s9, s0, $0xb8;
	[tilespmem:$0xF000] =	vst v63  }
0xdb: {  	_ =	swait.ge [sflag:s30], $0x400  }
0xdc: {  	[sflag:s30] =	ssyncset.done $0x0  }
0xdd: {  	s11 =	simm.s32 $0x680;
	s12 =	simm.s32 $0x1C00;
	[sflag:s30] =	ssyncadd.s32 $0xFFFFFC00  }
0xde: {  	[spmem:s1] =	stream.indirect.scatter.add.f32 [tilespmem:s12], [sflag:$0x3], $0x8, s11, s0, $0xb8;
	[tilespmem:$0xF000] =	vst v63  }
0xdf: {  	_ =	swait.ge [sflag:s30], $0x400  }
0xe0: {  	[sflag:s30] =	ssyncset.done $0x0  }
0xe1: {  	s13 =	simm.s32 $0x700;
	s14 =	simm.s32 $0x2000;
	[sflag:s30] =	ssyncadd.s32 $0xFFFFFC00  }
0xe2: {  	[spmem:s1] =	stream.indirect.scatter.add.f32 [tilespmem:s14], [sflag:$0x3], $0x8, s13, s0, $0xb8;
	[tilespmem:$0xF000] =	vst v63  }
0xe3: {  	_ =	swait.ge [sflag:s30], $0x400  }
0xe4: {  	[sflag:s30] =	ssyncset.done $0x0  }
0xe5: {  	s15 =	simm.s32 $0x780;
	s16 =	simm.s32 $0x2400;
	[sflag:s30] =	ssyncadd.s32 $0xFFFFFC00  }
0xe6: {  	[spmem:s1] =	stream.indirect.scatter.add.f32 [tilespmem:s16], [sflag:$0x3], $0x8, s15, s0, $0xb8;
	[tilespmem:$0xF000] =	vst v63  }
0xe7: {  	_ =	swait.ge [sflag:s30], $0x400  }
0xe8: {  	[sflag:s30] =	ssyncset.done $0x0  }
0xe9: {  	[sflag:s30] =	ssyncadd.s32 $0xFFFFFC00  }
0xea: {  	[bflag:$0x0] =	sbarrier.arrive $0xFFFF  }
0xeb: {  	[tilespmem:s29], [sflag:$0x3] =	stream.linear.gather [spmem:s8], $0xC80, $0x38;
	[tilespmem:$0xF000] =	vst v63  }
0xec: {  	_ =	swait.ge [sflag:s30], $0xC80  }
0xed: {  	[sflag:s30] =	ssyncset.done $0x0  }
0xee: {  	s17 =	sadd.s32 $0x0, s24;
	[sflag:s30] =	ssyncadd.s32 $0xFFFFF380  }
0xef: {  	[hbm4b:s17+s2] =	stream.linear.scatter [tilespmem:s29], [sflag:$0x3], $0xC80, $0x38;
	[tilespmem:$0xF000] =	vst v63  }
0xf0: {  	_ =	swait.ge [sflag:s30], $0xC80  }
0xf1: {  	s5 =	simm.s32 $0x190;
	s6 =	smov.u32 s8;
	[sflag:s30] =	ssyncset.done $0x0  }
.LBB2_4:
0xf2: {  	p0 =	sne.s32 s5, $0x1770;
	[sflag:s30] =	ssyncadd.s32 $0xFFFFF380;
	s6 =	sadd.s32 $0xC80, s6  }
0xf3: {  	[tilespmem:s29], [sflag:$0x3] =	stream.linear.gather [spmem:s6], $0xC80, $0x38;
	[tilespmem:$0xF000] =	vst v63  }
0xf4: {  	s7 =	smov.u32 s5;
	s5 =	sadd.s32 $0x190, s5;
	_ =	swait.ge [sflag:s30], $0xC80  }
.Ltmp1:
0xf5: {  	[sflag:s30] =	ssyncset.done $0x0;
	(pc) =	sbr.rel @p0 .LBB2_4-.Ltmp1, $4  }
0xf6: {  	s7 =	sadd.s32 s7, s24;
	[sflag:s30] =	ssyncadd.s32 $0xFFFFF380  }
0xf7: {  	[hbm4b:s7+s2] =	stream.linear.scatter [tilespmem:s29], [sflag:$0x3], $0xC80, $0x38;
	[tilespmem:$0xF000] =	vst v63  }
0xf8: {  	_ =	swait.ge [sflag:s30], $0xC80  }
0xf9: {  	[sflag:s30] =	ssyncset.done $0x0  }
0xfa: {  	s3 =	sadd.s32 $0x1, s3;
	s5 =	rddreg [dreg:$0x6]  }
0xfb: {  	p0 =	sne.s32 s3, s5  }
.Ltmp2:
0xfc: {  	_ = 	snop;
	(pc) =	sbr.rel @p0 .LBB2_1-.Ltmp2, $2  }
0xfd: {  	_ =	sdelay $0x2  }
0xfe: {  	[sflag:s30] =	ssyncadd.s32 $0xFFFFF380  }
0xff: {  	_ =	sfence.sel $0x180000  }
0x100: {  	[bflag:$0x0] =	sbarrier.arrive $0xFFFF  }
0x101: {  	_ =	strace $0x9000004D  }
0x102: {  	s0 =	stileid.u32;
	[bflag:$0x2] =	sbarrier.arrive $0xFFFF  }
0x103: {  	p0 =	sne.s32 s0, $0x0;
	s0 =	rddreg [dreg:$0x2]  }
0x104: {  	s0 =	sadd.s32 @!p0 $0x100000, s0  }
0x105: {  	[sflag:s0] =	ssyncadd.tile.s32 @!p0 $0x1;
	_ =	shalt  }
.Lfunc_end2:
_tile_overlayer_lowered:
.L_overlay_start_2:
0x106: {  	(tag) =	ssettag $0x2  }
0x107: {  	s0 =	rddreg [dreg:$0x0];
	s2 =	stileid.u32  }
0x108: {  	s1 =	rddreg [dreg:$0x1];
	p0 =	sne.s32 s2, $0x0  }
0x109: {  	s3 =	rddreg [dreg:$0x2];
	[bflag:$0x3] =	sbarrier.arrive $0xFFFF;
	s2 =	simm.s32 @!p0 $0x1C03  }
0x10a: {  	[timem:s3], [sflag:s2] =	dma.local @!p0 [hbm:s0], s1  }
0x10b: {  	s0 =	simm.s32 @!p0 $0x3  }
0x10c: {  	_ =	swait.ge @!p0 [sflag:s0], s1  }
0x10d: {  	s1 =	ssub.s32 @!p0 $0x0, s1;
	[sflag:s0] =	ssyncset.done @!p0 $0x0  }
0x10e: {  	[sflag:s0] =	ssyncadd.s32 @!p0 s1  }
0x10f: {  	[bflag:$0x3] =	sbarrier.arrive $0xFFFF  }
0x110: {  	_ =	shalt  }

// kernel: kernel.9.cloned.1.call-start
scs
__scs_entry_jumppad:
0x0: {  	(pc) =	sbr.rel $0x88, $3  }
0x1: {  	(tag) =	ssettag $0x0;
	lr =	simm.s32 $0x1  }
0x2: {  	[smem:$0x3F9B] =	sst lr;
	_ =	strace $0xD0000000  }
0x3: {  	_ = 	snop  }
0x4: {  	_ = 	snop  }
0x5: {  	_ = 	snop  }
0x6: {  	_ = 	snop  }
0x7: {  	_ = 	snop  }
__scs_overlays_trampoline_lowered:
0x8: {  	[smem:$0x3FAA] =	sst s0  }
0x9: {  	[smem:$0x3FAB] =	sst s1  }
0xa: {  	[smem:$0x3FAC] =	sst s2  }
0xb: {  	[smem:$0x3FAD] =	sst s3  }
0xc: {  	[smem:$0x3FAE] =	sst s4  }
0xd: {  	[smem:$0x3FAF] =	sst s5  }
0xe: {  	[smem:$0x3FB0] =	sst s6  }
0xf: {  	[smem:$0x3FB1] =	sst s7  }
0x10: {  	[smem:$0x3FB2] =	sst s8  }
0x11: {  	[smem:$0x3FB3] =	sst s9;
	s0 =	simm.s32 @!p0 $0x0  }
0x12: {  	s1 =	sld [smem:$0x3F99];
	s0 =	simm.s32 @p0 $0x1  }
0x13: {  	[smem:$0x3FB4] =	sst s0;
	s0 =	simm.s32 @!p1 $0x0  }
0x14: {  	s2 =	sld [smem:$0x3F98];
	s0 =	simm.s32 @p1 $0x1  }
0x15: {  	[smem:$0x3FB5] =	sst s0;
	s0 =	simm.s32 @!p2 $0x0  }
0x16: {  	s3 =	sld [smem:$0x3FDB];
	s0 =	simm.s32 @p2 $0x1  }
0x17: {  	s4 =	simm.s32 $0x1BF5;
	[smem:$0x3FB7] =	sst s0  }
0x18: {  	s0 =	sld [smem:$0x3F9A];
	_ =	swait.ge [sflag:s4], $0x0  }
0x19: {  	s7 =	sld [smem:$0x3F9B]  }
0x1a: {  	s8 =	sadd.s32 $0xFFFFE003, lr  }
0x1b: {  	s9 =	sadd.s32 $0xFFFFFEF7, lr;
	s5 =	simm.s32 $0xFFFFFFFF;
	p2 =	slt.u32 s8, $0xFFFFF086  }
0x1c: {  	p1 =	slt.u32 s9, $0xF7A;
	s5 =	simm.s32 @!p2 $0x0  }
0x1d: {  	s5 =	simm.s32 @p1 $0x1;
	p0 =	seq.s32 s7, s2  }
0x1e: {  	s7 =	smul.u32 @!p0 $0xF7A, s2;
	p2 =	seq.s32 @!p0 s5, $0x0  }
0x1f: {  	s9 =	smul.u32 $0xF7A, s1;
	s8 =	simm.s32 @!p0 $0x1BF5;
	p2 =	por !p2, p0  }
0x20: {  	[sflag:s8] =	ssyncset.s32 @!p0 $0xFFFFF086;
	s6 =	sadd.s32 @!p0 s3, s7;
	s7 =	simm.s32 @!p0 $0x108  }
0x21: {  	s3 =	sadd.s32 s3, s9;
	s6 =	sadd.s32 @!p0 $0x88, s6;
	s7 =	simm.s32 @p2 $0x1082  }
0x22: {  	[simem:s7], [sflag:s8] =	dma.local @!p0 [hbm:s6], $0xF7A  }
0x23: {  	s9 =	sor.u32 $0xD0000000, s2;
	s6 =	simm.s32 $0x108;
	_ =	swait.ge @!p0 [sflag:s8], $0x0  }
0x24: {  	s3 =	sadd.s32 $0x88, s3;
	s6 =	simm.s32 @!p1 $0x1082;
	[sflag:s4] =	ssyncset.s32 $0xFFFFF086  }
0x25: {  	[simem:s6], [sflag:s4] =	dma.local [hbm:s3], $0xF7A  }
0x26: {  	[smem:$0x3F9B] =	sst s1;
	(tag) =	ssettag s2;
	_ =	strace s9  }
0x27: {  	s1 =	sld [smem:$0x3FAB]  }
0x28: {  	s2 =	sld [smem:$0x3FAC]  }
0x29: {  	s4 =	sld [smem:$0x3FAE]  }
0x2a: {  	p0 =	seq.s32 s5, $0x0;
	s5 =	sld [smem:$0x3FAF]  }
0x2b: {  	s6 =	sld [smem:$0x3FB0]  }
0x2c: {  	s7 =	sld [smem:$0x3FB1]  }
0x2d: {  	s3 =	simm.s32 $0x108;
	s8 =	sld [smem:$0x3FB2]  }
0x2e: {  	s3 =	simm.s32 @!p0 $0x1082;
	s9 =	sld [smem:$0x3FB3]  }
0x2f: {  	lr =	sadd.s32 s0, s3;
	s0 =	sld [smem:$0x3FAA]  }
0x30: {  	s3 =	sld [smem:$0x3FAD]  }
0x31: {  	[smem:$0x3FB6] =	sst s10  }
0x32: {  	s10 =	sld [smem:$0x3FB4];
	_ =	sdelay $0x3  }
0x33: {  	p0 =	seq.s32 s10, $0x1;
	s10 =	sld [smem:$0x3FB6];
	_ =	sdelay $0x3  }
0x34: {  	[smem:$0x3FB6] =	sst s10  }
0x35: {  	s10 =	sld [smem:$0x3FB5];
	_ =	sdelay $0x3  }
0x36: {  	p1 =	seq.s32 s10, $0x1;
	s10 =	sld [smem:$0x3FB6];
	_ =	sdelay $0x3  }
0x37: {  	[smem:$0x3FB6] =	sst s10  }
0x38: {  	s10 =	sld [smem:$0x3FB7]  }
0x39: {  	_ = 	snop;
	(pc) =	sbr.ind lr, $3  }
0x3a: {  	_ = 	snop  }
0x3b: {  	_ = 	snop  }
0x3c: {  	p2 =	seq.s32 s10, $0x1;
	s10 =	sld [smem:$0x3FB6]  }
0x3d: {  	_ =	shalt  }
0x3e: {  	_ =	shalt  }
0x3f: {  	_ =	shalt  }
0x40: {  	_ =	shalt  }
0x41: {  	_ =	shalt  }
0x42: {  	_ =	shalt  }
0x43: {  	_ =	shalt  }
0x44: {  	_ =	shalt  }
0x45: {  	_ =	shalt  }
0x46: {  	_ =	shalt  }
0x47: {  	_ =	shalt  }
0x48: {  	_ =	shalt  }
0x49: {  	_ =	shalt  }
0x4a: {  	_ =	shalt  }
0x4b: {  	_ =	shalt  }
0x4c: {  	_ =	shalt  }
0x4d: {  	_ =	shalt  }
0x4e: {  	_ =	shalt  }
0x4f: {  	_ =	shalt  }
0x50: {  	_ =	shalt  }
0x51: {  	_ =	shalt  }
0x52: {  	_ =	shalt  }
0x53: {  	_ =	shalt  }
0x54: {  	_ =	shalt  }
0x55: {  	_ =	shalt  }
0x56: {  	_ =	shalt  }
0x57: {  	_ =	shalt  }
0x58: {  	_ =	shalt  }
0x59: {  	_ =	shalt  }
0x5a: {  	_ =	shalt  }
0x5b: {  	_ =	shalt  }
0x5c: {  	_ =	shalt  }
0x5d: {  	_ =	shalt  }
0x5e: {  	_ =	shalt  }
0x5f: {  	_ =	shalt  }
0x60: {  	_ =	shalt  }
0x61: {  	_ =	shalt  }
0x62: {  	_ =	shalt  }
0x63: {  	_ =	shalt  }
0x64: {  	_ =	shalt  }
0x65: {  	_ =	shalt  }
0x66: {  	_ =	shalt  }
0x67: {  	_ =	shalt  }
0x68: {  	_ =	shalt  }
0x69: {  	_ =	shalt  }
0x6a: {  	_ =	shalt  }
0x6b: {  	_ =	shalt  }
0x6c: {  	_ =	shalt  }
0x6d: {  	_ =	shalt  }
0x6e: {  	_ =	shalt  }
0x6f: {  	_ =	shalt  }
0x70: {  	_ =	shalt  }
0x71: {  	_ =	shalt  }
0x72: {  	_ =	shalt  }
0x73: {  	_ =	shalt  }
0x74: {  	_ =	shalt  }
0x75: {  	_ =	shalt  }
0x76: {  	_ =	shalt  }
0x77: {  	_ =	shalt  }
0x78: {  	_ =	shalt  }
0x79: {  	_ =	shalt  }
0x7a: {  	_ =	shalt  }
0x7b: {  	_ =	shalt  }
0x7c: {  	_ =	shalt  }
0x7d: {  	_ =	shalt  }
0x7e: {  	_ =	shalt  }
0x7f: {  	_ =	shalt  }
0x80: {  	_ =	shalt  }
0x81: {  	_ =	shalt  }
0x82: {  	_ =	shalt  }
0x83: {  	_ =	shalt  }
0x84: {  	_ =	shalt  }
0x85: {  	_ =	shalt  }
0x86: {  	_ =	shalt  }
0x87: {  	_ =	shalt  }
.Lfunc_end0:
.L_simem_size_0:
called_computation_lowered:
.L_overlay_start_0:
0x88: {  	s2 =	sld [smem:$0x3FD9]  }
0x89: {  	s3 =	sld [smem:$0x3FFE];
	_ =	sdelay $0x1  }
0x8a: {  	s1 =	srdreg.scid  }
0x8b: {  	s0 =	sand.u32 $0x1, s1  }
0x8c: {  	s17 =	sshll.u32 s0, $0xA;
	s2 =	sadd.s32 s3, s2  }
0x8d: {  	s2 =	sadd.s32 s2, s17  }
0x8e: {  	[smem:$0x3FC2] =	sst s2  }
0x8f: {  	_ = 	snop  }
0x90: {  	s2 =	sld [smem:$0x3FD0];
	(tm) =	ssettm $0x1  }
0x91: {  	s18 =	sld [smem:$0x3FFB];
	_ =	sdelay $0x3  }
0x92: {  	_ =	strace s18  }
0x93: {  	s3 =	sld [smem:$0x3FFC];
	_ =	sdelay $0x3  }
0x94: {  	_ =	strace s3  }
0x95: {  	s3 =	sld [smem:$0x3FFD];
	_ =	sdelay $0x3  }
0x96: {  	_ =	strace s3  }
0x97: {  	_ =	strace $0x8FFFFFFF  }
0x98: {  	s19 =	sld [smem:$0x3FDB];
	_ =	sdelay $0x1  }
0x99: {  	s4 =	simm.s32 $_scs_section_size  }
0x9a: {  	s5 =	simm.s32 $_size__tile_overlayer_lowered;
	s6 =	simm.s32 $_tile_overlayer_lowered  }
0x9b: {  	s22 =	simm.s32 $0x1BFF;
	s21 =	sshll.u32 s6, $0x1;
	s3 =	sadd.s32 s4, s19  }
0x9c: {  	s7 =	simm.s32 $0x0;
	s20 =	sshll.u32 s5, $0x1;
	s5 =	sadd.s32 s21, s3  }
0x9d: {  	[timem:s7], [sflag:s22] =	dma.local [hbm:s5], s20  }
0x9e: {  	_ =	swait.ge [sflag:s22], s20  }
0x9f: {  	s4 =	ssub.s32 $0x0, s20;
	[sflag:s22] =	ssyncset.done $0x0  }
0xa0: {  	[sflag:s22] =	ssyncadd.s32 s4;
	_ =	sdelay $0x1  }
0xa1: {  	s23 =	simm.s32 $0x1B8B  }
0xa2: {  	_ =	swait.ge [sflag:s23], $0x1  }
0xa3: {  	[sflag:s23] =	ssyncset.done $0x0  }
0xa4: {  	s25 =	simm.s32 $0x1B8E;
	s24 =	sld [smem:$0x3FFE];
	[sflag:s23] =	ssyncadd.s32 $0xFFFFFFFF  }
0xa5: {  	s26 =	simm.s32 $execute0_lowered;
	[smem:$0x3FD2] =	sst s25  }
0xa6: {  	s5 =	sshll.u32 s26, $0x1;
	_ =	strace $0x80000046;
	[dreg:$0x1] =	wrdreg $0xFFFFFFFF  }
0xa7: {  	s28 =	simm.s32 $_size_execute0_lowered;
	s3 =	sadd.s32 s3, s5;
	[dreg:$0x0] =	wrdreg $0x0  }
0xa8: {  	s5 =	sshll.u32 s28, $0x1;
	[dreg:$0x2] =	wrdreg s3  }
0xa9: {  	[dreg:$0x3] =	wrdreg s5  }
0xaa: {  	[dreg:$0x4] =	wrdreg $0xC0  }
0xab: {  	_ =	task [dreg:s7], $0x5FFFF  }
0xac: {  	[dreg:$0x1] =	wrdreg $0xFFFFFFFF  }
0xad: {  	[dreg:$0x0] =	wrdreg $0x60  }
0xae: {  	[dreg:$0x2] =	wrdreg s24  }
0xaf: {  	[dreg:$0x3] =	wrdreg s2  }
0xb0: {  	[dreg:$0x4] =	wrdreg $0xF000  }
0xb1: {  	[dreg:$0x5] =	wrdreg $0x9  }
0xb2: {  	_ =	task.clear_ibuf [dreg:s7], $0x6FFFF;
	_ =	strace $0x90000046  }
0xb3: {  	s29 =	simm.s32 $0x9;
	_ =	strace $0x80000048  }
0xb4: {  	_ =	swait.ge [sflag:s29], $0x1  }
0xb5: {  	[sflag:s29] =	ssyncadd.s32 $0xFFFFFFFF  }
0xb6: {  	_ =	strace $0x90000048  }
0xb7: {  	_ =	sfence  }
0xb8: {  	s30 =	sld [smem:$0x0];
	_ =	sdelay $0x2  }
0xb9: {  	s31 =	sshll.u32 s1, $0xD;
	s1 =	sshrl.u32 s1, $0x2  }
0xba: {  	s3 =	sand.u32 $0x4000, s31;
	s1 =	sadd.s32 s1, s30  }
0xbb: {  	s0 =	sor.u32 s3, s0;
	s1 =	sshll.u32 s1, $0x11  }
0xbc: {  	s0 =	sor.u32 s1, s0  }
0xbd: {  	s0 =	sadd.s32 $0x8F2B, s0  }
0xbe: {  	[sflag:s0] =	ssyncadd.remote.s32 $0x1  }
0xbf: {  	_ =	sfence.sel $0xFFFF  }
0xc0: {  	[dreg:$0x0] =	wrdreg $0xFFFFFFFF;
	(pc) =	sbr.abs _section_cstart, $3  }
0xc1: {  	[dreg:$0x1] =	wrdreg $0xFFFFFFFF  }
0xc2: {  	_ =	task.clear_ibuf [dreg:s7], $0x2FFFF;
	_ =	strace $0x9FFFFFFF  }
0xc3: {  	(tm) =	ssettm $0x7FFFFFFF  }
tec
execute0_lowered:
.L_overlay_start_1:
0x0: {  	(tag) =	ssettag $0x1  }
0x1: {  	s6 =	rddreg [dreg:$0x0]  }
0x2: {  	s1 =	rddreg [dreg:$0x1]  }
0x3: {  	s3 =	rddreg [dreg:$0x2]  }
0x4: {  	s0 =	srdreg.scid;
	s2 =	rddreg [dreg:$0x3];
	s4 =	simm.s32 $0x0  }
0x5: {  	s14 =	simm.s32 $0x2;
	s15 =	simm.s32 $0x280;
	s5 =	sand.u32 $0x1, s0  }
0x6: {  	s16 =	simm.s32 $0x80;
	s0 =	stileid.u32;
	s7 =	smul.u32 $0xC30, s5  }
0x7: {  	s17 =	simm.s32 $0x100;
	s18 =	simm.s32 $0x180;
	s9 =	smul.u32 $0xC3, s0  }
0x8: {  	s19 =	simm.s32 $0x1;
	[smem:$0x7FF] =	sst s4;
	s28 =	smul.u32 $0x3200, s5  }
0x9: {  	s8 =	sshll.u32 s5, $0x4;
	_ =	strace $0x80000047;
	s11 =	smul.u32 $0x6400, s0  }
0xa: {  	s10 =	ssub.s32 $0x2, s5;
	s5 =	sadd.s32 $0x65000, s6;
	s31 =	smul.u32 $0x1900, s0  }
0xb: {  	s8 =	sor.u32 s0, s8;
	s29 =	sshrl.u32 s10, $0x1;
	s7 =	sadd.s32 s9, s7  }
0xc: {  	s26 =	smin.u32 s8, $0xA;
	s9 =	sadd.s32 s28, s6;
	s10 =	ssub.s32 s10, s29  }
0xd: {  	s30 =	sshrl.u32 s11, $0x2;
	p0 =	slt.u32 s8, $0xA;
	s8 =	sadd.s32 s31, s3  }
0xe: {  	s13 =	sadd.s32 $0xC80, s31;
	s20 =	sshrl.u32 s31, $0x3;
	s7 =	sadd.s32 s26, s7  }
0xf: {  	s21 =	sadd.s32 $0x65200, s9;
	s9 =	smax.u32 s10, $0x1;
	s11 =	sadd.s32 s13, s3  }
0x10: {  	s22 =	sshrl.u32 s13, $0x3;
	s13 =	simm.s32 $0x200;
	s7 =	sshll.u32 s7, $0x6  }
0x11: {  	s20 =	sadd.s32 s20, s21;
	s21 =	sadd.s32 s22, s21;
	s22 =	simm.s32 $0x0  }
0x12: {  	s12 =	sadd.s32 s7, s6;
	s6 =	simm.s32 $0xC4;
	s7 =	sadd.s32 s30, s3  }
0x13: {  	s6 =	simm.s32 @!p0 $0xC3;
	s10 =	sadd.s32 $0xC80, s7;
	s12 =	sadd.s32 $0x3400, s12  }
.LBB2_1:
0x14: {  	[tilespmem:s13], [sflag:$0x2] =	stream.linear.gather [hbm4b:s1+s4], $0x80, $0x38;
	[tilespmem:$0x2800] =	vst v63  }
0x15: {  	_ =	swait.ge [sflag:s14], $0x80  }
0x16: {  	[sflag:s14] =	ssyncset.done $0x0  }
0x17: {  	[sflag:s14] =	ssyncadd.s32 $0xFFFFFF80  }
0x18: {  	[tilespmem:s15], [sflag:$0x2] =	stream.linear.gather [hbm4b:s5+s4], $0xC80, $0x38;
	[tilespmem:$0x2800] =	vst v63  }
0x19: {  	_ =	swait.ge [sflag:s14], $0xC80  }
0x1a: {  	[sflag:s14] =	ssyncset.done $0x0  }
0x1b: {  	[sflag:s14] =	ssyncadd.s32 $0xFFFFF380  }
0x1c: {  	[spmem:s7] =	stream.linear.scatter [tilespmem:s15], [sflag:$0x2], $0xC80, $0x38;
	[tilespmem:$0x2800] =	vst v63  }
0x1d: {  	_ =	swait.ge [sflag:s14], $0xC80  }
0x1e: {  	[sflag:s14] =	ssyncset.done $0x0  }
0x1f: {  	[sflag:s14] =	ssyncadd.s32 $0xFFFFF380  }
0x20: {  	[spmem:s10] =	stream.linear.scatter [tilespmem:s15], [sflag:$0x2], $0xC80, $0x38;
	[tilespmem:$0x2800] =	vst v63  }
0x21: {  	_ =	swait.ge [sflag:s14], $0xC80  }
0x22: {  	[sflag:s14] =	ssyncset.done $0x0  }
0x23: {  	[sflag:s14] =	ssyncadd.s32 $0xFFFFF380  }
0x24: {  	[bflag:$0x0] =	sbarrier.arrive $0xFFFF  }
0x25: {  	[tilespmem:s4], [sflag:$0x2] =	stream.linear.gather [hbm4b:s12+s4], $0x200, $0x38;
	[tilespmem:$0x2800] =	vst v63  }
0x26: {  	_ =	swait.ge [sflag:s14], $0x200  }
0x27: {  	[sflag:s14] =	ssyncset.done $0x0  }
0x28: {  	[sflag:s14] =	ssyncadd.s32 $0xFFFFFE00  }
0x29: {  	[spmem:s3] =	stream.indirect.scatter.add.f32 [tilespmem:s13], [sflag:$0x1], $0x1, s4, s16, $0xb8;
	[tilespmem:$0x2800] =	vst v63  }
0x2a: {  	_ = 	snop  }
0x2b: {  	[spmem:s3] =	stream.indirect.scatter.add.f32 [tilespmem:s13], [sflag:$0x1], $0x1, s16, s16, $0xb8;
	[tilespmem:$0x2800] =	vst v63  }
0x2c: {  	_ = 	snop  }
0x2d: {  	[spmem:s3] =	stream.indirect.scatter.add.f32 [tilespmem:s13], [sflag:$0x1], $0x1, s17, s16, $0xb8;
	[tilespmem:$0x2800] =	vst v63  }
0x2e: {  	_ = 	snop  }
0x2f: {  	[spmem:s3] =	stream.indirect.scatter.add.f32 [tilespmem:s13], [sflag:$0x1], $0x1, s18, s16, $0xb8;
	[tilespmem:$0x2800] =	vst v63  }
0x30: {  	_ =	swait.ge [sflag:s19], $0x80  }
0x31: {  	[sflag:s19] =	ssyncset.done $0x0  }
0x32: {  	[sflag:s19] =	ssyncadd.s32 $0xFFFFFF80  }
0x33: {  	_ =	swait.ge [sflag:s19], $0x80  }
0x34: {  	[sflag:s19] =	ssyncset.done $0x0  }
0x35: {  	p0 =	sne.s32 s6, $0x1;
	[sflag:s19] =	ssyncadd.s32 $0xFFFFFF80  }
.Ltmp0:
0x36: {  	_ =	swait.ge [sflag:s19], $0x80;
	(pc) =	sbr.rel @!p0 .LBB2_3-.Ltmp0, $4  }
0x37: {  	[sflag:s19] =	ssyncset.done $0x0  }
0x38: {  	[sflag:s19] =	ssyncadd.s32 $0xFFFFFF80  }
0x39: {  	_ =	swait.ge [sflag:s19], $0x80  }
0x3a: {  	s23 =	sadd.s32 $0xFFFFFFFF, s6;
	s24 =	smov.u32 s12;
	[sflag:s19] =	ssyncset.done $0x0  }
.LBB2_2:
0x3b: {  	p0 =	sne.s32 s23, $0x1;
	[sflag:s19] =	ssyncadd.s32 $0xFFFFFF80;
	s24 =	sadd.s32 $0x40, s24  }
0x3c: {  	[tilespmem:s4], [sflag:$0x2] =	stream.linear.gather [hbm4b:s24+s4], $0x200, $0x38;
	[tilespmem:$0x2800] =	vst v63  }
0x3d: {  	s23 =	sadd.s32 $0xFFFFFFFF, s23;
	_ =	swait.ge [sflag:s14], $0x200  }
0x3e: {  	[sflag:s14] =	ssyncset.done $0x0  }
0x3f: {  	[sflag:s14] =	ssyncadd.s32 $0xFFFFFE00  }
0x40: {  	[spmem:s3] =	stream.indirect.scatter.add.f32 [tilespmem:s13], [sflag:$0x1], $0x1, s4, s16, $0xb8;
	[tilespmem:$0x2800] =	vst v63  }
0x41: {  	_ = 	snop  }
0x42: {  	[spmem:s3] =	stream.indirect.scatter.add.f32 [tilespmem:s13], [sflag:$0x1], $0x1, s16, s16, $0xb8;
	[tilespmem:$0x2800] =	vst v63  }
0x43: {  	_ = 	snop  }
0x44: {  	[spmem:s3] =	stream.indirect.scatter.add.f32 [tilespmem:s13], [sflag:$0x1], $0x1, s17, s16, $0xb8;
	[tilespmem:$0x2800] =	vst v63  }
0x45: {  	_ = 	snop  }
0x46: {  	[spmem:s3] =	stream.indirect.scatter.add.f32 [tilespmem:s13], [sflag:$0x1], $0x1, s18, s16, $0xb8;
	[tilespmem:$0x2800] =	vst v63  }
0x47: {  	_ =	swait.ge [sflag:s19], $0x80  }
0x48: {  	[sflag:s19] =	ssyncset.done $0x0  }
0x49: {  	[sflag:s19] =	ssyncadd.s32 $0xFFFFFF80  }
0x4a: {  	_ =	swait.ge [sflag:s19], $0x80  }
0x4b: {  	[sflag:s19] =	ssyncset.done $0x0  }
0x4c: {  	[sflag:s19] =	ssyncadd.s32 $0xFFFFFF80  }
.Ltmp1:
0x4d: {  	_ =	swait.ge [sflag:s19], $0x80;
	(pc) =	sbr.rel @p0 .LBB2_2-.Ltmp1, $4  }
0x4e: {  	[sflag:s19] =	ssyncset.done $0x0  }
0x4f: {  	[sflag:s19] =	ssyncadd.s32 $0xFFFFFF80  }
0x50: {  	_ =	swait.ge [sflag:s19], $0x80  }
0x51: {  	[sflag:s19] =	ssyncset.done $0x0  }
.LBB2_3:
0x52: {  	[sflag:s19] =	ssyncadd.s32 $0xFFFFFF80  }
0x53: {  	[bflag:$0x0] =	sbarrier.arrive $0xFFFF  }
0x54: {  	[tilespmem:s15], [sflag:$0x2] =	stream.linear.gather [spmem:s8], $0xC80, $0x38;
	[tilespmem:$0x2800] =	vst v63  }
0x55: {  	_ =	swait.ge [sflag:s14], $0xC80  }
0x56: {  	[sflag:s14] =	ssyncset.done $0x0  }
0x57: {  	[sflag:s14] =	ssyncadd.s32 $0xFFFFF380  }
0x58: {  	[hbm4b:s20+s4] =	stream.linear.scatter [tilespmem:s15], [sflag:$0x2], $0xC80, $0x38;
	[tilespmem:$0x2800] =	vst v63  }
0x59: {  	_ =	swait.ge [sflag:s14], $0xC80  }
0x5a: {  	[sflag:s14] =	ssyncset.done $0x0  }
0x5b: {  	[sflag:s14] =	ssyncadd.s32 $0xFFFFF380  }
0x5c: {  	[tilespmem:s15], [sflag:$0x2] =	stream.linear.gather [spmem:s11], $0xC80, $0x38;
	[tilespmem:$0x2800] =	vst v63  }
0x5d: {  	s22 =	sadd.s32 $0x1, s22;
	_ =	swait.ge [sflag:s14], $0xC80  }
0x5e: {  	p0 =	sne.s32 s22, s9;
	[sflag:s14] =	ssyncset.done $0x0  }
.Ltmp2:
0x5f: {  	[sflag:s14] =	ssyncadd.s32 $0xFFFFF380;
	(pc) =	sbr.rel @p0 .LBB2_1-.Ltmp2, $4  }
0x60: {  	[hbm4b:s21+s4] =	stream.linear.scatter [tilespmem:s15], [sflag:$0x2], $0xC80, $0x38;
	[tilespmem:$0x2800] =	vst v63  }
0x61: {  	_ =	swait.ge [sflag:s14], $0xC80  }
0x62: {  	[sflag:s14] =	ssyncset.done $0x0  }
0x63: {  	[sflag:s14] =	ssyncadd.s32 $0xFFFFF380  }
0x64: {  	_ =	sfence.sel $0x180000  }
0x65: {  	[bflag:$0x0] =	sbarrier.arrive $0xFFFF  }
0x66: {  	p0 =	sne.s32 s0, $0x0;
	_ =	strace $0x90000047  }
0x67: {  	s0 =	sadd.s32 @!p0 $0x100000, s2;
	[bflag:$0x2] =	sbarrier.arrive $0xFFFF  }
0x68: {  	[sflag:s0] =	ssyncadd.tile.s32 @!p0 $0x1;
	_ =	shalt  }
.Lfunc_end2:
_tile_overlayer_lowered:
.L_overlay_start_2:
0x69: {  	(tag) =	ssettag $0x2  }
0x6a: {  	s0 =	rddreg [dreg:$0x0];
	s2 =	stileid.u32  }
0x6b: {  	s1 =	rddreg [dreg:$0x1];
	p0 =	sne.s32 s2, $0x0  }
0x6c: {  	s3 =	rddreg [dreg:$0x2];
	[bflag:$0x3] =	sbarrier.arrive $0xFFFF;
	s2 =	simm.s32 @!p0 $0x1C02  }
0x6d: {  	[timem:s3], [sflag:s2] =	dma.local @!p0 [hbm:s0], s1  }
0x6e: {  	s0 =	simm.s32 @!p0 $0x2  }
0x6f: {  	_ =	swait.ge @!p0 [sflag:s0], s1  }
0x70: {  	s1 =	ssub.s32 @!p0 $0x0, s1;
	[sflag:s0] =	ssyncset.done @!p0 $0x0  }
0x71: {  	[sflag:s0] =	ssyncadd.s32 @!p0 s1  }
0x72: {  	[bflag:$0x3] =	sbarrier.arrive $0xFFFF  }
0x73: {  	_ =	shalt  }

</sc_bundles>
